<compile_context>
chip_gen: v7x
topology: tpu7x:2x2x1
jax: 0.10.2.dev20260603
libtpu: 0.0.44.dev20260713+nightly
codegen_flags: <defaults>
</compile_context>

<pallas_src>
import functools

import jax
import jax.numpy as jnp
from jax import lax
from jax.experimental import pallas as pl
from jax.experimental.pallas import tpu as pltpu
from jax.experimental.pallas import tpu_sc as plsc

_N = 10000
_E = 160000
_D = 256
_R = 8
_NB = 4
_H = 128

_BLK = 400
_NBLK = _N // _BLK

_CH = 80
_EPT = _E // 16
_NIT = _EPT // _CH
_ZR = 80
_RPT = 640


def _project_body(h_ref, bases_ref, comp_ref, wself_ref, bias_ref,
                  xr_ref, self_ref):
    h = h_ref[...]
    dn = (((1,), (0,)), ((), ()))
    xb = [lax.dot_general(h, bases_ref[b], dn,
                          preferred_element_type=jnp.float32)
          for b in range(_NB)]
    self_ref[...] = (lax.dot_general(h, wself_ref[...], dn,
                                     preferred_element_type=jnp.float32)
                     + bias_ref[...])
    for r in range(_R):
        xr = xb[0] * comp_ref[r, 0]
        for b in range(1, _NB):
            xr = xr + xb[b] * comp_ref[r, b]
        xr_ref[0, r] = xr[:, :_H]
        xr_ref[1, r] = xr[:, _H:]


_project = pl.pallas_call(
    _project_body,
    grid=(_NBLK,),
    in_specs=[
        pl.BlockSpec((_BLK, _D), lambda i: (i, 0)),
        pl.BlockSpec((_NB, _D, _D), lambda i: (0, 0, 0)),
        pl.BlockSpec((_R, _NB), lambda i: (0, 0)),
        pl.BlockSpec((_D, _D), lambda i: (0, 0)),
        pl.BlockSpec((1, _D), lambda i: (0, 0)),
    ],
    out_specs=[
        pl.BlockSpec((2, _R, _BLK, _H), lambda i: (0, 0, i, 0)),
        pl.BlockSpec((_BLK, _D), lambda i: (i, 0)),
    ],
    out_shape=[
        jax.ShapeDtypeStruct((2, _R, _N, _H), jnp.float32),
        jax.ShapeDtypeStruct((_N, _D), jnp.float32),
    ],
)


def _combine_body(agg_ref, self_ref, h_ref, out_ref):
    a = jnp.concatenate([agg_ref[0], agg_ref[1]], axis=1)
    out_ref[...] = jnp.maximum(a + self_ref[...], 0.0) + h_ref[...]


_combine = pl.pallas_call(
    _combine_body,
    grid=(_NBLK,),
    in_specs=[
        pl.BlockSpec((2, _BLK, _H), lambda i: (0, i, 0)),
        pl.BlockSpec((_BLK, _D), lambda i: (i, 0)),
        pl.BlockSpec((_BLK, _D), lambda i: (i, 0)),
    ],
    out_specs=pl.BlockSpec((_BLK, _D), lambda i: (i, 0)),
    out_shape=jax.ShapeDtypeStruct((_N, _D), jnp.float32),
)


_sc_mesh = plsc.VectorSubcoreMesh(core_axis_name="c", subcore_axis_name="s")


@functools.partial(
    pl.kernel,
    mesh=_sc_mesh,
    out_type=jax.ShapeDtypeStruct((2 * _N, _H), jnp.float32),
    scratch_types=[
        pltpu.VMEM((_CH,), jnp.int32),
        pltpu.VMEM((_CH,), jnp.int32),
        pltpu.VMEM((_CH, _H), jnp.float32),
        pltpu.VMEM((_ZR, _H), jnp.float32),
        pltpu.VMEM_SHARED((_N, _H), jnp.float32),
        pltpu.SemaphoreType.DMA,
    ],
)
def _sc_aggregate(xr_hbm, gidx_hbm, dst_hbm, zeros_hbm, out_hbm,
                  idx_v, dst_v, rows_v, zbuf, acc, sem):
    c = lax.axis_index("c")
    s = lax.axis_index("s")

    pltpu.sync_copy(zeros_hbm, zbuf)
    for j in range(_RPT // _ZR):
        r0 = s * _RPT + j * _ZR

        @pl.when(r0 < _N)
        def _():
            pltpu.sync_copy(zbuf, acc.at[pl.ds(r0, _ZR)])

    plsc.subcore_barrier()

    def body(i, carry):
        base = s * _EPT + i * _CH
        pltpu.sync_copy(gidx_hbm.at[pl.ds(c * _E + base, _CH)], idx_v)
        pltpu.sync_copy(dst_hbm.at[pl.ds(base, _CH)], dst_v)
        pltpu.async_copy(xr_hbm.at[idx_v], rows_v, sem).wait()
        pltpu.sync_copy(rows_v, acc.at[dst_v], add=True)
        return carry

    lax.fori_loop(0, _NIT, body, 0)
    plsc.subcore_barrier()

    for j in range(_RPT // _ZR):
        r0 = s * _RPT + j * _ZR

        @pl.when(r0 < _N)
        def _():
            pltpu.sync_copy(acc.at[pl.ds(r0, _ZR)], zbuf)
            pltpu.sync_copy(zbuf, out_hbm.at[pl.ds(c * _N + r0, _ZR)])


def kernel(feat, edge_index, etype, bases0, comp0, wself0, bias0,
           bases1, comp1, wself1, bias1, bases2, comp2, wself2, bias2):
    src = edge_index[0]
    dst = edge_index[1]
    g = etype * _N + src
    gidx = jnp.concatenate([g, g + _R * _N])
    zeros_rows = jnp.zeros((_ZR, _H), jnp.float32)

    h = feat
    for bases, comp, wself, bias in ((bases0, comp0, wself0, bias0),
                                     (bases1, comp1, wself1, bias1),
                                     (bases2, comp2, wself2, bias2)):
        xr, selfo = _project(h, bases, comp, wself, bias.reshape(1, _D))
        agg = _sc_aggregate(xr.reshape(2 * _R * _N, _H), gidx, dst,
                            zeros_rows)
        h = _combine(agg.reshape(2, _N, _H), selfo, h)
    return h

# --- scband reference (transcript-rebuilt; emitter-appended) ---
"""Pipeline reference for scband-rgcn-83038897701146 (READ-ONLY COPY).

The authoritative reference and input builder live on the scoring server;
editing this copy changes nothing except your own understanding.
"""

import jax, jax.numpy as jnp
import numpy as np

N = 10000
E = 160000
D = 256
R = 8
NB = 4
L = 3


def setup_inputs(seed: int = 0) -> dict:
    key = jax.random.key(seed)
    ks = jax.random.split(key, 4 + 4 * L)
    inp = {}
    inp["feat"] = jax.random.normal(ks[0], (N, D), dtype=jnp.float32)
    inp["edge_index"] = jax.random.randint(ks[1], (2, E), 0, N, dtype=jnp.int32)
    inp["etype"] = jax.random.randint(ks[2], (E,), 0, R, dtype=jnp.int32)
    i = 3
    for l in range(L):
        inp[f"bases{l}"] = jax.random.normal(ks[i], (NB, D, D), dtype=jnp.float32) * (2.0 / D) ** 0.5
        inp[f"comp{l}"] = jax.random.normal(ks[i + 1], (R, NB), dtype=jnp.float32) * (1.0 / NB) ** 0.5
        inp[f"wself{l}"] = jax.random.normal(ks[i + 2], (D, D), dtype=jnp.float32) * (2.0 / D) ** 0.5
        inp[f"bias{l}"] = jnp.zeros((D,), dtype=jnp.float32)
        i += 4
    return inp


def _relgraphconv(h, src, dst, etype, bases, comp, wself, bias):
    # basis regularizer: W_r = sum_b comp[r,b] * bases[b]
    W = jnp.einsum('rb,bio->rio', comp, bases)          # [R, D, D]
    # message m_e = h[src_e] @ W[etype_e]; computed as per-relation node projections
    xr = jnp.einsum('ni,rio->rno', h, W)                # [R, N, D]
    msg = xr[etype, src]                                # [E, D] gather
    agg = jnp.zeros((h.shape[0], W.shape[-1]), dtype=h.dtype).at[dst].add(msg)  # scatter-add (sum aggregation)
    # DGL RelGraphConv default: self_loop=True, bias=True, no internal activation
    return agg + h @ wself + bias


def reference(feat, edge_index, etype, bases0, comp0, wself0, bias0,
              bases1, comp1, wself1, bias1, bases2, comp2, wself2, bias2):
    src = edge_index[0]
    dst = edge_index[1]
    params = [(bases0, comp0, wself0, bias0),
              (bases1, comp1, wself1, bias1),
              (bases2, comp2, wself2, bias2)]
    h_prev = feat
    for (bases, comp, wself, bias) in params:
        h = _relgraphconv(h_prev, src, dst, etype, bases, comp, wself, bias)
        h = jax.nn.relu(h) + h_prev
        h_prev = h
    return h_prev

if __name__ == "__main__":
    import jax
    _d = setup_inputs()
    print(jax.jit(kernel)(*tuple(_d.values())))

</pallas_src>

<mosaic_0001>
#map = affine_map<(d0, d1) -> (0, 0)>
#map1 = affine_map<(d0, d1) -> (0)>
module attributes {stable_mosaic.version = 14 : i64} {
  func.func @_sc_aggregate(%arg0: i32, %arg1: i32, %arg2: memref<160000x128xf32, #tpu.memory_space<hbm>>, %arg3: memref<320000xi32, #tpu.memory_space<hbm>>, %arg4: memref<160000xi32, #tpu.memory_space<hbm>>, %arg5: memref<80x128xf32, #tpu.memory_space<hbm>>, %arg6: memref<20000x128xf32, #tpu.memory_space<hbm>>, %arg7: memref<80xi32, #tpu.memory_space<vmem>>, %arg8: memref<80xi32, #tpu.memory_space<vmem>>, %arg9: memref<80x128xf32, #tpu.memory_space<vmem>>, %arg10: memref<80x128xf32, #tpu.memory_space<vmem>>, %arg11: memref<10000x128xf32, #tpu.memory_space<vmem_shared>>, %arg12: memref<!tpu.dma_semaphore, #tpu.memory_space<semaphore_mem>>) attributes {dimension_semantics = [#tpu.dimension_semantics<core_parallel>, #tpu.dimension_semantics<subcore_parallel>], iteration_bounds = array<i64: 2, 16>, scalar_prefetch = 0 : i64, scratch_operands = 6 : i64, tpu.core_type = #tpu.core_type<sc_vector_subcore>, window_params = [{transform_indices = #map}, {transform_indices = #map1}, {transform_indices = #map1}, {transform_indices = #map}, {transform_indices = #map}]} {
    "tpu.region"() ({
      %run_scoped3A = tpu.sem_alloc : memref<!tpu.dma_semaphore, #tpu.memory_space<semaphore_mem>>
      tpu.enqueue_dma source(%arg5 : memref<80x128xf32, #tpu.memory_space<hbm>>) target(%arg10 : memref<80x128xf32, #tpu.memory_space<vmem>>) target_semaphore(%run_scoped3A : memref<!tpu.dma_semaphore, #tpu.memory_space<semaphore_mem>>)
      tpu.wait_dma2 semaphore(%run_scoped3A : memref<!tpu.dma_semaphore, #tpu.memory_space<semaphore_mem>>) src(%arg5 : memref<80x128xf32, #tpu.memory_space<hbm>>) dst(%arg10 : memref<80x128xf32, #tpu.memory_space<vmem>>)
      tpu.yield
    }) : () -> ()
    %mul3A = arith.constant 640 : i32
    %mul3A_0 = arith.muli %arg1, %mul3A : i32
    %add3A = arith.constant 0 : i32
    %add3A_1 = arith.addi %mul3A_0, %add3A : i32
    %lt3A = arith.constant 10000 : i32
    %lt3A_2 = arith.cmpi slt, %add3A_1, %lt3A : i32
    %convert_element_type3A = arith.extui %lt3A_2 : i1 to i32
    %cond3A = arith.constant 0 : i32
    %cond3A_3 = arith.cmpi ne, %convert_element_type3A, %cond3A : i32
    scf.if %cond3A_3 {
      "tpu.region"() ({
        %run_scoped3A = tpu.sem_alloc : memref<!tpu.dma_semaphore, #tpu.memory_space<semaphore_mem>>
        %dma_start3A = arith.constant 0 : i32
        %dma_start3A_145 = tpu.memref_slice %arg11[%add3A_1, %dma_start3A] : memref<10000x128xf32, #tpu.memory_space<vmem_shared>> -> memref<80x128xf32, #tpu.memory_space<vmem_shared>>
        %dma_start3A_146 = arith.constant 0 : i32
        %dma_start3A_147 = tpu.memref_slice %arg11[%add3A_1, %dma_start3A_146] : memref<10000x128xf32, #tpu.memory_space<vmem_shared>> -> memref<80x128xf32, #tpu.memory_space<vmem_shared>>
        tpu.enqueue_dma source(%arg10 : memref<80x128xf32, #tpu.memory_space<vmem>>) target(%dma_start3A_147 : memref<80x128xf32, #tpu.memory_space<vmem_shared>>) target_semaphore(%run_scoped3A : memref<!tpu.dma_semaphore, #tpu.memory_space<semaphore_mem>>)
        %dma_wait3A = arith.constant 0 : i32
        %dma_wait3A_148 = tpu.memref_slice %arg11[%add3A_1, %dma_wait3A] : memref<10000x128xf32, #tpu.memory_space<vmem_shared>> -> memref<80x128xf32, #tpu.memory_space<vmem_shared>>
        %dma_wait3A_149 = arith.constant 0 : i32
        %dma_wait3A_150 = tpu.memref_slice %arg11[%add3A_1, %dma_wait3A_149] : memref<10000x128xf32, #tpu.memory_space<vmem_shared>> -> memref<80x128xf32, #tpu.memory_space<vmem_shared>>
        tpu.wait_dma2 semaphore(%run_scoped3A : memref<!tpu.dma_semaphore, #tpu.memory_space<semaphore_mem>>) src(%arg10 : memref<80x128xf32, #tpu.memory_space<vmem>>) dst(%dma_wait3A_150 : memref<80x128xf32, #tpu.memory_space<vmem_shared>>)
        tpu.yield
      }) : () -> ()
    } else {
    }
    %mul3A_4 = arith.constant 640 : i32
    %mul3A_5 = arith.muli %arg1, %mul3A_4 : i32
    %add3A_6 = arith.constant 80 : i32
    %add3A_7 = arith.addi %mul3A_5, %add3A_6 : i32
    %lt3A_8 = arith.constant 10000 : i32
    %lt3A_9 = arith.cmpi slt, %add3A_7, %lt3A_8 : i32
    %convert_element_type3A_10 = arith.extui %lt3A_9 : i1 to i32
    %cond3A_11 = arith.constant 0 : i32
    %cond3A_12 = arith.cmpi ne, %convert_element_type3A_10, %cond3A_11 : i32
    scf.if %cond3A_12 {
      "tpu.region"() ({
        %run_scoped3A = tpu.sem_alloc : memref<!tpu.dma_semaphore, #tpu.memory_space<semaphore_mem>>
        %dma_start3A = arith.constant 0 : i32
        %dma_start3A_145 = tpu.memref_slice %arg11[%add3A_7, %dma_start3A] : memref<10000x128xf32, #tpu.memory_space<vmem_shared>> -> memref<80x128xf32, #tpu.memory_space<vmem_shared>>
        %dma_start3A_146 = arith.constant 0 : i32
        %dma_start3A_147 = tpu.memref_slice %arg11[%add3A_7, %dma_start3A_146] : memref<10000x128xf32, #tpu.memory_space<vmem_shared>> -> memref<80x128xf32, #tpu.memory_space<vmem_shared>>
        tpu.enqueue_dma source(%arg10 : memref<80x128xf32, #tpu.memory_space<vmem>>) target(%dma_start3A_147 : memref<80x128xf32, #tpu.memory_space<vmem_shared>>) target_semaphore(%run_scoped3A : memref<!tpu.dma_semaphore, #tpu.memory_space<semaphore_mem>>)
        %dma_wait3A = arith.constant 0 : i32
        %dma_wait3A_148 = tpu.memref_slice %arg11[%add3A_7, %dma_wait3A] : memref<10000x128xf32, #tpu.memory_space<vmem_shared>> -> memref<80x128xf32, #tpu.memory_space<vmem_shared>>
        %dma_wait3A_149 = arith.constant 0 : i32
        %dma_wait3A_150 = tpu.memref_slice %arg11[%add3A_7, %dma_wait3A_149] : memref<10000x128xf32, #tpu.memory_space<vmem_shared>> -> memref<80x128xf32, #tpu.memory_space<vmem_shared>>
        tpu.wait_dma2 semaphore(%run_scoped3A : memref<!tpu.dma_semaphore, #tpu.memory_space<semaphore_mem>>) src(%arg10 : memref<80x128xf32, #tpu.memory_space<vmem>>) dst(%dma_wait3A_150 : memref<80x128xf32, #tpu.memory_space<vmem_shared>>)
        tpu.yield
      }) : () -> ()
    } else {
    }
    %mul3A_13 = arith.constant 640 : i32
    %mul3A_14 = arith.muli %arg1, %mul3A_13 : i32
    %add3A_15 = arith.constant 160 : i32
    %add3A_16 = arith.addi %mul3A_14, %add3A_15 : i32
    %lt3A_17 = arith.constant 10000 : i32
    %lt3A_18 = arith.cmpi slt, %add3A_16, %lt3A_17 : i32
    %convert_element_type3A_19 = arith.extui %lt3A_18 : i1 to i32
    %cond3A_20 = arith.constant 0 : i32
    %cond3A_21 = arith.cmpi ne, %convert_element_type3A_19, %cond3A_20 : i32
    scf.if %cond3A_21 {
      "tpu.region"() ({
        %run_scoped3A = tpu.sem_alloc : memref<!tpu.dma_semaphore, #tpu.memory_space<semaphore_mem>>
        %dma_start3A = arith.constant 0 : i32
        %dma_start3A_145 = tpu.memref_slice %arg11[%add3A_16, %dma_start3A] : memref<10000x128xf32, #tpu.memory_space<vmem_shared>> -> memref<80x128xf32, #tpu.memory_space<vmem_shared>>
        %dma_start3A_146 = arith.constant 0 : i32
        %dma_start3A_147 = tpu.memref_slice %arg11[%add3A_16, %dma_start3A_146] : memref<10000x128xf32, #tpu.memory_space<vmem_shared>> -> memref<80x128xf32, #tpu.memory_space<vmem_shared>>
        tpu.enqueue_dma source(%arg10 : memref<80x128xf32, #tpu.memory_space<vmem>>) target(%dma_start3A_147 : memref<80x128xf32, #tpu.memory_space<vmem_shared>>) target_semaphore(%run_scoped3A : memref<!tpu.dma_semaphore, #tpu.memory_space<semaphore_mem>>)
        %dma_wait3A = arith.constant 0 : i32
        %dma_wait3A_148 = tpu.memref_slice %arg11[%add3A_16, %dma_wait3A] : memref<10000x128xf32, #tpu.memory_space<vmem_shared>> -> memref<80x128xf32, #tpu.memory_space<vmem_shared>>
        %dma_wait3A_149 = arith.constant 0 : i32
        %dma_wait3A_150 = tpu.memref_slice %arg11[%add3A_16, %dma_wait3A_149] : memref<10000x128xf32, #tpu.memory_space<vmem_shared>> -> memref<80x128xf32, #tpu.memory_space<vmem_shared>>
        tpu.wait_dma2 semaphore(%run_scoped3A : memref<!tpu.dma_semaphore, #tpu.memory_space<semaphore_mem>>) src(%arg10 : memref<80x128xf32, #tpu.memory_space<vmem>>) dst(%dma_wait3A_150 : memref<80x128xf32, #tpu.memory_space<vmem_shared>>)
        tpu.yield
      }) : () -> ()
    } else {
    }
    %mul3A_22 = arith.constant 640 : i32
    %mul3A_23 = arith.muli %arg1, %mul3A_22 : i32
    %add3A_24 = arith.constant 240 : i32
    %add3A_25 = arith.addi %mul3A_23, %add3A_24 : i32
    %lt3A_26 = arith.constant 10000 : i32
    %lt3A_27 = arith.cmpi slt, %add3A_25, %lt3A_26 : i32
    %convert_element_type3A_28 = arith.extui %lt3A_27 : i1 to i32
    %cond3A_29 = arith.constant 0 : i32
    %cond3A_30 = arith.cmpi ne, %convert_element_type3A_28, %cond3A_29 : i32
    scf.if %cond3A_30 {
      "tpu.region"() ({
        %run_scoped3A = tpu.sem_alloc : memref<!tpu.dma_semaphore, #tpu.memory_space<semaphore_mem>>
        %dma_start3A = arith.constant 0 : i32
        %dma_start3A_145 = tpu.memref_slice %arg11[%add3A_25, %dma_start3A] : memref<10000x128xf32, #tpu.memory_space<vmem_shared>> -> memref<80x128xf32, #tpu.memory_space<vmem_shared>>
        %dma_start3A_146 = arith.constant 0 : i32
        %dma_start3A_147 = tpu.memref_slice %arg11[%add3A_25, %dma_start3A_146] : memref<10000x128xf32, #tpu.memory_space<vmem_shared>> -> memref<80x128xf32, #tpu.memory_space<vmem_shared>>
        tpu.enqueue_dma source(%arg10 : memref<80x128xf32, #tpu.memory_space<vmem>>) target(%dma_start3A_147 : memref<80x128xf32, #tpu.memory_space<vmem_shared>>) target_semaphore(%run_scoped3A : memref<!tpu.dma_semaphore, #tpu.memory_space<semaphore_mem>>)
        %dma_wait3A = arith.constant 0 : i32
        %dma_wait3A_148 = tpu.memref_slice %arg11[%add3A_25, %dma_wait3A] : memref<10000x128xf32, #tpu.memory_space<vmem_shared>> -> memref<80x128xf32, #tpu.memory_space<vmem_shared>>
        %dma_wait3A_149 = arith.constant 0 : i32
        %dma_wait3A_150 = tpu.memref_slice %arg11[%add3A_25, %dma_wait3A_149] : memref<10000x128xf32, #tpu.memory_space<vmem_shared>> -> memref<80x128xf32, #tpu.memory_space<vmem_shared>>
        tpu.wait_dma2 semaphore(%run_scoped3A : memref<!tpu.dma_semaphore, #tpu.memory_space<semaphore_mem>>) src(%arg10 : memref<80x128xf32, #tpu.memory_space<vmem>>) dst(%dma_wait3A_150 : memref<80x128xf32, #tpu.memory_space<vmem_shared>>)
        tpu.yield
      }) : () -> ()
    } else {
    }
    %mul3A_31 = arith.constant 640 : i32
    %mul3A_32 = arith.muli %arg1, %mul3A_31 : i32
    %add3A_33 = arith.constant 320 : i32
    %add3A_34 = arith.addi %mul3A_32, %add3A_33 : i32
    %lt3A_35 = arith.constant 10000 : i32
    %lt3A_36 = arith.cmpi slt, %add3A_34, %lt3A_35 : i32
    %convert_element_type3A_37 = arith.extui %lt3A_36 : i1 to i32
    %cond3A_38 = arith.constant 0 : i32
    %cond3A_39 = arith.cmpi ne, %convert_element_type3A_37, %cond3A_38 : i32
    scf.if %cond3A_39 {
      "tpu.region"() ({
        %run_scoped3A = tpu.sem_alloc : memref<!tpu.dma_semaphore, #tpu.memory_space<semaphore_mem>>
        %dma_start3A = arith.constant 0 : i32
        %dma_start3A_145 = tpu.memref_slice %arg11[%add3A_34, %dma_start3A] : memref<10000x128xf32, #tpu.memory_space<vmem_shared>> -> memref<80x128xf32, #tpu.memory_space<vmem_shared>>
        %dma_start3A_146 = arith.constant 0 : i32
        %dma_start3A_147 = tpu.memref_slice %arg11[%add3A_34, %dma_start3A_146] : memref<10000x128xf32, #tpu.memory_space<vmem_shared>> -> memref<80x128xf32, #tpu.memory_space<vmem_shared>>
        tpu.enqueue_dma source(%arg10 : memref<80x128xf32, #tpu.memory_space<vmem>>) target(%dma_start3A_147 : memref<80x128xf32, #tpu.memory_space<vmem_shared>>) target_semaphore(%run_scoped3A : memref<!tpu.dma_semaphore, #tpu.memory_space<semaphore_mem>>)
        %dma_wait3A = arith.constant 0 : i32
        %dma_wait3A_148 = tpu.memref_slice %arg11[%add3A_34, %dma_wait3A] : memref<10000x128xf32, #tpu.memory_space<vmem_shared>> -> memref<80x128xf32, #tpu.memory_space<vmem_shared>>
        %dma_wait3A_149 = arith.constant 0 : i32
        %dma_wait3A_150 = tpu.memref_slice %arg11[%add3A_34, %dma_wait3A_149] : memref<10000x128xf32, #tpu.memory_space<vmem_shared>> -> memref<80x128xf32, #tpu.memory_space<vmem_shared>>
        tpu.wait_dma2 semaphore(%run_scoped3A : memref<!tpu.dma_semaphore, #tpu.memory_space<semaphore_mem>>) src(%arg10 : memref<80x128xf32, #tpu.memory_space<vmem>>) dst(%dma_wait3A_150 : memref<80x128xf32, #tpu.memory_space<vmem_shared>>)
        tpu.yield
      }) : () -> ()
    } else {
    }
    %mul3A_40 = arith.constant 640 : i32
    %mul3A_41 = arith.muli %arg1, %mul3A_40 : i32
    %add3A_42 = arith.constant 400 : i32
    %add3A_43 = arith.addi %mul3A_41, %add3A_42 : i32
    %lt3A_44 = arith.constant 10000 : i32
    %lt3A_45 = arith.cmpi slt, %add3A_43, %lt3A_44 : i32
    %convert_element_type3A_46 = arith.extui %lt3A_45 : i1 to i32
    %cond3A_47 = arith.constant 0 : i32
    %cond3A_48 = arith.cmpi ne, %convert_element_type3A_46, %cond3A_47 : i32
    scf.if %cond3A_48 {
      "tpu.region"() ({
        %run_scoped3A = tpu.sem_alloc : memref<!tpu.dma_semaphore, #tpu.memory_space<semaphore_mem>>
        %dma_start3A = arith.constant 0 : i32
        %dma_start3A_145 = tpu.memref_slice %arg11[%add3A_43, %dma_start3A] : memref<10000x128xf32, #tpu.memory_space<vmem_shared>> -> memref<80x128xf32, #tpu.memory_space<vmem_shared>>
        %dma_start3A_146 = arith.constant 0 : i32
        %dma_start3A_147 = tpu.memref_slice %arg11[%add3A_43, %dma_start3A_146] : memref<10000x128xf32, #tpu.memory_space<vmem_shared>> -> memref<80x128xf32, #tpu.memory_space<vmem_shared>>
        tpu.enqueue_dma source(%arg10 : memref<80x128xf32, #tpu.memory_space<vmem>>) target(%dma_start3A_147 : memref<80x128xf32, #tpu.memory_space<vmem_shared>>) target_semaphore(%run_scoped3A : memref<!tpu.dma_semaphore, #tpu.memory_space<semaphore_mem>>)
        %dma_wait3A = arith.constant 0 : i32
        %dma_wait3A_148 = tpu.memref_slice %arg11[%add3A_43, %dma_wait3A] : memref<10000x128xf32, #tpu.memory_space<vmem_shared>> -> memref<80x128xf32, #tpu.memory_space<vmem_shared>>
        %dma_wait3A_149 = arith.constant 0 : i32
        %dma_wait3A_150 = tpu.memref_slice %arg11[%add3A_43, %dma_wait3A_149] : memref<10000x128xf32, #tpu.memory_space<vmem_shared>> -> memref<80x128xf32, #tpu.memory_space<vmem_shared>>
        tpu.wait_dma2 semaphore(%run_scoped3A : memref<!tpu.dma_semaphore, #tpu.memory_space<semaphore_mem>>) src(%arg10 : memref<80x128xf32, #tpu.memory_space<vmem>>) dst(%dma_wait3A_150 : memref<80x128xf32, #tpu.memory_space<vmem_shared>>)
        tpu.yield
      }) : () -> ()
    } else {
    }
    %mul3A_49 = arith.constant 640 : i32
    %mul3A_50 = arith.muli %arg1, %mul3A_49 : i32
    %add3A_51 = arith.constant 480 : i32
    %add3A_52 = arith.addi %mul3A_50, %add3A_51 : i32
    %lt3A_53 = arith.constant 10000 : i32
    %lt3A_54 = arith.cmpi slt, %add3A_52, %lt3A_53 : i32
    %convert_element_type3A_55 = arith.extui %lt3A_54 : i1 to i32
    %cond3A_56 = arith.constant 0 : i32
    %cond3A_57 = arith.cmpi ne, %convert_element_type3A_55, %cond3A_56 : i32
    scf.if %cond3A_57 {
      "tpu.region"() ({
        %run_scoped3A = tpu.sem_alloc : memref<!tpu.dma_semaphore, #tpu.memory_space<semaphore_mem>>
        %dma_start3A = arith.constant 0 : i32
        %dma_start3A_145 = tpu.memref_slice %arg11[%add3A_52, %dma_start3A] : memref<10000x128xf32, #tpu.memory_space<vmem_shared>> -> memref<80x128xf32, #tpu.memory_space<vmem_shared>>
        %dma_start3A_146 = arith.constant 0 : i32
        %dma_start3A_147 = tpu.memref_slice %arg11[%add3A_52, %dma_start3A_146] : memref<10000x128xf32, #tpu.memory_space<vmem_shared>> -> memref<80x128xf32, #tpu.memory_space<vmem_shared>>
        tpu.enqueue_dma source(%arg10 : memref<80x128xf32, #tpu.memory_space<vmem>>) target(%dma_start3A_147 : memref<80x128xf32, #tpu.memory_space<vmem_shared>>) target_semaphore(%run_scoped3A : memref<!tpu.dma_semaphore, #tpu.memory_space<semaphore_mem>>)
        %dma_wait3A = arith.constant 0 : i32
        %dma_wait3A_148 = tpu.memref_slice %arg11[%add3A_52, %dma_wait3A] : memref<10000x128xf32, #tpu.memory_space<vmem_shared>> -> memref<80x128xf32, #tpu.memory_space<vmem_shared>>
        %dma_wait3A_149 = arith.constant 0 : i32
        %dma_wait3A_150 = tpu.memref_slice %arg11[%add3A_52, %dma_wait3A_149] : memref<10000x128xf32, #tpu.memory_space<vmem_shared>> -> memref<80x128xf32, #tpu.memory_space<vmem_shared>>
        tpu.wait_dma2 semaphore(%run_scoped3A : memref<!tpu.dma_semaphore, #tpu.memory_space<semaphore_mem>>) src(%arg10 : memref<80x128xf32, #tpu.memory_space<vmem>>) dst(%dma_wait3A_150 : memref<80x128xf32, #tpu.memory_space<vmem_shared>>)
        tpu.yield
      }) : () -> ()
    } else {
    }
    %mul3A_58 = arith.constant 640 : i32
    %mul3A_59 = arith.muli %arg1, %mul3A_58 : i32
    %add3A_60 = arith.constant 560 : i32
    %add3A_61 = arith.addi %mul3A_59, %add3A_60 : i32
    %lt3A_62 = arith.constant 10000 : i32
    %lt3A_63 = arith.cmpi slt, %add3A_61, %lt3A_62 : i32
    %convert_element_type3A_64 = arith.extui %lt3A_63 : i1 to i32
    %cond3A_65 = arith.constant 0 : i32
    %cond3A_66 = arith.cmpi ne, %convert_element_type3A_64, %cond3A_65 : i32
    scf.if %cond3A_66 {
      "tpu.region"() ({
        %run_scoped3A = tpu.sem_alloc : memref<!tpu.dma_semaphore, #tpu.memory_space<semaphore_mem>>
        %dma_start3A = arith.constant 0 : i32
        %dma_start3A_145 = tpu.memref_slice %arg11[%add3A_61, %dma_start3A] : memref<10000x128xf32, #tpu.memory_space<vmem_shared>> -> memref<80x128xf32, #tpu.memory_space<vmem_shared>>
        %dma_start3A_146 = arith.constant 0 : i32
        %dma_start3A_147 = tpu.memref_slice %arg11[%add3A_61, %dma_start3A_146] : memref<10000x128xf32, #tpu.memory_space<vmem_shared>> -> memref<80x128xf32, #tpu.memory_space<vmem_shared>>
        tpu.enqueue_dma source(%arg10 : memref<80x128xf32, #tpu.memory_space<vmem>>) target(%dma_start3A_147 : memref<80x128xf32, #tpu.memory_space<vmem_shared>>) target_semaphore(%run_scoped3A : memref<!tpu.dma_semaphore, #tpu.memory_space<semaphore_mem>>)
        %dma_wait3A = arith.constant 0 : i32
        %dma_wait3A_148 = tpu.memref_slice %arg11[%add3A_61, %dma_wait3A] : memref<10000x128xf32, #tpu.memory_space<vmem_shared>> -> memref<80x128xf32, #tpu.memory_space<vmem_shared>>
        %dma_wait3A_149 = arith.constant 0 : i32
        %dma_wait3A_150 = tpu.memref_slice %arg11[%add3A_61, %dma_wait3A_149] : memref<10000x128xf32, #tpu.memory_space<vmem_shared>> -> memref<80x128xf32, #tpu.memory_space<vmem_shared>>
        tpu.wait_dma2 semaphore(%run_scoped3A : memref<!tpu.dma_semaphore, #tpu.memory_space<semaphore_mem>>) src(%arg10 : memref<80x128xf32, #tpu.memory_space<vmem>>) dst(%dma_wait3A_150 : memref<80x128xf32, #tpu.memory_space<vmem_shared>>)
        tpu.yield
      }) : () -> ()
    } else {
    }
    %barrier3A = arith.constant 0 : index
    tpu.barrier barrier_id(%barrier3A)
    %scan3A = arith.constant 0 : i32
    %scan3A_67 = arith.constant 0 : i32
    %scan3A_68 = arith.constant 125 : i32
    %scan3A_69 = arith.addi %scan3A_67, %scan3A_68 : i32
    %scan3A_70 = arith.constant 1 : i32
    scf.for %scan3A_145 = %scan3A_67 to %scan3A_69 step %scan3A_70  : i32 {
      %mul3A_146 = arith.constant 10000 : i32
      %mul3A_147 = arith.muli %arg1, %mul3A_146 : i32
      %mul3A_148 = arith.constant 80 : i32
      %mul3A_149 = arith.muli %scan3A_145, %mul3A_148 : i32
      %add3A_150 = arith.addi %mul3A_147, %mul3A_149 : i32
      %mul3A_151 = arith.constant 160000 : i32
      %mul3A_152 = arith.muli %arg0, %mul3A_151 : i32
      %add3A_153 = arith.addi %mul3A_152, %add3A_150 : i32
      "tpu.region"() ({
        %run_scoped3A = tpu.sem_alloc : memref<!tpu.dma_semaphore, #tpu.memory_space<semaphore_mem>>
        %dma_start3A_158 = tpu.memref_slice %arg3[%add3A_153] : memref<320000xi32, #tpu.memory_space<hbm>> -> memref<80xi32, #tpu.memory_space<hbm>>
        %dma_start3A_159 = tpu.memref_slice %arg3[%add3A_153] : memref<320000xi32, #tpu.memory_space<hbm>> -> memref<80xi32, #tpu.memory_space<hbm>>
        tpu.enqueue_dma source(%dma_start3A_159 : memref<80xi32, #tpu.memory_space<hbm>>) target(%arg7 : memref<80xi32, #tpu.memory_space<vmem>>) target_semaphore(%run_scoped3A : memref<!tpu.dma_semaphore, #tpu.memory_space<semaphore_mem>>)
        %dma_wait3A_160 = tpu.memref_slice %arg3[%add3A_153] : memref<320000xi32, #tpu.memory_space<hbm>> -> memref<80xi32, #tpu.memory_space<hbm>>
        %dma_wait3A_161 = tpu.memref_slice %arg3[%add3A_153] : memref<320000xi32, #tpu.memory_space<hbm>> -> memref<80xi32, #tpu.memory_space<hbm>>
        tpu.wait_dma2 semaphore(%run_scoped3A : memref<!tpu.dma_semaphore, #tpu.memory_space<semaphore_mem>>) src(%dma_wait3A_161 : memref<80xi32, #tpu.memory_space<hbm>>) dst(%arg7 : memref<80xi32, #tpu.memory_space<vmem>>)
        tpu.yield
      }) : () -> ()
      "tpu.region"() ({
        %run_scoped3A = tpu.sem_alloc : memref<!tpu.dma_semaphore, #tpu.memory_space<semaphore_mem>>
        %dma_start3A_158 = tpu.memref_slice %arg4[%add3A_150] : memref<160000xi32, #tpu.memory_space<hbm>> -> memref<80xi32, #tpu.memory_space<hbm>>
        %dma_start3A_159 = tpu.memref_slice %arg4[%add3A_150] : memref<160000xi32, #tpu.memory_space<hbm>> -> memref<80xi32, #tpu.memory_space<hbm>>
        tpu.enqueue_dma source(%dma_start3A_159 : memref<80xi32, #tpu.memory_space<hbm>>) target(%arg8 : memref<80xi32, #tpu.memory_space<vmem>>) target_semaphore(%run_scoped3A : memref<!tpu.dma_semaphore, #tpu.memory_space<semaphore_mem>>)
        %dma_wait3A_160 = tpu.memref_slice %arg4[%add3A_150] : memref<160000xi32, #tpu.memory_space<hbm>> -> memref<80xi32, #tpu.memory_space<hbm>>
        %dma_wait3A_161 = tpu.memref_slice %arg4[%add3A_150] : memref<160000xi32, #tpu.memory_space<hbm>> -> memref<80xi32, #tpu.memory_space<hbm>>
        tpu.wait_dma2 semaphore(%run_scoped3A : memref<!tpu.dma_semaphore, #tpu.memory_space<semaphore_mem>>) src(%dma_wait3A_161 : memref<80xi32, #tpu.memory_space<hbm>>) dst(%arg8 : memref<80xi32, #tpu.memory_space<vmem>>)
        tpu.yield
      }) : () -> ()
      %dma_start3A = arith.constant 0 : i32
      %dma_start3A_154 = arith.constant 0 : i32
      %dma_start3A_155 = tpu.memref_slice %arg2[%dma_start3A, %dma_start3A_154] : memref<160000x128xf32, #tpu.memory_space<hbm>> -> memref<160000x128xf32, #tpu.memory_space<hbm>>
      tpu.enqueue_indirect_dma source(%dma_start3A_155 : memref<160000x128xf32, #tpu.memory_space<hbm>>) target(%arg9 : memref<80x128xf32, #tpu.memory_space<vmem>>) offsets(%arg7 : memref<80xi32, #tpu.memory_space<vmem>>) semaphore(%arg12 : memref<!tpu.dma_semaphore, #tpu.memory_space<semaphore_mem>>)
      %dma_wait3A = arith.constant 0 : i32
      %dma_wait3A_156 = arith.constant 0 : i32
      %dma_wait3A_157 = tpu.memref_slice %arg2[%dma_wait3A, %dma_wait3A_156] : memref<160000x128xf32, #tpu.memory_space<hbm>> -> memref<160000x128xf32, #tpu.memory_space<hbm>>
      tpu.wait_indirect_dma semaphore(%arg12 : memref<!tpu.dma_semaphore, #tpu.memory_space<semaphore_mem>>) src(%dma_wait3A_157 : memref<160000x128xf32, #tpu.memory_space<hbm>>) dst(%arg9 : memref<80x128xf32, #tpu.memory_space<vmem>>)
      "tpu.region"() ({
        %run_scoped3A = tpu.sem_alloc : memref<!tpu.dma_semaphore, #tpu.memory_space<semaphore_mem>>
        %dma_start3A_158 = arith.constant 0 : i32
        %dma_start3A_159 = arith.constant 0 : i32
        %dma_start3A_160 = tpu.memref_slice %arg11[%dma_start3A_158, %dma_start3A_159] : memref<10000x128xf32, #tpu.memory_space<vmem_shared>> -> memref<10000x128xf32, #tpu.memory_space<vmem_shared>>
        tpu.enqueue_indirect_dma source(%arg9 : memref<80x128xf32, #tpu.memory_space<vmem>>) target(%dma_start3A_160 : memref<10000x128xf32, #tpu.memory_space<vmem_shared>>) offsets(%arg8 : memref<80xi32, #tpu.memory_space<vmem>>) semaphore(%run_scoped3A : memref<!tpu.dma_semaphore, #tpu.memory_space<semaphore_mem>>) {add = true}
        %dma_wait3A_161 = arith.constant 0 : i32
        %dma_wait3A_162 = arith.constant 0 : i32
        %dma_wait3A_163 = tpu.memref_slice %arg11[%dma_wait3A_161, %dma_wait3A_162] : memref<10000x128xf32, #tpu.memory_space<vmem_shared>> -> memref<10000x128xf32, #tpu.memory_space<vmem_shared>>
        tpu.wait_indirect_dma semaphore(%run_scoped3A : memref<!tpu.dma_semaphore, #tpu.memory_space<semaphore_mem>>) src(%arg9 : memref<80x128xf32, #tpu.memory_space<vmem>>) dst(%dma_wait3A_163 : memref<10000x128xf32, #tpu.memory_space<vmem_shared>>)
        tpu.yield
      }) : () -> ()
    }
    %scan3A_71 = arith.constant 125 : i32
    %barrier3A_72 = arith.constant 0 : index
    tpu.barrier barrier_id(%barrier3A_72)
    %mul3A_73 = arith.constant 640 : i32
    %mul3A_74 = arith.muli %arg1, %mul3A_73 : i32
    %add3A_75 = arith.constant 0 : i32
    %add3A_76 = arith.addi %mul3A_74, %add3A_75 : i32
    %lt3A_77 = arith.constant 10000 : i32
    %lt3A_78 = arith.cmpi slt, %add3A_76, %lt3A_77 : i32
    %convert_element_type3A_79 = arith.extui %lt3A_78 : i1 to i32
    %cond3A_80 = arith.constant 0 : i32
    %cond3A_81 = arith.cmpi ne, %convert_element_type3A_79, %cond3A_80 : i32
    scf.if %cond3A_81 {
      "tpu.region"() ({
        %run_scoped3A = tpu.sem_alloc : memref<!tpu.dma_semaphore, #tpu.memory_space<semaphore_mem>>
        %dma_start3A = arith.constant 0 : i32
        %dma_start3A_148 = tpu.memref_slice %arg11[%add3A_76, %dma_start3A] : memref<10000x128xf32, #tpu.memory_space<vmem_shared>> -> memref<80x128xf32, #tpu.memory_space<vmem_shared>>
        %dma_start3A_149 = arith.constant 0 : i32
        %dma_start3A_150 = tpu.memref_slice %arg11[%add3A_76, %dma_start3A_149] : memref<10000x128xf32, #tpu.memory_space<vmem_shared>> -> memref<80x128xf32, #tpu.memory_space<vmem_shared>>
        tpu.enqueue_dma source(%dma_start3A_150 : memref<80x128xf32, #tpu.memory_space<vmem_shared>>) target(%arg10 : memref<80x128xf32, #tpu.memory_space<vmem>>) target_semaphore(%run_scoped3A : memref<!tpu.dma_semaphore, #tpu.memory_space<semaphore_mem>>)
        %dma_wait3A = arith.constant 0 : i32
        %dma_wait3A_151 = tpu.memref_slice %arg11[%add3A_76, %dma_wait3A] : memref<10000x128xf32, #tpu.memory_space<vmem_shared>> -> memref<80x128xf32, #tpu.memory_space<vmem_shared>>
        %dma_wait3A_152 = arith.constant 0 : i32
        %dma_wait3A_153 = tpu.memref_slice %arg11[%add3A_76, %dma_wait3A_152] : memref<10000x128xf32, #tpu.memory_space<vmem_shared>> -> memref<80x128xf32, #tpu.memory_space<vmem_shared>>
        tpu.wait_dma2 semaphore(%run_scoped3A : memref<!tpu.dma_semaphore, #tpu.memory_space<semaphore_mem>>) src(%dma_wait3A_153 : memref<80x128xf32, #tpu.memory_space<vmem_shared>>) dst(%arg10 : memref<80x128xf32, #tpu.memory_space<vmem>>)
        tpu.yield
      }) : () -> ()
      %mul3A_145 = arith.constant 10000 : i32
      %mul3A_146 = arith.muli %arg0, %mul3A_145 : i32
      %add3A_147 = arith.addi %mul3A_146, %add3A_76 : i32
      "tpu.region"() ({
        %run_scoped3A = tpu.sem_alloc : memref<!tpu.dma_semaphore, #tpu.memory_space<semaphore_mem>>
        %dma_start3A = arith.constant 0 : i32
        %dma_start3A_148 = tpu.memref_slice %arg6[%add3A_147, %dma_start3A] : memref<20000x128xf32, #tpu.memory_space<hbm>> -> memref<80x128xf32, #tpu.memory_space<hbm>>
        %dma_start3A_149 = arith.constant 0 : i32
        %dma_start3A_150 = tpu.memref_slice %arg6[%add3A_147, %dma_start3A_149] : memref<20000x128xf32, #tpu.memory_space<hbm>> -> memref<80x128xf32, #tpu.memory_space<hbm>>
        tpu.enqueue_dma source(%arg10 : memref<80x128xf32, #tpu.memory_space<vmem>>) target(%dma_start3A_150 : memref<80x128xf32, #tpu.memory_space<hbm>>) target_semaphore(%run_scoped3A : memref<!tpu.dma_semaphore, #tpu.memory_space<semaphore_mem>>)
        %dma_wait3A = arith.constant 0 : i32
        %dma_wait3A_151 = tpu.memref_slice %arg6[%add3A_147, %dma_wait3A] : memref<20000x128xf32, #tpu.memory_space<hbm>> -> memref<80x128xf32, #tpu.memory_space<hbm>>
        %dma_wait3A_152 = arith.constant 0 : i32
        %dma_wait3A_153 = tpu.memref_slice %arg6[%add3A_147, %dma_wait3A_152] : memref<20000x128xf32, #tpu.memory_space<hbm>> -> memref<80x128xf32, #tpu.memory_space<hbm>>
        tpu.wait_dma2 semaphore(%run_scoped3A : memref<!tpu.dma_semaphore, #tpu.memory_space<semaphore_mem>>) src(%arg10 : memref<80x128xf32, #tpu.memory_space<vmem>>) dst(%dma_wait3A_153 : memref<80x128xf32, #tpu.memory_space<hbm>>)
        tpu.yield
      }) : () -> ()
    } else {
    }
    %mul3A_82 = arith.constant 640 : i32
    %mul3A_83 = arith.muli %arg1, %mul3A_82 : i32
    %add3A_84 = arith.constant 80 : i32
    %add3A_85 = arith.addi %mul3A_83, %add3A_84 : i32
    %lt3A_86 = arith.constant 10000 : i32
    %lt3A_87 = arith.cmpi slt, %add3A_85, %lt3A_86 : i32
    %convert_element_type3A_88 = arith.extui %lt3A_87 : i1 to i32
    %cond3A_89 = arith.constant 0 : i32
    %cond3A_90 = arith.cmpi ne, %convert_element_type3A_88, %cond3A_89 : i32
    scf.if %cond3A_90 {
      "tpu.region"() ({
        %run_scoped3A = tpu.sem_alloc : memref<!tpu.dma_semaphore, #tpu.memory_space<semaphore_mem>>
        %dma_start3A = arith.constant 0 : i32
        %dma_start3A_148 = tpu.memref_slice %arg11[%add3A_85, %dma_start3A] : memref<10000x128xf32, #tpu.memory_space<vmem_shared>> -> memref<80x128xf32, #tpu.memory_space<vmem_shared>>
        %dma_start3A_149 = arith.constant 0 : i32
        %dma_start3A_150 = tpu.memref_slice %arg11[%add3A_85, %dma_start3A_149] : memref<10000x128xf32, #tpu.memory_space<vmem_shared>> -> memref<80x128xf32, #tpu.memory_space<vmem_shared>>
        tpu.enqueue_dma source(%dma_start3A_150 : memref<80x128xf32, #tpu.memory_space<vmem_shared>>) target(%arg10 : memref<80x128xf32, #tpu.memory_space<vmem>>) target_semaphore(%run_scoped3A : memref<!tpu.dma_semaphore, #tpu.memory_space<semaphore_mem>>)
        %dma_wait3A = arith.constant 0 : i32
        %dma_wait3A_151 = tpu.memref_slice %arg11[%add3A_85, %dma_wait3A] : memref<10000x128xf32, #tpu.memory_space<vmem_shared>> -> memref<80x128xf32, #tpu.memory_space<vmem_shared>>
        %dma_wait3A_152 = arith.constant 0 : i32
        %dma_wait3A_153 = tpu.memref_slice %arg11[%add3A_85, %dma_wait3A_152] : memref<10000x128xf32, #tpu.memory_space<vmem_shared>> -> memref<80x128xf32, #tpu.memory_space<vmem_shared>>
        tpu.wait_dma2 semaphore(%run_scoped3A : memref<!tpu.dma_semaphore, #tpu.memory_space<semaphore_mem>>) src(%dma_wait3A_153 : memref<80x128xf32, #tpu.memory_space<vmem_shared>>) dst(%arg10 : memref<80x128xf32, #tpu.memory_space<vmem>>)
        tpu.yield
      }) : () -> ()
      %mul3A_145 = arith.constant 10000 : i32
      %mul3A_146 = arith.muli %arg0, %mul3A_145 : i32
      %add3A_147 = arith.addi %mul3A_146, %add3A_85 : i32
      "tpu.region"() ({
        %run_scoped3A = tpu.sem_alloc : memref<!tpu.dma_semaphore, #tpu.memory_space<semaphore_mem>>
        %dma_start3A = arith.constant 0 : i32
        %dma_start3A_148 = tpu.memref_slice %arg6[%add3A_147, %dma_start3A] : memref<20000x128xf32, #tpu.memory_space<hbm>> -> memref<80x128xf32, #tpu.memory_space<hbm>>
        %dma_start3A_149 = arith.constant 0 : i32
        %dma_start3A_150 = tpu.memref_slice %arg6[%add3A_147, %dma_start3A_149] : memref<20000x128xf32, #tpu.memory_space<hbm>> -> memref<80x128xf32, #tpu.memory_space<hbm>>
        tpu.enqueue_dma source(%arg10 : memref<80x128xf32, #tpu.memory_space<vmem>>) target(%dma_start3A_150 : memref<80x128xf32, #tpu.memory_space<hbm>>) target_semaphore(%run_scoped3A : memref<!tpu.dma_semaphore, #tpu.memory_space<semaphore_mem>>)
        %dma_wait3A = arith.constant 0 : i32
        %dma_wait3A_151 = tpu.memref_slice %arg6[%add3A_147, %dma_wait3A] : memref<20000x128xf32, #tpu.memory_space<hbm>> -> memref<80x128xf32, #tpu.memory_space<hbm>>
        %dma_wait3A_152 = arith.constant 0 : i32
        %dma_wait3A_153 = tpu.memref_slice %arg6[%add3A_147, %dma_wait3A_152] : memref<20000x128xf32, #tpu.memory_space<hbm>> -> memref<80x128xf32, #tpu.memory_space<hbm>>
        tpu.wait_dma2 semaphore(%run_scoped3A : memref<!tpu.dma_semaphore, #tpu.memory_space<semaphore_mem>>) src(%arg10 : memref<80x128xf32, #tpu.memory_space<vmem>>) dst(%dma_wait3A_153 : memref<80x128xf32, #tpu.memory_space<hbm>>)
        tpu.yield
      }) : () -> ()
    } else {
    }
    %mul3A_91 = arith.constant 640 : i32
    %mul3A_92 = arith.muli %arg1, %mul3A_91 : i32
    %add3A_93 = arith.constant 160 : i32
    %add3A_94 = arith.addi %mul3A_92, %add3A_93 : i32
    %lt3A_95 = arith.constant 10000 : i32
    %lt3A_96 = arith.cmpi slt, %add3A_94, %lt3A_95 : i32
    %convert_element_type3A_97 = arith.extui %lt3A_96 : i1 to i32
    %cond3A_98 = arith.constant 0 : i32
    %cond3A_99 = arith.cmpi ne, %convert_element_type3A_97, %cond3A_98 : i32
    scf.if %cond3A_99 {
      "tpu.region"() ({
        %run_scoped3A = tpu.sem_alloc : memref<!tpu.dma_semaphore, #tpu.memory_space<semaphore_mem>>
        %dma_start3A = arith.constant 0 : i32
        %dma_start3A_148 = tpu.memref_slice %arg11[%add3A_94, %dma_start3A] : memref<10000x128xf32, #tpu.memory_space<vmem_shared>> -> memref<80x128xf32, #tpu.memory_space<vmem_shared>>
        %dma_start3A_149 = arith.constant 0 : i32
        %dma_start3A_150 = tpu.memref_slice %arg11[%add3A_94, %dma_start3A_149] : memref<10000x128xf32, #tpu.memory_space<vmem_shared>> -> memref<80x128xf32, #tpu.memory_space<vmem_shared>>
        tpu.enqueue_dma source(%dma_start3A_150 : memref<80x128xf32, #tpu.memory_space<vmem_shared>>) target(%arg10 : memref<80x128xf32, #tpu.memory_space<vmem>>) target_semaphore(%run_scoped3A : memref<!tpu.dma_semaphore, #tpu.memory_space<semaphore_mem>>)
        %dma_wait3A = arith.constant 0 : i32
        %dma_wait3A_151 = tpu.memref_slice %arg11[%add3A_94, %dma_wait3A] : memref<10000x128xf32, #tpu.memory_space<vmem_shared>> -> memref<80x128xf32, #tpu.memory_space<vmem_shared>>
        %dma_wait3A_152 = arith.constant 0 : i32
        %dma_wait3A_153 = tpu.memref_slice %arg11[%add3A_94, %dma_wait3A_152] : memref<10000x128xf32, #tpu.memory_space<vmem_shared>> -> memref<80x128xf32, #tpu.memory_space<vmem_shared>>
        tpu.wait_dma2 semaphore(%run_scoped3A : memref<!tpu.dma_semaphore, #tpu.memory_space<semaphore_mem>>) src(%dma_wait3A_153 : memref<80x128xf32, #tpu.memory_space<vmem_shared>>) dst(%arg10 : memref<80x128xf32, #tpu.memory_space<vmem>>)
        tpu.yield
      }) : () -> ()
      %mul3A_145 = arith.constant 10000 : i32
      %mul3A_146 = arith.muli %arg0, %mul3A_145 : i32
      %add3A_147 = arith.addi %mul3A_146, %add3A_94 : i32
      "tpu.region"() ({
        %run_scoped3A = tpu.sem_alloc : memref<!tpu.dma_semaphore, #tpu.memory_space<semaphore_mem>>
        %dma_start3A = arith.constant 0 : i32
        %dma_start3A_148 = tpu.memref_slice %arg6[%add3A_147, %dma_start3A] : memref<20000x128xf32, #tpu.memory_space<hbm>> -> memref<80x128xf32, #tpu.memory_space<hbm>>
        %dma_start3A_149 = arith.constant 0 : i32
        %dma_start3A_150 = tpu.memref_slice %arg6[%add3A_147, %dma_start3A_149] : memref<20000x128xf32, #tpu.memory_space<hbm>> -> memref<80x128xf32, #tpu.memory_space<hbm>>
        tpu.enqueue_dma source(%arg10 : memref<80x128xf32, #tpu.memory_space<vmem>>) target(%dma_start3A_150 : memref<80x128xf32, #tpu.memory_space<hbm>>) target_semaphore(%run_scoped3A : memref<!tpu.dma_semaphore, #tpu.memory_space<semaphore_mem>>)
        %dma_wait3A = arith.constant 0 : i32
        %dma_wait3A_151 = tpu.memref_slice %arg6[%add3A_147, %dma_wait3A] : memref<20000x128xf32, #tpu.memory_space<hbm>> -> memref<80x128xf32, #tpu.memory_space<hbm>>
        %dma_wait3A_152 = arith.constant 0 : i32
        %dma_wait3A_153 = tpu.memref_slice %arg6[%add3A_147, %dma_wait3A_152] : memref<20000x128xf32, #tpu.memory_space<hbm>> -> memref<80x128xf32, #tpu.memory_space<hbm>>
        tpu.wait_dma2 semaphore(%run_scoped3A : memref<!tpu.dma_semaphore, #tpu.memory_space<semaphore_mem>>) src(%arg10 : memref<80x128xf32, #tpu.memory_space<vmem>>) dst(%dma_wait3A_153 : memref<80x128xf32, #tpu.memory_space<hbm>>)
        tpu.yield
      }) : () -> ()
    } else {
    }
    %mul3A_100 = arith.constant 640 : i32
    %mul3A_101 = arith.muli %arg1, %mul3A_100 : i32
    %add3A_102 = arith.constant 240 : i32
    %add3A_103 = arith.addi %mul3A_101, %add3A_102 : i32
    %lt3A_104 = arith.constant 10000 : i32
    %lt3A_105 = arith.cmpi slt, %add3A_103, %lt3A_104 : i32
    %convert_element_type3A_106 = arith.extui %lt3A_105 : i1 to i32
    %cond3A_107 = arith.constant 0 : i32
    %cond3A_108 = arith.cmpi ne, %convert_element_type3A_106, %cond3A_107 : i32
    scf.if %cond3A_108 {
      "tpu.region"() ({
        %run_scoped3A = tpu.sem_alloc : memref<!tpu.dma_semaphore, #tpu.memory_space<semaphore_mem>>
        %dma_start3A = arith.constant 0 : i32
        %dma_start3A_148 = tpu.memref_slice %arg11[%add3A_103, %dma_start3A] : memref<10000x128xf32, #tpu.memory_space<vmem_shared>> -> memref<80x128xf32, #tpu.memory_space<vmem_shared>>
        %dma_start3A_149 = arith.constant 0 : i32
        %dma_start3A_150 = tpu.memref_slice %arg11[%add3A_103, %dma_start3A_149] : memref<10000x128xf32, #tpu.memory_space<vmem_shared>> -> memref<80x128xf32, #tpu.memory_space<vmem_shared>>
        tpu.enqueue_dma source(%dma_start3A_150 : memref<80x128xf32, #tpu.memory_space<vmem_shared>>) target(%arg10 : memref<80x128xf32, #tpu.memory_space<vmem>>) target_semaphore(%run_scoped3A : memref<!tpu.dma_semaphore, #tpu.memory_space<semaphore_mem>>)
        %dma_wait3A = arith.constant 0 : i32
        %dma_wait3A_151 = tpu.memref_slice %arg11[%add3A_103, %dma_wait3A] : memref<10000x128xf32, #tpu.memory_space<vmem_shared>> -> memref<80x128xf32, #tpu.memory_space<vmem_shared>>
        %dma_wait3A_152 = arith.constant 0 : i32
        %dma_wait3A_153 = tpu.memref_slice %arg11[%add3A_103, %dma_wait3A_152] : memref<10000x128xf32, #tpu.memory_space<vmem_shared>> -> memref<80x128xf32, #tpu.memory_space<vmem_shared>>
        tpu.wait_dma2 semaphore(%run_scoped3A : memref<!tpu.dma_semaphore, #tpu.memory_space<semaphore_mem>>) src(%dma_wait3A_153 : memref<80x128xf32, #tpu.memory_space<vmem_shared>>) dst(%arg10 : memref<80x128xf32, #tpu.memory_space<vmem>>)
        tpu.yield
      }) : () -> ()
      %mul3A_145 = arith.constant 10000 : i32
      %mul3A_146 = arith.muli %arg0, %mul3A_145 : i32
      %add3A_147 = arith.addi %mul3A_146, %add3A_103 : i32
      "tpu.region"() ({
        %run_scoped3A = tpu.sem_alloc : memref<!tpu.dma_semaphore, #tpu.memory_space<semaphore_mem>>
        %dma_start3A = arith.constant 0 : i32
        %dma_start3A_148 = tpu.memref_slice %arg6[%add3A_147, %dma_start3A] : memref<20000x128xf32, #tpu.memory_space<hbm>> -> memref<80x128xf32, #tpu.memory_space<hbm>>
        %dma_start3A_149 = arith.constant 0 : i32
        %dma_start3A_150 = tpu.memref_slice %arg6[%add3A_147, %dma_start3A_149] : memref<20000x128xf32, #tpu.memory_space<hbm>> -> memref<80x128xf32, #tpu.memory_space<hbm>>
        tpu.enqueue_dma source(%arg10 : memref<80x128xf32, #tpu.memory_space<vmem>>) target(%dma_start3A_150 : memref<80x128xf32, #tpu.memory_space<hbm>>) target_semaphore(%run_scoped3A : memref<!tpu.dma_semaphore, #tpu.memory_space<semaphore_mem>>)
        %dma_wait3A = arith.constant 0 : i32
        %dma_wait3A_151 = tpu.memref_slice %arg6[%add3A_147, %dma_wait3A] : memref<20000x128xf32, #tpu.memory_space<hbm>> -> memref<80x128xf32, #tpu.memory_space<hbm>>
        %dma_wait3A_152 = arith.constant 0 : i32
        %dma_wait3A_153 = tpu.memref_slice %arg6[%add3A_147, %dma_wait3A_152] : memref<20000x128xf32, #tpu.memory_space<hbm>> -> memref<80x128xf32, #tpu.memory_space<hbm>>
        tpu.wait_dma2 semaphore(%run_scoped3A : memref<!tpu.dma_semaphore, #tpu.memory_space<semaphore_mem>>) src(%arg10 : memref<80x128xf32, #tpu.memory_space<vmem>>) dst(%dma_wait3A_153 : memref<80x128xf32, #tpu.memory_space<hbm>>)
        tpu.yield
      }) : () -> ()
    } else {
    }
    %mul3A_109 = arith.constant 640 : i32
    %mul3A_110 = arith.muli %arg1, %mul3A_109 : i32
    %add3A_111 = arith.constant 320 : i32
    %add3A_112 = arith.addi %mul3A_110, %add3A_111 : i32
    %lt3A_113 = arith.constant 10000 : i32
    %lt3A_114 = arith.cmpi slt, %add3A_112, %lt3A_113 : i32
    %convert_element_type3A_115 = arith.extui %lt3A_114 : i1 to i32
    %cond3A_116 = arith.constant 0 : i32
    %cond3A_117 = arith.cmpi ne, %convert_element_type3A_115, %cond3A_116 : i32
    scf.if %cond3A_117 {
      "tpu.region"() ({
        %run_scoped3A = tpu.sem_alloc : memref<!tpu.dma_semaphore, #tpu.memory_space<semaphore_mem>>
        %dma_start3A = arith.constant 0 : i32
        %dma_start3A_148 = tpu.memref_slice %arg11[%add3A_112, %dma_start3A] : memref<10000x128xf32, #tpu.memory_space<vmem_shared>> -> memref<80x128xf32, #tpu.memory_space<vmem_shared>>
        %dma_start3A_149 = arith.constant 0 : i32
        %dma_start3A_150 = tpu.memref_slice %arg11[%add3A_112, %dma_start3A_149] : memref<10000x128xf32, #tpu.memory_space<vmem_shared>> -> memref<80x128xf32, #tpu.memory_space<vmem_shared>>
        tpu.enqueue_dma source(%dma_start3A_150 : memref<80x128xf32, #tpu.memory_space<vmem_shared>>) target(%arg10 : memref<80x128xf32, #tpu.memory_space<vmem>>) target_semaphore(%run_scoped3A : memref<!tpu.dma_semaphore, #tpu.memory_space<semaphore_mem>>)
        %dma_wait3A = arith.constant 0 : i32
        %dma_wait3A_151 = tpu.memref_slice %arg11[%add3A_112, %dma_wait3A] : memref<10000x128xf32, #tpu.memory_space<vmem_shared>> -> memref<80x128xf32, #tpu.memory_space<vmem_shared>>
        %dma_wait3A_152 = arith.constant 0 : i32
        %dma_wait3A_153 = tpu.memref_slice %arg11[%add3A_112, %dma_wait3A_152] : memref<10000x128xf32, #tpu.memory_space<vmem_shared>> -> memref<80x128xf32, #tpu.memory_space<vmem_shared>>
        tpu.wait_dma2 semaphore(%run_scoped3A : memref<!tpu.dma_semaphore, #tpu.memory_space<semaphore_mem>>) src(%dma_wait3A_153 : memref<80x128xf32, #tpu.memory_space<vmem_shared>>) dst(%arg10 : memref<80x128xf32, #tpu.memory_space<vmem>>)
        tpu.yield
      }) : () -> ()
      %mul3A_145 = arith.constant 10000 : i32
      %mul3A_146 = arith.muli %arg0, %mul3A_145 : i32
      %add3A_147 = arith.addi %mul3A_146, %add3A_112 : i32
      "tpu.region"() ({
        %run_scoped3A = tpu.sem_alloc : memref<!tpu.dma_semaphore, #tpu.memory_space<semaphore_mem>>
        %dma_start3A = arith.constant 0 : i32
        %dma_start3A_148 = tpu.memref_slice %arg6[%add3A_147, %dma_start3A] : memref<20000x128xf32, #tpu.memory_space<hbm>> -> memref<80x128xf32, #tpu.memory_space<hbm>>
        %dma_start3A_149 = arith.constant 0 : i32
        %dma_start3A_150 = tpu.memref_slice %arg6[%add3A_147, %dma_start3A_149] : memref<20000x128xf32, #tpu.memory_space<hbm>> -> memref<80x128xf32, #tpu.memory_space<hbm>>
        tpu.enqueue_dma source(%arg10 : memref<80x128xf32, #tpu.memory_space<vmem>>) target(%dma_start3A_150 : memref<80x128xf32, #tpu.memory_space<hbm>>) target_semaphore(%run_scoped3A : memref<!tpu.dma_semaphore, #tpu.memory_space<semaphore_mem>>)
        %dma_wait3A = arith.constant 0 : i32
        %dma_wait3A_151 = tpu.memref_slice %arg6[%add3A_147, %dma_wait3A] : memref<20000x128xf32, #tpu.memory_space<hbm>> -> memref<80x128xf32, #tpu.memory_space<hbm>>
        %dma_wait3A_152 = arith.constant 0 : i32
        %dma_wait3A_153 = tpu.memref_slice %arg6[%add3A_147, %dma_wait3A_152] : memref<20000x128xf32, #tpu.memory_space<hbm>> -> memref<80x128xf32, #tpu.memory_space<hbm>>
        tpu.wait_dma2 semaphore(%run_scoped3A : memref<!tpu.dma_semaphore, #tpu.memory_space<semaphore_mem>>) src(%arg10 : memref<80x128xf32, #tpu.memory_space<vmem>>) dst(%dma_wait3A_153 : memref<80x128xf32, #tpu.memory_space<hbm>>)
        tpu.yield
      }) : () -> ()
    } else {
    }
    %mul3A_118 = arith.constant 640 : i32
    %mul3A_119 = arith.muli %arg1, %mul3A_118 : i32
    %add3A_120 = arith.constant 400 : i32
    %add3A_121 = arith.addi %mul3A_119, %add3A_120 : i32
    %lt3A_122 = arith.constant 10000 : i32
    %lt3A_123 = arith.cmpi slt, %add3A_121, %lt3A_122 : i32
    %convert_element_type3A_124 = arith.extui %lt3A_123 : i1 to i32
    %cond3A_125 = arith.constant 0 : i32
    %cond3A_126 = arith.cmpi ne, %convert_element_type3A_124, %cond3A_125 : i32
    scf.if %cond3A_126 {
      "tpu.region"() ({
        %run_scoped3A = tpu.sem_alloc : memref<!tpu.dma_semaphore, #tpu.memory_space<semaphore_mem>>
        %dma_start3A = arith.constant 0 : i32
        %dma_start3A_148 = tpu.memref_slice %arg11[%add3A_121, %dma_start3A] : memref<10000x128xf32, #tpu.memory_space<vmem_shared>> -> memref<80x128xf32, #tpu.memory_space<vmem_shared>>
        %dma_start3A_149 = arith.constant 0 : i32
        %dma_start3A_150 = tpu.memref_slice %arg11[%add3A_121, %dma_start3A_149] : memref<10000x128xf32, #tpu.memory_space<vmem_shared>> -> memref<80x128xf32, #tpu.memory_space<vmem_shared>>
        tpu.enqueue_dma source(%dma_start3A_150 : memref<80x128xf32, #tpu.memory_space<vmem_shared>>) target(%arg10 : memref<80x128xf32, #tpu.memory_space<vmem>>) target_semaphore(%run_scoped3A : memref<!tpu.dma_semaphore, #tpu.memory_space<semaphore_mem>>)
        %dma_wait3A = arith.constant 0 : i32
        %dma_wait3A_151 = tpu.memref_slice %arg11[%add3A_121, %dma_wait3A] : memref<10000x128xf32, #tpu.memory_space<vmem_shared>> -> memref<80x128xf32, #tpu.memory_space<vmem_shared>>
        %dma_wait3A_152 = arith.constant 0 : i32
        %dma_wait3A_153 = tpu.memref_slice %arg11[%add3A_121, %dma_wait3A_152] : memref<10000x128xf32, #tpu.memory_space<vmem_shared>> -> memref<80x128xf32, #tpu.memory_space<vmem_shared>>
        tpu.wait_dma2 semaphore(%run_scoped3A : memref<!tpu.dma_semaphore, #tpu.memory_space<semaphore_mem>>) src(%dma_wait3A_153 : memref<80x128xf32, #tpu.memory_space<vmem_shared>>) dst(%arg10 : memref<80x128xf32, #tpu.memory_space<vmem>>)
        tpu.yield
      }) : () -> ()
      %mul3A_145 = arith.constant 10000 : i32
      %mul3A_146 = arith.muli %arg0, %mul3A_145 : i32
      %add3A_147 = arith.addi %mul3A_146, %add3A_121 : i32
      "tpu.region"() ({
        %run_scoped3A = tpu.sem_alloc : memref<!tpu.dma_semaphore, #tpu.memory_space<semaphore_mem>>
        %dma_start3A = arith.constant 0 : i32
        %dma_start3A_148 = tpu.memref_slice %arg6[%add3A_147, %dma_start3A] : memref<20000x128xf32, #tpu.memory_space<hbm>> -> memref<80x128xf32, #tpu.memory_space<hbm>>
        %dma_start3A_149 = arith.constant 0 : i32
        %dma_start3A_150 = tpu.memref_slice %arg6[%add3A_147, %dma_start3A_149] : memref<20000x128xf32, #tpu.memory_space<hbm>> -> memref<80x128xf32, #tpu.memory_space<hbm>>
        tpu.enqueue_dma source(%arg10 : memref<80x128xf32, #tpu.memory_space<vmem>>) target(%dma_start3A_150 : memref<80x128xf32, #tpu.memory_space<hbm>>) target_semaphore(%run_scoped3A : memref<!tpu.dma_semaphore, #tpu.memory_space<semaphore_mem>>)
        %dma_wait3A = arith.constant 0 : i32
        %dma_wait3A_151 = tpu.memref_slice %arg6[%add3A_147, %dma_wait3A] : memref<20000x128xf32, #tpu.memory_space<hbm>> -> memref<80x128xf32, #tpu.memory_space<hbm>>
        %dma_wait3A_152 = arith.constant 0 : i32
        %dma_wait3A_153 = tpu.memref_slice %arg6[%add3A_147, %dma_wait3A_152] : memref<20000x128xf32, #tpu.memory_space<hbm>> -> memref<80x128xf32, #tpu.memory_space<hbm>>
        tpu.wait_dma2 semaphore(%run_scoped3A : memref<!tpu.dma_semaphore, #tpu.memory_space<semaphore_mem>>) src(%arg10 : memref<80x128xf32, #tpu.memory_space<vmem>>) dst(%dma_wait3A_153 : memref<80x128xf32, #tpu.memory_space<hbm>>)
        tpu.yield
      }) : () -> ()
    } else {
    }
    %mul3A_127 = arith.constant 640 : i32
    %mul3A_128 = arith.muli %arg1, %mul3A_127 : i32
    %add3A_129 = arith.constant 480 : i32
    %add3A_130 = arith.addi %mul3A_128, %add3A_129 : i32
    %lt3A_131 = arith.constant 10000 : i32
    %lt3A_132 = arith.cmpi slt, %add3A_130, %lt3A_131 : i32
    %convert_element_type3A_133 = arith.extui %lt3A_132 : i1 to i32
    %cond3A_134 = arith.constant 0 : i32
    %cond3A_135 = arith.cmpi ne, %convert_element_type3A_133, %cond3A_134 : i32
    scf.if %cond3A_135 {
      "tpu.region"() ({
        %run_scoped3A = tpu.sem_alloc : memref<!tpu.dma_semaphore, #tpu.memory_space<semaphore_mem>>
        %dma_start3A = arith.constant 0 : i32
        %dma_start3A_148 = tpu.memref_slice %arg11[%add3A_130, %dma_start3A] : memref<10000x128xf32, #tpu.memory_space<vmem_shared>> -> memref<80x128xf32, #tpu.memory_space<vmem_shared>>
        %dma_start3A_149 = arith.constant 0 : i32
        %dma_start3A_150 = tpu.memref_slice %arg11[%add3A_130, %dma_start3A_149] : memref<10000x128xf32, #tpu.memory_space<vmem_shared>> -> memref<80x128xf32, #tpu.memory_space<vmem_shared>>
        tpu.enqueue_dma source(%dma_start3A_150 : memref<80x128xf32, #tpu.memory_space<vmem_shared>>) target(%arg10 : memref<80x128xf32, #tpu.memory_space<vmem>>) target_semaphore(%run_scoped3A : memref<!tpu.dma_semaphore, #tpu.memory_space<semaphore_mem>>)
        %dma_wait3A = arith.constant 0 : i32
        %dma_wait3A_151 = tpu.memref_slice %arg11[%add3A_130, %dma_wait3A] : memref<10000x128xf32, #tpu.memory_space<vmem_shared>> -> memref<80x128xf32, #tpu.memory_space<vmem_shared>>
        %dma_wait3A_152 = arith.constant 0 : i32
        %dma_wait3A_153 = tpu.memref_slice %arg11[%add3A_130, %dma_wait3A_152] : memref<10000x128xf32, #tpu.memory_space<vmem_shared>> -> memref<80x128xf32, #tpu.memory_space<vmem_shared>>
        tpu.wait_dma2 semaphore(%run_scoped3A : memref<!tpu.dma_semaphore, #tpu.memory_space<semaphore_mem>>) src(%dma_wait3A_153 : memref<80x128xf32, #tpu.memory_space<vmem_shared>>) dst(%arg10 : memref<80x128xf32, #tpu.memory_space<vmem>>)
        tpu.yield
      }) : () -> ()
      %mul3A_145 = arith.constant 10000 : i32
      %mul3A_146 = arith.muli %arg0, %mul3A_145 : i32
      %add3A_147 = arith.addi %mul3A_146, %add3A_130 : i32
      "tpu.region"() ({
        %run_scoped3A = tpu.sem_alloc : memref<!tpu.dma_semaphore, #tpu.memory_space<semaphore_mem>>
        %dma_start3A = arith.constant 0 : i32
        %dma_start3A_148 = tpu.memref_slice %arg6[%add3A_147, %dma_start3A] : memref<20000x128xf32, #tpu.memory_space<hbm>> -> memref<80x128xf32, #tpu.memory_space<hbm>>
        %dma_start3A_149 = arith.constant 0 : i32
        %dma_start3A_150 = tpu.memref_slice %arg6[%add3A_147, %dma_start3A_149] : memref<20000x128xf32, #tpu.memory_space<hbm>> -> memref<80x128xf32, #tpu.memory_space<hbm>>
        tpu.enqueue_dma source(%arg10 : memref<80x128xf32, #tpu.memory_space<vmem>>) target(%dma_start3A_150 : memref<80x128xf32, #tpu.memory_space<hbm>>) target_semaphore(%run_scoped3A : memref<!tpu.dma_semaphore, #tpu.memory_space<semaphore_mem>>)
        %dma_wait3A = arith.constant 0 : i32
        %dma_wait3A_151 = tpu.memref_slice %arg6[%add3A_147, %dma_wait3A] : memref<20000x128xf32, #tpu.memory_space<hbm>> -> memref<80x128xf32, #tpu.memory_space<hbm>>
        %dma_wait3A_152 = arith.constant 0 : i32
        %dma_wait3A_153 = tpu.memref_slice %arg6[%add3A_147, %dma_wait3A_152] : memref<20000x128xf32, #tpu.memory_space<hbm>> -> memref<80x128xf32, #tpu.memory_space<hbm>>
        tpu.wait_dma2 semaphore(%run_scoped3A : memref<!tpu.dma_semaphore, #tpu.memory_space<semaphore_mem>>) src(%arg10 : memref<80x128xf32, #tpu.memory_space<vmem>>) dst(%dma_wait3A_153 : memref<80x128xf32, #tpu.memory_space<hbm>>)
        tpu.yield
      }) : () -> ()
    } else {
    }
    %mul3A_136 = arith.constant 640 : i32
    %mul3A_137 = arith.muli %arg1, %mul3A_136 : i32
    %add3A_138 = arith.constant 560 : i32
    %add3A_139 = arith.addi %mul3A_137, %add3A_138 : i32
    %lt3A_140 = arith.constant 10000 : i32
    %lt3A_141 = arith.cmpi slt, %add3A_139, %lt3A_140 : i32
    %convert_element_type3A_142 = arith.extui %lt3A_141 : i1 to i32
    %cond3A_143 = arith.constant 0 : i32
    %cond3A_144 = arith.cmpi ne, %convert_element_type3A_142, %cond3A_143 : i32
    scf.if %cond3A_144 {
      "tpu.region"() ({
        %run_scoped3A = tpu.sem_alloc : memref<!tpu.dma_semaphore, #tpu.memory_space<semaphore_mem>>
        %dma_start3A = arith.constant 0 : i32
        %dma_start3A_148 = tpu.memref_slice %arg11[%add3A_139, %dma_start3A] : memref<10000x128xf32, #tpu.memory_space<vmem_shared>> -> memref<80x128xf32, #tpu.memory_space<vmem_shared>>
        %dma_start3A_149 = arith.constant 0 : i32
        %dma_start3A_150 = tpu.memref_slice %arg11[%add3A_139, %dma_start3A_149] : memref<10000x128xf32, #tpu.memory_space<vmem_shared>> -> memref<80x128xf32, #tpu.memory_space<vmem_shared>>
        tpu.enqueue_dma source(%dma_start3A_150 : memref<80x128xf32, #tpu.memory_space<vmem_shared>>) target(%arg10 : memref<80x128xf32, #tpu.memory_space<vmem>>) target_semaphore(%run_scoped3A : memref<!tpu.dma_semaphore, #tpu.memory_space<semaphore_mem>>)
        %dma_wait3A = arith.constant 0 : i32
        %dma_wait3A_151 = tpu.memref_slice %arg11[%add3A_139, %dma_wait3A] : memref<10000x128xf32, #tpu.memory_space<vmem_shared>> -> memref<80x128xf32, #tpu.memory_space<vmem_shared>>
        %dma_wait3A_152 = arith.constant 0 : i32
        %dma_wait3A_153 = tpu.memref_slice %arg11[%add3A_139, %dma_wait3A_152] : memref<10000x128xf32, #tpu.memory_space<vmem_shared>> -> memref<80x128xf32, #tpu.memory_space<vmem_shared>>
        tpu.wait_dma2 semaphore(%run_scoped3A : memref<!tpu.dma_semaphore, #tpu.memory_space<semaphore_mem>>) src(%dma_wait3A_153 : memref<80x128xf32, #tpu.memory_space<vmem_shared>>) dst(%arg10 : memref<80x128xf32, #tpu.memory_space<vmem>>)
        tpu.yield
      }) : () -> ()
      %mul3A_145 = arith.constant 10000 : i32
      %mul3A_146 = arith.muli %arg0, %mul3A_145 : i32
      %add3A_147 = arith.addi %mul3A_146, %add3A_139 : i32
      "tpu.region"() ({
        %run_scoped3A = tpu.sem_alloc : memref<!tpu.dma_semaphore, #tpu.memory_space<semaphore_mem>>
        %dma_start3A = arith.constant 0 : i32
        %dma_start3A_148 = tpu.memref_slice %arg6[%add3A_147, %dma_start3A] : memref<20000x128xf32, #tpu.memory_space<hbm>> -> memref<80x128xf32, #tpu.memory_space<hbm>>
        %dma_start3A_149 = arith.constant 0 : i32
        %dma_start3A_150 = tpu.memref_slice %arg6[%add3A_147, %dma_start3A_149] : memref<20000x128xf32, #tpu.memory_space<hbm>> -> memref<80x128xf32, #tpu.memory_space<hbm>>
        tpu.enqueue_dma source(%arg10 : memref<80x128xf32, #tpu.memory_space<vmem>>) target(%dma_start3A_150 : memref<80x128xf32, #tpu.memory_space<hbm>>) target_semaphore(%run_scoped3A : memref<!tpu.dma_semaphore, #tpu.memory_space<semaphore_mem>>)
        %dma_wait3A = arith.constant 0 : i32
        %dma_wait3A_151 = tpu.memref_slice %arg6[%add3A_147, %dma_wait3A] : memref<20000x128xf32, #tpu.memory_space<hbm>> -> memref<80x128xf32, #tpu.memory_space<hbm>>
        %dma_wait3A_152 = arith.constant 0 : i32
        %dma_wait3A_153 = tpu.memref_slice %arg6[%add3A_147, %dma_wait3A_152] : memref<20000x128xf32, #tpu.memory_space<hbm>> -> memref<80x128xf32, #tpu.memory_space<hbm>>
        tpu.wait_dma2 semaphore(%run_scoped3A : memref<!tpu.dma_semaphore, #tpu.memory_space<semaphore_mem>>) src(%arg10 : memref<80x128xf32, #tpu.memory_space<vmem>>) dst(%dma_wait3A_153 : memref<80x128xf32, #tpu.memory_space<hbm>>)
        tpu.yield
      }) : () -> ()
    } else {
    }
    return
  }
}

#map = affine_map<(d0, d1) -> (0, 0)>
#map1 = affine_map<(d0, d1) -> (0)>
module attributes {stable_mosaic.version = 14 : i64} {
  func.func @_sc_aggregate(%arg0: i32, %arg1: i32, %arg2: memref<160000x128xf32, #tpu.memory_space<hbm>>, %arg3: memref<320000xi32, #tpu.memory_space<hbm>>, %arg4: memref<160000xi32, #tpu.memory_space<hbm>>, %arg5: memref<80x128xf32, #tpu.memory_space<hbm>>, %arg6: memref<20000x128xf32, #tpu.memory_space<hbm>>, %arg7: memref<80xi32, #tpu.memory_space<vmem>>, %arg8: memref<80xi32, #tpu.memory_space<vmem>>, %arg9: memref<80x128xf32, #tpu.memory_space<vmem>>, %arg10: memref<80x128xf32, #tpu.memory_space<vmem>>, %arg11: memref<10000x128xf32, #tpu.memory_space<vmem_shared>>, %arg12: memref<!tpu.dma_semaphore, #tpu.memory_space<semaphore_mem>>) attributes {dimension_semantics = [#tpu.dimension_semantics<core_parallel>, #tpu.dimension_semantics<subcore_parallel>], iteration_bounds = array<i64: 2, 16>, scalar_prefetch = 0 : i64, scratch_operands = 6 : i64, tpu.core_type = #tpu.core_type<sc_vector_subcore>, window_params = [{transform_indices = #map}, {transform_indices = #map1}, {transform_indices = #map1}, {transform_indices = #map}, {transform_indices = #map}]} {
    "tpu.region"() ({
      %run_scoped3A = tpu.sem_alloc : memref<!tpu.dma_semaphore, #tpu.memory_space<semaphore_mem>>
      tpu.enqueue_dma source(%arg5 : memref<80x128xf32, #tpu.memory_space<hbm>>) target(%arg10 : memref<80x128xf32, #tpu.memory_space<vmem>>) target_semaphore(%run_scoped3A : memref<!tpu.dma_semaphore, #tpu.memory_space<semaphore_mem>>)
      tpu.wait_dma2 semaphore(%run_scoped3A : memref<!tpu.dma_semaphore, #tpu.memory_space<semaphore_mem>>) src(%arg5 : memref<80x128xf32, #tpu.memory_space<hbm>>) dst(%arg10 : memref<80x128xf32, #tpu.memory_space<vmem>>)
      tpu.yield
    }) : () -> ()
    %mul3A = arith.constant 640 : i32
    %mul3A_0 = arith.muli %arg1, %mul3A : i32
    %add3A = arith.constant 0 : i32
    %add3A_1 = arith.addi %mul3A_0, %add3A : i32
    %lt3A = arith.constant 10000 : i32
    %lt3A_2 = arith.cmpi slt, %add3A_1, %lt3A : i32
    %convert_element_type3A = arith.extui %lt3A_2 : i1 to i32
    %cond3A = arith.constant 0 : i32
    %cond3A_3 = arith.cmpi ne, %convert_element_type3A, %cond3A : i32
    scf.if %cond3A_3 {
      "tpu.region"() ({
        %run_scoped3A = tpu.sem_alloc : memref<!tpu.dma_semaphore, #tpu.memory_space<semaphore_mem>>
        %dma_start3A = arith.constant 0 : i32
        %dma_start3A_145 = tpu.memref_slice %arg11[%add3A_1, %dma_start3A] : memref<10000x128xf32, #tpu.memory_space<vmem_shared>> -> memref<80x128xf32, #tpu.memory_space<vmem_shared>>
        %dma_start3A_146 = arith.constant 0 : i32
        %dma_start3A_147 = tpu.memref_slice %arg11[%add3A_1, %dma_start3A_146] : memref<10000x128xf32, #tpu.memory_space<vmem_shared>> -> memref<80x128xf32, #tpu.memory_space<vmem_shared>>
        tpu.enqueue_dma source(%arg10 : memref<80x128xf32, #tpu.memory_space<vmem>>) target(%dma_start3A_147 : memref<80x128xf32, #tpu.memory_space<vmem_shared>>) target_semaphore(%run_scoped3A : memref<!tpu.dma_semaphore, #tpu.memory_space<semaphore_mem>>)
        %dma_wait3A = arith.constant 0 : i32
        %dma_wait3A_148 = tpu.memref_slice %arg11[%add3A_1, %dma_wait3A] : memref<10000x128xf32, #tpu.memory_space<vmem_shared>> -> memref<80x128xf32, #tpu.memory_space<vmem_shared>>
        %dma_wait3A_149 = arith.constant 0 : i32
        %dma_wait3A_150 = tpu.memref_slice %arg11[%add3A_1, %dma_wait3A_149] : memref<10000x128xf32, #tpu.memory_space<vmem_shared>> -> memref<80x128xf32, #tpu.memory_space<vmem_shared>>
        tpu.wait_dma2 semaphore(%run_scoped3A : memref<!tpu.dma_semaphore, #tpu.memory_space<semaphore_mem>>) src(%arg10 : memref<80x128xf32, #tpu.memory_space<vmem>>) dst(%dma_wait3A_150 : memref<80x128xf32, #tpu.memory_space<vmem_shared>>)
        tpu.yield
      }) : () -> ()
    } else {
    }
    %mul3A_4 = arith.constant 640 : i32
    %mul3A_5 = arith.muli %arg1, %mul3A_4 : i32
    %add3A_6 = arith.constant 80 : i32
    %add3A_7 = arith.addi %mul3A_5, %add3A_6 : i32
    %lt3A_8 = arith.constant 10000 : i32
    %lt3A_9 = arith.cmpi slt, %add3A_7, %lt3A_8 : i32
    %convert_element_type3A_10 = arith.extui %lt3A_9 : i1 to i32
    %cond3A_11 = arith.constant 0 : i32
    %cond3A_12 = arith.cmpi ne, %convert_element_type3A_10, %cond3A_11 : i32
    scf.if %cond3A_12 {
      "tpu.region"() ({
        %run_scoped3A = tpu.sem_alloc : memref<!tpu.dma_semaphore, #tpu.memory_space<semaphore_mem>>
        %dma_start3A = arith.constant 0 : i32
        %dma_start3A_145 = tpu.memref_slice %arg11[%add3A_7, %dma_start3A] : memref<10000x128xf32, #tpu.memory_space<vmem_shared>> -> memref<80x128xf32, #tpu.memory_space<vmem_shared>>
        %dma_start3A_146 = arith.constant 0 : i32
        %dma_start3A_147 = tpu.memref_slice %arg11[%add3A_7, %dma_start3A_146] : memref<10000x128xf32, #tpu.memory_space<vmem_shared>> -> memref<80x128xf32, #tpu.memory_space<vmem_shared>>
        tpu.enqueue_dma source(%arg10 : memref<80x128xf32, #tpu.memory_space<vmem>>) target(%dma_start3A_147 : memref<80x128xf32, #tpu.memory_space<vmem_shared>>) target_semaphore(%run_scoped3A : memref<!tpu.dma_semaphore, #tpu.memory_space<semaphore_mem>>)
        %dma_wait3A = arith.constant 0 : i32
        %dma_wait3A_148 = tpu.memref_slice %arg11[%add3A_7, %dma_wait3A] : memref<10000x128xf32, #tpu.memory_space<vmem_shared>> -> memref<80x128xf32, #tpu.memory_space<vmem_shared>>
        %dma_wait3A_149 = arith.constant 0 : i32
        %dma_wait3A_150 = tpu.memref_slice %arg11[%add3A_7, %dma_wait3A_149] : memref<10000x128xf32, #tpu.memory_space<vmem_shared>> -> memref<80x128xf32, #tpu.memory_space<vmem_shared>>
        tpu.wait_dma2 semaphore(%run_scoped3A : memref<!tpu.dma_semaphore, #tpu.memory_space<semaphore_mem>>) src(%arg10 : memref<80x128xf32, #tpu.memory_space<vmem>>) dst(%dma_wait3A_150 : memref<80x128xf32, #tpu.memory_space<vmem_shared>>)
        tpu.yield
      }) : () -> ()
    } else {
    }
    %mul3A_13 = arith.constant 640 : i32
    %mul3A_14 = arith.muli %arg1, %mul3A_13 : i32
    %add3A_15 = arith.constant 160 : i32
    %add3A_16 = arith.addi %mul3A_14, %add3A_15 : i32
    %lt3A_17 = arith.constant 10000 : i32
    %lt3A_18 = arith.cmpi slt, %add3A_16, %lt3A_17 : i32
    %convert_element_type3A_19 = arith.extui %lt3A_18 : i1 to i32
    %cond3A_20 = arith.constant 0 : i32
    %cond3A_21 = arith.cmpi ne, %convert_element_type3A_19, %cond3A_20 : i32
    scf.if %cond3A_21 {
      "tpu.region"() ({
        %run_scoped3A = tpu.sem_alloc : memref<!tpu.dma_semaphore, #tpu.memory_space<semaphore_mem>>
        %dma_start3A = arith.constant 0 : i32
        %dma_start3A_145 = tpu.memref_slice %arg11[%add3A_16, %dma_start3A] : memref<10000x128xf32, #tpu.memory_space<vmem_shared>> -> memref<80x128xf32, #tpu.memory_space<vmem_shared>>
        %dma_start3A_146 = arith.constant 0 : i32
        %dma_start3A_147 = tpu.memref_slice %arg11[%add3A_16, %dma_start3A_146] : memref<10000x128xf32, #tpu.memory_space<vmem_shared>> -> memref<80x128xf32, #tpu.memory_space<vmem_shared>>
        tpu.enqueue_dma source(%arg10 : memref<80x128xf32, #tpu.memory_space<vmem>>) target(%dma_start3A_147 : memref<80x128xf32, #tpu.memory_space<vmem_shared>>) target_semaphore(%run_scoped3A : memref<!tpu.dma_semaphore, #tpu.memory_space<semaphore_mem>>)
        %dma_wait3A = arith.constant 0 : i32
        %dma_wait3A_148 = tpu.memref_slice %arg11[%add3A_16, %dma_wait3A] : memref<10000x128xf32, #tpu.memory_space<vmem_shared>> -> memref<80x128xf32, #tpu.memory_space<vmem_shared>>
        %dma_wait3A_149 = arith.constant 0 : i32
        %dma_wait3A_150 = tpu.memref_slice %arg11[%add3A_16, %dma_wait3A_149] : memref<10000x128xf32, #tpu.memory_space<vmem_shared>> -> memref<80x128xf32, #tpu.memory_space<vmem_shared>>
        tpu.wait_dma2 semaphore(%run_scoped3A : memref<!tpu.dma_semaphore, #tpu.memory_space<semaphore_mem>>) src(%arg10 : memref<80x128xf32, #tpu.memory_space<vmem>>) dst(%dma_wait3A_150 : memref<80x128xf32, #tpu.memory_space<vmem_shared>>)
        tpu.yield
      }) : () -> ()
    } else {
    }
    %mul3A_22 = arith.constant 640 : i32
    %mul3A_23 = arith.muli %arg1, %mul3A_22 : i32
    %add3A_24 = arith.constant 240 : i32
    %add3A_25 = arith.addi %mul3A_23, %add3A_24 : i32
    %lt3A_26 = arith.constant 10000 : i32
    %lt3A_27 = arith.cmpi slt, %add3A_25, %lt3A_26 : i32
    %convert_element_type3A_28 = arith.extui %lt3A_27 : i1 to i32
    %cond3A_29 = arith.constant 0 : i32
    %cond3A_30 = arith.cmpi ne, %convert_element_type3A_28, %cond3A_29 : i32
    scf.if %cond3A_30 {
      "tpu.region"() ({
        %run_scoped3A = tpu.sem_alloc : memref<!tpu.dma_semaphore, #tpu.memory_space<semaphore_mem>>
        %dma_start3A = arith.constant 0 : i32
        %dma_start3A_145 = tpu.memref_slice %arg11[%add3A_25, %dma_start3A] : memref<10000x128xf32, #tpu.memory_space<vmem_shared>> -> memref<80x128xf32, #tpu.memory_space<vmem_shared>>
        %dma_start3A_146 = arith.constant 0 : i32
        %dma_start3A_147 = tpu.memref_slice %arg11[%add3A_25, %dma_start3A_146] : memref<10000x128xf32, #tpu.memory_space<vmem_shared>> -> memref<80x128xf32, #tpu.memory_space<vmem_shared>>
        tpu.enqueue_dma source(%arg10 : memref<80x128xf32, #tpu.memory_space<vmem>>) target(%dma_start3A_147 : memref<80x128xf32, #tpu.memory_space<vmem_shared>>) target_semaphore(%run_scoped3A : memref<!tpu.dma_semaphore, #tpu.memory_space<semaphore_mem>>)
        %dma_wait3A = arith.constant 0 : i32
        %dma_wait3A_148 = tpu.memref_slice %arg11[%add3A_25, %dma_wait3A] : memref<10000x128xf32, #tpu.memory_space<vmem_shared>> -> memref<80x128xf32, #tpu.memory_space<vmem_shared>>
        %dma_wait3A_149 = arith.constant 0 : i32
        %dma_wait3A_150 = tpu.memref_slice %arg11[%add3A_25, %dma_wait3A_149] : memref<10000x128xf32, #tpu.memory_space<vmem_shared>> -> memref<80x128xf32, #tpu.memory_space<vmem_shared>>
        tpu.wait_dma2 semaphore(%run_scoped3A : memref<!tpu.dma_semaphore, #tpu.memory_space<semaphore_mem>>) src(%arg10 : memref<80x128xf32, #tpu.memory_space<vmem>>) dst(%dma_wait3A_150 : memref<80x128xf32, #tpu.memory_space<vmem_shared>>)
        tpu.yield
      }) : () -> ()
    } else {
    }
    %mul3A_31 = arith.constant 640 : i32
    %mul3A_32 = arith.muli %arg1, %mul3A_31 : i32
    %add3A_33 = arith.constant 320 : i32
    %add3A_34 = arith.addi %mul3A_32, %add3A_33 : i32
    %lt3A_35 = arith.constant 10000 : i32
    %lt3A_36 = arith.cmpi slt, %add3A_34, %lt3A_35 : i32
    %convert_element_type3A_37 = arith.extui %lt3A_36 : i1 to i32
    %cond3A_38 = arith.constant 0 : i32
    %cond3A_39 = arith.cmpi ne, %convert_element_type3A_37, %cond3A_38 : i32
    scf.if %cond3A_39 {
      "tpu.region"() ({
        %run_scoped3A = tpu.sem_alloc : memref<!tpu.dma_semaphore, #tpu.memory_space<semaphore_mem>>
        %dma_start3A = arith.constant 0 : i32
        %dma_start3A_145 = tpu.memref_slice %arg11[%add3A_34, %dma_start3A] : memref<10000x128xf32, #tpu.memory_space<vmem_shared>> -> memref<80x128xf32, #tpu.memory_space<vmem_shared>>
        %dma_start3A_146 = arith.constant 0 : i32
        %dma_start3A_147 = tpu.memref_slice %arg11[%add3A_34, %dma_start3A_146] : memref<10000x128xf32, #tpu.memory_space<vmem_shared>> -> memref<80x128xf32, #tpu.memory_space<vmem_shared>>
        tpu.enqueue_dma source(%arg10 : memref<80x128xf32, #tpu.memory_space<vmem>>) target(%dma_start3A_147 : memref<80x128xf32, #tpu.memory_space<vmem_shared>>) target_semaphore(%run_scoped3A : memref<!tpu.dma_semaphore, #tpu.memory_space<semaphore_mem>>)
        %dma_wait3A = arith.constant 0 : i32
        %dma_wait3A_148 = tpu.memref_slice %arg11[%add3A_34, %dma_wait3A] : memref<10000x128xf32, #tpu.memory_space<vmem_shared>> -> memref<80x128xf32, #tpu.memory_space<vmem_shared>>
        %dma_wait3A_149 = arith.constant 0 : i32
        %dma_wait3A_150 = tpu.memref_slice %arg11[%add3A_34, %dma_wait3A_149] : memref<10000x128xf32, #tpu.memory_space<vmem_shared>> -> memref<80x128xf32, #tpu.memory_space<vmem_shared>>
        tpu.wait_dma2 semaphore(%run_scoped3A : memref<!tpu.dma_semaphore, #tpu.memory_space<semaphore_mem>>) src(%arg10 : memref<80x128xf32, #tpu.memory_space<vmem>>) dst(%dma_wait3A_150 : memref<80x128xf32, #tpu.memory_space<vmem_shared>>)
        tpu.yield
      }) : () -> ()
    } else {
    }
    %mul3A_40 = arith.constant 640 : i32
    %mul3A_41 = arith.muli %arg1, %mul3A_40 : i32
    %add3A_42 = arith.constant 400 : i32
    %add3A_43 = arith.addi %mul3A_41, %add3A_42 : i32
    %lt3A_44 = arith.constant 10000 : i32
    %lt3A_45 = arith.cmpi slt, %add3A_43, %lt3A_44 : i32
    %convert_element_type3A_46 = arith.extui %lt3A_45 : i1 to i32
    %cond3A_47 = arith.constant 0 : i32
    %cond3A_48 = arith.cmpi ne, %convert_element_type3A_46, %cond3A_47 : i32
    scf.if %cond3A_48 {
      "tpu.region"() ({
        %run_scoped3A = tpu.sem_alloc : memref<!tpu.dma_semaphore, #tpu.memory_space<semaphore_mem>>
        %dma_start3A = arith.constant 0 : i32
        %dma_start3A_145 = tpu.memref_slice %arg11[%add3A_43, %dma_start3A] : memref<10000x128xf32, #tpu.memory_space<vmem_shared>> -> memref<80x128xf32, #tpu.memory_space<vmem_shared>>
        %dma_start3A_146 = arith.constant 0 : i32
        %dma_start3A_147 = tpu.memref_slice %arg11[%add3A_43, %dma_start3A_146] : memref<10000x128xf32, #tpu.memory_space<vmem_shared>> -> memref<80x128xf32, #tpu.memory_space<vmem_shared>>
        tpu.enqueue_dma source(%arg10 : memref<80x128xf32, #tpu.memory_space<vmem>>) target(%dma_start3A_147 : memref<80x128xf32, #tpu.memory_space<vmem_shared>>) target_semaphore(%run_scoped3A : memref<!tpu.dma_semaphore, #tpu.memory_space<semaphore_mem>>)
        %dma_wait3A = arith.constant 0 : i32
        %dma_wait3A_148 = tpu.memref_slice %arg11[%add3A_43, %dma_wait3A] : memref<10000x128xf32, #tpu.memory_space<vmem_shared>> -> memref<80x128xf32, #tpu.memory_space<vmem_shared>>
        %dma_wait3A_149 = arith.constant 0 : i32
        %dma_wait3A_150 = tpu.memref_slice %arg11[%add3A_43, %dma_wait3A_149] : memref<10000x128xf32, #tpu.memory_space<vmem_shared>> -> memref<80x128xf32, #tpu.memory_space<vmem_shared>>
        tpu.wait_dma2 semaphore(%run_scoped3A : memref<!tpu.dma_semaphore, #tpu.memory_space<semaphore_mem>>) src(%arg10 : memref<80x128xf32, #tpu.memory_space<vmem>>) dst(%dma_wait3A_150 : memref<80x128xf32, #tpu.memory_space<vmem_shared>>)
        tpu.yield
      }) : () -> ()
    } else {
    }
    %mul3A_49 = arith.constant 640 : i32
    %mul3A_50 = arith.muli %arg1, %mul3A_49 : i32
    %add3A_51 = arith.constant 480 : i32
    %add3A_52 = arith.addi %mul3A_50, %add3A_51 : i32
    %lt3A_53 = arith.constant 10000 : i32
    %lt3A_54 = arith.cmpi slt, %add3A_52, %lt3A_53 : i32
    %convert_element_type3A_55 = arith.extui %lt3A_54 : i1 to i32
    %cond3A_56 = arith.constant 0 : i32
    %cond3A_57 = arith.cmpi ne, %convert_element_type3A_55, %cond3A_56 : i32
    scf.if %cond3A_57 {
      "tpu.region"() ({
        %run_scoped3A = tpu.sem_alloc : memref<!tpu.dma_semaphore, #tpu.memory_space<semaphore_mem>>
        %dma_start3A = arith.constant 0 : i32
        %dma_start3A_145 = tpu.memref_slice %arg11[%add3A_52, %dma_start3A] : memref<10000x128xf32, #tpu.memory_space<vmem_shared>> -> memref<80x128xf32, #tpu.memory_space<vmem_shared>>
        %dma_start3A_146 = arith.constant 0 : i32
        %dma_start3A_147 = tpu.memref_slice %arg11[%add3A_52, %dma_start3A_146] : memref<10000x128xf32, #tpu.memory_space<vmem_shared>> -> memref<80x128xf32, #tpu.memory_space<vmem_shared>>
        tpu.enqueue_dma source(%arg10 : memref<80x128xf32, #tpu.memory_space<vmem>>) target(%dma_start3A_147 : memref<80x128xf32, #tpu.memory_space<vmem_shared>>) target_semaphore(%run_scoped3A : memref<!tpu.dma_semaphore, #tpu.memory_space<semaphore_mem>>)
        %dma_wait3A = arith.constant 0 : i32
        %dma_wait3A_148 = tpu.memref_slice %arg11[%add3A_52, %dma_wait3A] : memref<10000x128xf32, #tpu.memory_space<vmem_shared>> -> memref<80x128xf32, #tpu.memory_space<vmem_shared>>
        %dma_wait3A_149 = arith.constant 0 : i32
        %dma_wait3A_150 = tpu.memref_slice %arg11[%add3A_52, %dma_wait3A_149] : memref<10000x128xf32, #tpu.memory_space<vmem_shared>> -> memref<80x128xf32, #tpu.memory_space<vmem_shared>>
        tpu.wait_dma2 semaphore(%run_scoped3A : memref<!tpu.dma_semaphore, #tpu.memory_space<semaphore_mem>>) src(%arg10 : memref<80x128xf32, #tpu.memory_space<vmem>>) dst(%dma_wait3A_150 : memref<80x128xf32, #tpu.memory_space<vmem_shared>>)
        tpu.yield
      }) : () -> ()
    } else {
    }
    %mul3A_58 = arith.constant 640 : i32
    %mul3A_59 = arith.muli %arg1, %mul3A_58 : i32
    %add3A_60 = arith.constant 560 : i32
    %add3A_61 = arith.addi %mul3A_59, %add3A_60 : i32
    %lt3A_62 = arith.constant 10000 : i32
    %lt3A_63 = arith.cmpi slt, %add3A_61, %lt3A_62 : i32
    %convert_element_type3A_64 = arith.extui %lt3A_63 : i1 to i32
    %cond3A_65 = arith.constant 0 : i32
    %cond3A_66 = arith.cmpi ne, %convert_element_type3A_64, %cond3A_65 : i32
    scf.if %cond3A_66 {
      "tpu.region"() ({
        %run_scoped3A = tpu.sem_alloc : memref<!tpu.dma_semaphore, #tpu.memory_space<semaphore_mem>>
        %dma_start3A = arith.constant 0 : i32
        %dma_start3A_145 = tpu.memref_slice %arg11[%add3A_61, %dma_start3A] : memref<10000x128xf32, #tpu.memory_space<vmem_shared>> -> memref<80x128xf32, #tpu.memory_space<vmem_shared>>
        %dma_start3A_146 = arith.constant 0 : i32
        %dma_start3A_147 = tpu.memref_slice %arg11[%add3A_61, %dma_start3A_146] : memref<10000x128xf32, #tpu.memory_space<vmem_shared>> -> memref<80x128xf32, #tpu.memory_space<vmem_shared>>
        tpu.enqueue_dma source(%arg10 : memref<80x128xf32, #tpu.memory_space<vmem>>) target(%dma_start3A_147 : memref<80x128xf32, #tpu.memory_space<vmem_shared>>) target_semaphore(%run_scoped3A : memref<!tpu.dma_semaphore, #tpu.memory_space<semaphore_mem>>)
        %dma_wait3A = arith.constant 0 : i32
        %dma_wait3A_148 = tpu.memref_slice %arg11[%add3A_61, %dma_wait3A] : memref<10000x128xf32, #tpu.memory_space<vmem_shared>> -> memref<80x128xf32, #tpu.memory_space<vmem_shared>>
        %dma_wait3A_149 = arith.constant 0 : i32
        %dma_wait3A_150 = tpu.memref_slice %arg11[%add3A_61, %dma_wait3A_149] : memref<10000x128xf32, #tpu.memory_space<vmem_shared>> -> memref<80x128xf32, #tpu.memory_space<vmem_shared>>
        tpu.wait_dma2 semaphore(%run_scoped3A : memref<!tpu.dma_semaphore, #tpu.memory_space<semaphore_mem>>) src(%arg10 : memref<80x128xf32, #tpu.memory_space<vmem>>) dst(%dma_wait3A_150 : memref<80x128xf32, #tpu.memory_space<vmem_shared>>)
        tpu.yield
      }) : () -> ()
    } else {
    }
    %barrier3A = arith.constant 0 : index
    tpu.barrier barrier_id(%barrier3A)
    %scan3A = arith.constant 0 : i32
    %scan3A_67 = arith.constant 0 : i32
    %scan3A_68 = arith.constant 125 : i32
    %scan3A_69 = arith.addi %scan3A_67, %scan3A_68 : i32
    %scan3A_70 = arith.constant 1 : i32
    scf.for %scan3A_145 = %scan3A_67 to %scan3A_69 step %scan3A_70  : i32 {
      %mul3A_146 = arith.constant 10000 : i32
      %mul3A_147 = arith.muli %arg1, %mul3A_146 : i32
      %mul3A_148 = arith.constant 80 : i32
      %mul3A_149 = arith.muli %scan3A_145, %mul3A_148 : i32
      %add3A_150 = arith.addi %mul3A_147, %mul3A_149 : i32
      %mul3A_151 = arith.constant 160000 : i32
      %mul3A_152 = arith.muli %arg0, %mul3A_151 : i32
      %add3A_153 = arith.addi %mul3A_152, %add3A_150 : i32
      "tpu.region"() ({
        %run_scoped3A = tpu.sem_alloc : memref<!tpu.dma_semaphore, #tpu.memory_space<semaphore_mem>>
        %dma_start3A_158 = tpu.memref_slice %arg3[%add3A_153] : memref<320000xi32, #tpu.memory_space<hbm>> -> memref<80xi32, #tpu.memory_space<hbm>>
        %dma_start3A_159 = tpu.memref_slice %arg3[%add3A_153] : memref<320000xi32, #tpu.memory_space<hbm>> -> memref<80xi32, #tpu.memory_space<hbm>>
        tpu.enqueue_dma source(%dma_start3A_159 : memref<80xi32, #tpu.memory_space<hbm>>) target(%arg7 : memref<80xi32, #tpu.memory_space<vmem>>) target_semaphore(%run_scoped3A : memref<!tpu.dma_semaphore, #tpu.memory_space<semaphore_mem>>)
        %dma_wait3A_160 = tpu.memref_slice %arg3[%add3A_153] : memref<320000xi32, #tpu.memory_space<hbm>> -> memref<80xi32, #tpu.memory_space<hbm>>
        %dma_wait3A_161 = tpu.memref_slice %arg3[%add3A_153] : memref<320000xi32, #tpu.memory_space<hbm>> -> memref<80xi32, #tpu.memory_space<hbm>>
        tpu.wait_dma2 semaphore(%run_scoped3A : memref<!tpu.dma_semaphore, #tpu.memory_space<semaphore_mem>>) src(%dma_wait3A_161 : memref<80xi32, #tpu.memory_space<hbm>>) dst(%arg7 : memref<80xi32, #tpu.memory_space<vmem>>)
        tpu.yield
      }) : () -> ()
      "tpu.region"() ({
        %run_scoped3A = tpu.sem_alloc : memref<!tpu.dma_semaphore, #tpu.memory_space<semaphore_mem>>
        %dma_start3A_158 = tpu.memref_slice %arg4[%add3A_150] : memref<160000xi32, #tpu.memory_space<hbm>> -> memref<80xi32, #tpu.memory_space<hbm>>
        %dma_start3A_159 = tpu.memref_slice %arg4[%add3A_150] : memref<160000xi32, #tpu.memory_space<hbm>> -> memref<80xi32, #tpu.memory_space<hbm>>
        tpu.enqueue_dma source(%dma_start3A_159 : memref<80xi32, #tpu.memory_space<hbm>>) target(%arg8 : memref<80xi32, #tpu.memory_space<vmem>>) target_semaphore(%run_scoped3A : memref<!tpu.dma_semaphore, #tpu.memory_space<semaphore_mem>>)
        %dma_wait3A_160 = tpu.memref_slice %arg4[%add3A_150] : memref<160000xi32, #tpu.memory_space<hbm>> -> memref<80xi32, #tpu.memory_space<hbm>>
        %dma_wait3A_161 = tpu.memref_slice %arg4[%add3A_150] : memref<160000xi32, #tpu.memory_space<hbm>> -> memref<80xi32, #tpu.memory_space<hbm>>
        tpu.wait_dma2 semaphore(%run_scoped3A : memref<!tpu.dma_semaphore, #tpu.memory_space<semaphore_mem>>) src(%dma_wait3A_161 : memref<80xi32, #tpu.memory_space<hbm>>) dst(%arg8 : memref<80xi32, #tpu.memory_space<vmem>>)
        tpu.yield
      }) : () -> ()
      %dma_start3A = arith.constant 0 : i32
      %dma_start3A_154 = arith.constant 0 : i32
      %dma_start3A_155 = tpu.memref_slice %arg2[%dma_start3A, %dma_start3A_154] : memref<160000x128xf32, #tpu.memory_space<hbm>> -> memref<160000x128xf32, #tpu.memory_space<hbm>>
      tpu.enqueue_indirect_dma source(%dma_start3A_155 : memref<160000x128xf32, #tpu.memory_space<hbm>>) target(%arg9 : memref<80x128xf32, #tpu.memory_space<vmem>>) offsets(%arg7 : memref<80xi32, #tpu.memory_space<vmem>>) semaphore(%arg12 : memref<!tpu.dma_semaphore, #tpu.memory_space<semaphore_mem>>)
      %dma_wait3A = arith.constant 0 : i32
      %dma_wait3A_156 = arith.constant 0 : i32
      %dma_wait3A_157 = tpu.memref_slice %arg2[%dma_wait3A, %dma_wait3A_156] : memref<160000x128xf32, #tpu.memory_space<hbm>> -> memref<160000x128xf32, #tpu.memory_space<hbm>>
      tpu.wait_indirect_dma semaphore(%arg12 : memref<!tpu.dma_semaphore, #tpu.memory_space<semaphore_mem>>) src(%dma_wait3A_157 : memref<160000x128xf32, #tpu.memory_space<hbm>>) dst(%arg9 : memref<80x128xf32, #tpu.memory_space<vmem>>)
      "tpu.region"() ({
        %run_scoped3A = tpu.sem_alloc : memref<!tpu.dma_semaphore, #tpu.memory_space<semaphore_mem>>
        %dma_start3A_158 = arith.constant 0 : i32
        %dma_start3A_159 = arith.constant 0 : i32
        %dma_start3A_160 = tpu.memref_slice %arg11[%dma_start3A_158, %dma_start3A_159] : memref<10000x128xf32, #tpu.memory_space<vmem_shared>> -> memref<10000x128xf32, #tpu.memory_space<vmem_shared>>
        tpu.enqueue_indirect_dma source(%arg9 : memref<80x128xf32, #tpu.memory_space<vmem>>) target(%dma_start3A_160 : memref<10000x128xf32, #tpu.memory_space<vmem_shared>>) offsets(%arg8 : memref<80xi32, #tpu.memory_space<vmem>>) semaphore(%run_scoped3A : memref<!tpu.dma_semaphore, #tpu.memory_space<semaphore_mem>>) {add = true}
        %dma_wait3A_161 = arith.constant 0 : i32
        %dma_wait3A_162 = arith.constant 0 : i32
        %dma_wait3A_163 = tpu.memref_slice %arg11[%dma_wait3A_161, %dma_wait3A_162] : memref<10000x128xf32, #tpu.memory_space<vmem_shared>> -> memref<10000x128xf32, #tpu.memory_space<vmem_shared>>
        tpu.wait_indirect_dma semaphore(%run_scoped3A : memref<!tpu.dma_semaphore, #tpu.memory_space<semaphore_mem>>) src(%arg9 : memref<80x128xf32, #tpu.memory_space<vmem>>) dst(%dma_wait3A_163 : memref<10000x128xf32, #tpu.memory_space<vmem_shared>>)
        tpu.yield
      }) : () -> ()
    }
    %scan3A_71 = arith.constant 125 : i32
    %barrier3A_72 = arith.constant 0 : index
    tpu.barrier barrier_id(%barrier3A_72)
    %mul3A_73 = arith.constant 640 : i32
    %mul3A_74 = arith.muli %arg1, %mul3A_73 : i32
    %add3A_75 = arith.constant 0 : i32
    %add3A_76 = arith.addi %mul3A_74, %add3A_75 : i32
    %lt3A_77 = arith.constant 10000 : i32
    %lt3A_78 = arith.cmpi slt, %add3A_76, %lt3A_77 : i32
    %convert_element_type3A_79 = arith.extui %lt3A_78 : i1 to i32
    %cond3A_80 = arith.constant 0 : i32
    %cond3A_81 = arith.cmpi ne, %convert_element_type3A_79, %cond3A_80 : i32
    scf.if %cond3A_81 {
      "tpu.region"() ({
        %run_scoped3A = tpu.sem_alloc : memref<!tpu.dma_semaphore, #tpu.memory_space<semaphore_mem>>
        %dma_start3A = arith.constant 0 : i32
        %dma_start3A_148 = tpu.memref_slice %arg11[%add3A_76, %dma_start3A] : memref<10000x128xf32, #tpu.memory_space<vmem_shared>> -> memref<80x128xf32, #tpu.memory_space<vmem_shared>>
        %dma_start3A_149 = arith.constant 0 : i32
        %dma_start3A_150 = tpu.memref_slice %arg11[%add3A_76, %dma_start3A_149] : memref<10000x128xf32, #tpu.memory_space<vmem_shared>> -> memref<80x128xf32, #tpu.memory_space<vmem_shared>>
        tpu.enqueue_dma source(%dma_start3A_150 : memref<80x128xf32, #tpu.memory_space<vmem_shared>>) target(%arg10 : memref<80x128xf32, #tpu.memory_space<vmem>>) target_semaphore(%run_scoped3A : memref<!tpu.dma_semaphore, #tpu.memory_space<semaphore_mem>>)
        %dma_wait3A = arith.constant 0 : i32
        %dma_wait3A_151 = tpu.memref_slice %arg11[%add3A_76, %dma_wait3A] : memref<10000x128xf32, #tpu.memory_space<vmem_shared>> -> memref<80x128xf32, #tpu.memory_space<vmem_shared>>
        %dma_wait3A_152 = arith.constant 0 : i32
        %dma_wait3A_153 = tpu.memref_slice %arg11[%add3A_76, %dma_wait3A_152] : memref<10000x128xf32, #tpu.memory_space<vmem_shared>> -> memref<80x128xf32, #tpu.memory_space<vmem_shared>>
        tpu.wait_dma2 semaphore(%run_scoped3A : memref<!tpu.dma_semaphore, #tpu.memory_space<semaphore_mem>>) src(%dma_wait3A_153 : memref<80x128xf32, #tpu.memory_space<vmem_shared>>) dst(%arg10 : memref<80x128xf32, #tpu.memory_space<vmem>>)
        tpu.yield
      }) : () -> ()
      %mul3A_145 = arith.constant 10000 : i32
      %mul3A_146 = arith.muli %arg0, %mul3A_145 : i32
      %add3A_147 = arith.addi %mul3A_146, %add3A_76 : i32
      "tpu.region"() ({
        %run_scoped3A = tpu.sem_alloc : memref<!tpu.dma_semaphore, #tpu.memory_space<semaphore_mem>>
        %dma_start3A = arith.constant 0 : i32
        %dma_start3A_148 = tpu.memref_slice %arg6[%add3A_147, %dma_start3A] : memref<20000x128xf32, #tpu.memory_space<hbm>> -> memref<80x128xf32, #tpu.memory_space<hbm>>
        %dma_start3A_149 = arith.constant 0 : i32
        %dma_start3A_150 = tpu.memref_slice %arg6[%add3A_147, %dma_start3A_149] : memref<20000x128xf32, #tpu.memory_space<hbm>> -> memref<80x128xf32, #tpu.memory_space<hbm>>
        tpu.enqueue_dma source(%arg10 : memref<80x128xf32, #tpu.memory_space<vmem>>) target(%dma_start3A_150 : memref<80x128xf32, #tpu.memory_space<hbm>>) target_semaphore(%run_scoped3A : memref<!tpu.dma_semaphore, #tpu.memory_space<semaphore_mem>>)
        %dma_wait3A = arith.constant 0 : i32
        %dma_wait3A_151 = tpu.memref_slice %arg6[%add3A_147, %dma_wait3A] : memref<20000x128xf32, #tpu.memory_space<hbm>> -> memref<80x128xf32, #tpu.memory_space<hbm>>
        %dma_wait3A_152 = arith.constant 0 : i32
        %dma_wait3A_153 = tpu.memref_slice %arg6[%add3A_147, %dma_wait3A_152] : memref<20000x128xf32, #tpu.memory_space<hbm>> -> memref<80x128xf32, #tpu.memory_space<hbm>>
        tpu.wait_dma2 semaphore(%run_scoped3A : memref<!tpu.dma_semaphore, #tpu.memory_space<semaphore_mem>>) src(%arg10 : memref<80x128xf32, #tpu.memory_space<vmem>>) dst(%dma_wait3A_153 : memref<80x128xf32, #tpu.memory_space<hbm>>)
        tpu.yield
      }) : () -> ()
    } else {
    }
    %mul3A_82 = arith.constant 640 : i32
    %mul3A_83 = arith.muli %arg1, %mul3A_82 : i32
    %add3A_84 = arith.constant 80 : i32
    %add3A_85 = arith.addi %mul3A_83, %add3A_84 : i32
    %lt3A_86 = arith.constant 10000 : i32
    %lt3A_87 = arith.cmpi slt, %add3A_85, %lt3A_86 : i32
    %convert_element_type3A_88 = arith.extui %lt3A_87 : i1 to i32
    %cond3A_89 = arith.constant 0 : i32
    %cond3A_90 = arith.cmpi ne, %convert_element_type3A_88, %cond3A_89 : i32
    scf.if %cond3A_90 {
      "tpu.region"() ({
        %run_scoped3A = tpu.sem_alloc : memref<!tpu.dma_semaphore, #tpu.memory_space<semaphore_mem>>
        %dma_start3A = arith.constant 0 : i32
        %dma_start3A_148 = tpu.memref_slice %arg11[%add3A_85, %dma_start3A] : memref<10000x128xf32, #tpu.memory_space<vmem_shared>> -> memref<80x128xf32, #tpu.memory_space<vmem_shared>>
        %dma_start3A_149 = arith.constant 0 : i32
        %dma_start3A_150 = tpu.memref_slice %arg11[%add3A_85, %dma_start3A_149] : memref<10000x128xf32, #tpu.memory_space<vmem_shared>> -> memref<80x128xf32, #tpu.memory_space<vmem_shared>>
        tpu.enqueue_dma source(%dma_start3A_150 : memref<80x128xf32, #tpu.memory_space<vmem_shared>>) target(%arg10 : memref<80x128xf32, #tpu.memory_space<vmem>>) target_semaphore(%run_scoped3A : memref<!tpu.dma_semaphore, #tpu.memory_space<semaphore_mem>>)
        %dma_wait3A = arith.constant 0 : i32
        %dma_wait3A_151 = tpu.memref_slice %arg11[%add3A_85, %dma_wait3A] : memref<10000x128xf32, #tpu.memory_space<vmem_shared>> -> memref<80x128xf32, #tpu.memory_space<vmem_shared>>
        %dma_wait3A_152 = arith.constant 0 : i32
        %dma_wait3A_153 = tpu.memref_slice %arg11[%add3A_85, %dma_wait3A_152] : memref<10000x128xf32, #tpu.memory_space<vmem_shared>> -> memref<80x128xf32, #tpu.memory_space<vmem_shared>>
        tpu.wait_dma2 semaphore(%run_scoped3A : memref<!tpu.dma_semaphore, #tpu.memory_space<semaphore_mem>>) src(%dma_wait3A_153 : memref<80x128xf32, #tpu.memory_space<vmem_shared>>) dst(%arg10 : memref<80x128xf32, #tpu.memory_space<vmem>>)
        tpu.yield
      }) : () -> ()
      %mul3A_145 = arith.constant 10000 : i32
      %mul3A_146 = arith.muli %arg0, %mul3A_145 : i32
      %add3A_147 = arith.addi %mul3A_146, %add3A_85 : i32
      "tpu.region"() ({
        %run_scoped3A = tpu.sem_alloc : memref<!tpu.dma_semaphore, #tpu.memory_space<semaphore_mem>>
        %dma_start3A = arith.constant 0 : i32
        %dma_start3A_148 = tpu.memref_slice %arg6[%add3A_147, %dma_start3A] : memref<20000x128xf32, #tpu.memory_space<hbm>> -> memref<80x128xf32, #tpu.memory_space<hbm>>
        %dma_start3A_149 = arith.constant 0 : i32
        %dma_start3A_150 = tpu.memref_slice %arg6[%add3A_147, %dma_start3A_149] : memref<20000x128xf32, #tpu.memory_space<hbm>> -> memref<80x128xf32, #tpu.memory_space<hbm>>
        tpu.enqueue_dma source(%arg10 : memref<80x128xf32, #tpu.memory_space<vmem>>) target(%dma_start3A_150 : memref<80x128xf32, #tpu.memory_space<hbm>>) target_semaphore(%run_scoped3A : memref<!tpu.dma_semaphore, #tpu.memory_space<semaphore_mem>>)
        %dma_wait3A = arith.constant 0 : i32
        %dma_wait3A_151 = tpu.memref_slice %arg6[%add3A_147, %dma_wait3A] : memref<20000x128xf32, #tpu.memory_space<hbm>> -> memref<80x128xf32, #tpu.memory_space<hbm>>
        %dma_wait3A_152 = arith.constant 0 : i32
        %dma_wait3A_153 = tpu.memref_slice %arg6[%add3A_147, %dma_wait3A_152] : memref<20000x128xf32, #tpu.memory_space<hbm>> -> memref<80x128xf32, #tpu.memory_space<hbm>>
        tpu.wait_dma2 semaphore(%run_scoped3A : memref<!tpu.dma_semaphore, #tpu.memory_space<semaphore_mem>>) src(%arg10 : memref<80x128xf32, #tpu.memory_space<vmem>>) dst(%dma_wait3A_153 : memref<80x128xf32, #tpu.memory_space<hbm>>)
        tpu.yield
      }) : () -> ()
    } else {
    }
    %mul3A_91 = arith.constant 640 : i32
    %mul3A_92 = arith.muli %arg1, %mul3A_91 : i32
    %add3A_93 = arith.constant 160 : i32
    %add3A_94 = arith.addi %mul3A_92, %add3A_93 : i32
    %lt3A_95 = arith.constant 10000 : i32
    %lt3A_96 = arith.cmpi slt, %add3A_94, %lt3A_95 : i32
    %convert_element_type3A_97 = arith.extui %lt3A_96 : i1 to i32
    %cond3A_98 = arith.constant 0 : i32
    %cond3A_99 = arith.cmpi ne, %convert_element_type3A_97, %cond3A_98 : i32
    scf.if %cond3A_99 {
      "tpu.region"() ({
        %run_scoped3A = tpu.sem_alloc : memref<!tpu.dma_semaphore, #tpu.memory_space<semaphore_mem>>
        %dma_start3A = arith.constant 0 : i32
        %dma_start3A_148 = tpu.memref_slice %arg11[%add3A_94, %dma_start3A] : memref<10000x128xf32, #tpu.memory_space<vmem_shared>> -> memref<80x128xf32, #tpu.memory_space<vmem_shared>>
        %dma_start3A_149 = arith.constant 0 : i32
        %dma_start3A_150 = tpu.memref_slice %arg11[%add3A_94, %dma_start3A_149] : memref<10000x128xf32, #tpu.memory_space<vmem_shared>> -> memref<80x128xf32, #tpu.memory_space<vmem_shared>>
        tpu.enqueue_dma source(%dma_start3A_150 : memref<80x128xf32, #tpu.memory_space<vmem_shared>>) target(%arg10 : memref<80x128xf32, #tpu.memory_space<vmem>>) target_semaphore(%run_scoped3A : memref<!tpu.dma_semaphore, #tpu.memory_space<semaphore_mem>>)
        %dma_wait3A = arith.constant 0 : i32
        %dma_wait3A_151 = tpu.memref_slice %arg11[%add3A_94, %dma_wait3A] : memref<10000x128xf32, #tpu.memory_space<vmem_shared>> -> memref<80x128xf32, #tpu.memory_space<vmem_shared>>
        %dma_wait3A_152 = arith.constant 0 : i32
        %dma_wait3A_153 = tpu.memref_slice %arg11[%add3A_94, %dma_wait3A_152] : memref<10000x128xf32, #tpu.memory_space<vmem_shared>> -> memref<80x128xf32, #tpu.memory_space<vmem_shared>>
        tpu.wait_dma2 semaphore(%run_scoped3A : memref<!tpu.dma_semaphore, #tpu.memory_space<semaphore_mem>>) src(%dma_wait3A_153 : memref<80x128xf32, #tpu.memory_space<vmem_shared>>) dst(%arg10 : memref<80x128xf32, #tpu.memory_space<vmem>>)
        tpu.yield
      }) : () -> ()
      %mul3A_145 = arith.constant 10000 : i32
      %mul3A_146 = arith.muli %arg0, %mul3A_145 : i32
      %add3A_147 = arith.addi %mul3A_146, %add3A_94 : i32
      "tpu.region"() ({
        %run_scoped3A = tpu.sem_alloc : memref<!tpu.dma_semaphore, #tpu.memory_space<semaphore_mem>>
        %dma_start3A = arith.constant 0 : i32
        %dma_start3A_148 = tpu.memref_slice %arg6[%add3A_147, %dma_start3A] : memref<20000x128xf32, #tpu.memory_space<hbm>> -> memref<80x128xf32, #tpu.memory_space<hbm>>
        %dma_start3A_149 = arith.constant 0 : i32
        %dma_start3A_150 = tpu.memref_slice %arg6[%add3A_147, %dma_start3A_149] : memref<20000x128xf32, #tpu.memory_space<hbm>> -> memref<80x128xf32, #tpu.memory_space<hbm>>
        tpu.enqueue_dma source(%arg10 : memref<80x128xf32, #tpu.memory_space<vmem>>) target(%dma_start3A_150 : memref<80x128xf32, #tpu.memory_space<hbm>>) target_semaphore(%run_scoped3A : memref<!tpu.dma_semaphore, #tpu.memory_space<semaphore_mem>>)
        %dma_wait3A = arith.constant 0 : i32
        %dma_wait3A_151 = tpu.memref_slice %arg6[%add3A_147, %dma_wait3A] : memref<20000x128xf32, #tpu.memory_space<hbm>> -> memref<80x128xf32, #tpu.memory_space<hbm>>
        %dma_wait3A_152 = arith.constant 0 : i32
        %dma_wait3A_153 = tpu.memref_slice %arg6[%add3A_147, %dma_wait3A_152] : memref<20000x128xf32, #tpu.memory_space<hbm>> -> memref<80x128xf32, #tpu.memory_space<hbm>>
        tpu.wait_dma2 semaphore(%run_scoped3A : memref<!tpu.dma_semaphore, #tpu.memory_space<semaphore_mem>>) src(%arg10 : memref<80x128xf32, #tpu.memory_space<vmem>>) dst(%dma_wait3A_153 : memref<80x128xf32, #tpu.memory_space<hbm>>)
        tpu.yield
      }) : () -> ()
    } else {
    }
    %mul3A_100 = arith.constant 640 : i32
    %mul3A_101 = arith.muli %arg1, %mul3A_100 : i32
    %add3A_102 = arith.constant 240 : i32
    %add3A_103 = arith.addi %mul3A_101, %add3A_102 : i32
    %lt3A_104 = arith.constant 10000 : i32
    %lt3A_105 = arith.cmpi slt, %add3A_103, %lt3A_104 : i32
    %convert_element_type3A_106 = arith.extui %lt3A_105 : i1 to i32
    %cond3A_107 = arith.constant 0 : i32
    %cond3A_108 = arith.cmpi ne, %convert_element_type3A_106, %cond3A_107 : i32
    scf.if %cond3A_108 {
      "tpu.region"() ({
        %run_scoped3A = tpu.sem_alloc : memref<!tpu.dma_semaphore, #tpu.memory_space<semaphore_mem>>
        %dma_start3A = arith.constant 0 : i32
        %dma_start3A_148 = tpu.memref_slice %arg11[%add3A_103, %dma_start3A] : memref<10000x128xf32, #tpu.memory_space<vmem_shared>> -> memref<80x128xf32, #tpu.memory_space<vmem_shared>>
        %dma_start3A_149 = arith.constant 0 : i32
        %dma_start3A_150 = tpu.memref_slice %arg11[%add3A_103, %dma_start3A_149] : memref<10000x128xf32, #tpu.memory_space<vmem_shared>> -> memref<80x128xf32, #tpu.memory_space<vmem_shared>>
        tpu.enqueue_dma source(%dma_start3A_150 : memref<80x128xf32, #tpu.memory_space<vmem_shared>>) target(%arg10 : memref<80x128xf32, #tpu.memory_space<vmem>>) target_semaphore(%run_scoped3A : memref<!tpu.dma_semaphore, #tpu.memory_space<semaphore_mem>>)
        %dma_wait3A = arith.constant 0 : i32
        %dma_wait3A_151 = tpu.memref_slice %arg11[%add3A_103, %dma_wait3A] : memref<10000x128xf32, #tpu.memory_space<vmem_shared>> -> memref<80x128xf32, #tpu.memory_space<vmem_shared>>
        %dma_wait3A_152 = arith.constant 0 : i32
        %dma_wait3A_153 = tpu.memref_slice %arg11[%add3A_103, %dma_wait3A_152] : memref<10000x128xf32, #tpu.memory_space<vmem_shared>> -> memref<80x128xf32, #tpu.memory_space<vmem_shared>>
        tpu.wait_dma2 semaphore(%run_scoped3A : memref<!tpu.dma_semaphore, #tpu.memory_space<semaphore_mem>>) src(%dma_wait3A_153 : memref<80x128xf32, #tpu.memory_space<vmem_shared>>) dst(%arg10 : memref<80x128xf32, #tpu.memory_space<vmem>>)
        tpu.yield
      }) : () -> ()
      %mul3A_145 = arith.constant 10000 : i32
      %mul3A_146 = arith.muli %arg0, %mul3A_145 : i32
      %add3A_147 = arith.addi %mul3A_146, %add3A_103 : i32
      "tpu.region"() ({
        %run_scoped3A = tpu.sem_alloc : memref<!tpu.dma_semaphore, #tpu.memory_space<semaphore_mem>>
        %dma_start3A = arith.constant 0 : i32
        %dma_start3A_148 = tpu.memref_slice %arg6[%add3A_147, %dma_start3A] : memref<20000x128xf32, #tpu.memory_space<hbm>> -> memref<80x128xf32, #tpu.memory_space<hbm>>
        %dma_start3A_149 = arith.constant 0 : i32
        %dma_start3A_150 = tpu.memref_slice %arg6[%add3A_147, %dma_start3A_149] : memref<20000x128xf32, #tpu.memory_space<hbm>> -> memref<80x128xf32, #tpu.memory_space<hbm>>
        tpu.enqueue_dma source(%arg10 : memref<80x128xf32, #tpu.memory_space<vmem>>) target(%dma_start3A_150 : memref<80x128xf32, #tpu.memory_space<hbm>>) target_semaphore(%run_scoped3A : memref<!tpu.dma_semaphore, #tpu.memory_space<semaphore_mem>>)
        %dma_wait3A = arith.constant 0 : i32
        %dma_wait3A_151 = tpu.memref_slice %arg6[%add3A_147, %dma_wait3A] : memref<20000x128xf32, #tpu.memory_space<hbm>> -> memref<80x128xf32, #tpu.memory_space<hbm>>
        %dma_wait3A_152 = arith.constant 0 : i32
        %dma_wait3A_153 = tpu.memref_slice %arg6[%add3A_147, %dma_wait3A_152] : memref<20000x128xf32, #tpu.memory_space<hbm>> -> memref<80x128xf32, #tpu.memory_space<hbm>>
        tpu.wait_dma2 semaphore(%run_scoped3A : memref<!tpu.dma_semaphore, #tpu.memory_space<semaphore_mem>>) src(%arg10 : memref<80x128xf32, #tpu.memory_space<vmem>>) dst(%dma_wait3A_153 : memref<80x128xf32, #tpu.memory_space<hbm>>)
        tpu.yield
      }) : () -> ()
    } else {
    }
    %mul3A_109 = arith.constant 640 : i32
    %mul3A_110 = arith.muli %arg1, %mul3A_109 : i32
    %add3A_111 = arith.constant 320 : i32
    %add3A_112 = arith.addi %mul3A_110, %add3A_111 : i32
    %lt3A_113 = arith.constant 10000 : i32
    %lt3A_114 = arith.cmpi slt, %add3A_112, %lt3A_113 : i32
    %convert_element_type3A_115 = arith.extui %lt3A_114 : i1 to i32
    %cond3A_116 = arith.constant 0 : i32
    %cond3A_117 = arith.cmpi ne, %convert_element_type3A_115, %cond3A_116 : i32
    scf.if %cond3A_117 {
      "tpu.region"() ({
        %run_scoped3A = tpu.sem_alloc : memref<!tpu.dma_semaphore, #tpu.memory_space<semaphore_mem>>
        %dma_start3A = arith.constant 0 : i32
        %dma_start3A_148 = tpu.memref_slice %arg11[%add3A_112, %dma_start3A] : memref<10000x128xf32, #tpu.memory_space<vmem_shared>> -> memref<80x128xf32, #tpu.memory_space<vmem_shared>>
        %dma_start3A_149 = arith.constant 0 : i32
        %dma_start3A_150 = tpu.memref_slice %arg11[%add3A_112, %dma_start3A_149] : memref<10000x128xf32, #tpu.memory_space<vmem_shared>> -> memref<80x128xf32, #tpu.memory_space<vmem_shared>>
        tpu.enqueue_dma source(%dma_start3A_150 : memref<80x128xf32, #tpu.memory_space<vmem_shared>>) target(%arg10 : memref<80x128xf32, #tpu.memory_space<vmem>>) target_semaphore(%run_scoped3A : memref<!tpu.dma_semaphore, #tpu.memory_space<semaphore_mem>>)
        %dma_wait3A = arith.constant 0 : i32
        %dma_wait3A_151 = tpu.memref_slice %arg11[%add3A_112, %dma_wait3A] : memref<10000x128xf32, #tpu.memory_space<vmem_shared>> -> memref<80x128xf32, #tpu.memory_space<vmem_shared>>
        %dma_wait3A_152 = arith.constant 0 : i32
        %dma_wait3A_153 = tpu.memref_slice %arg11[%add3A_112, %dma_wait3A_152] : memref<10000x128xf32, #tpu.memory_space<vmem_shared>> -> memref<80x128xf32, #tpu.memory_space<vmem_shared>>
        tpu.wait_dma2 semaphore(%run_scoped3A : memref<!tpu.dma_semaphore, #tpu.memory_space<semaphore_mem>>) src(%dma_wait3A_153 : memref<80x128xf32, #tpu.memory_space<vmem_shared>>) dst(%arg10 : memref<80x128xf32, #tpu.memory_space<vmem>>)
        tpu.yield
      }) : () -> ()
      %mul3A_145 = arith.constant 10000 : i32
      %mul3A_146 = arith.muli %arg0, %mul3A_145 : i32
      %add3A_147 = arith.addi %mul3A_146, %add3A_112 : i32
      "tpu.region"() ({
        %run_scoped3A = tpu.sem_alloc : memref<!tpu.dma_semaphore, #tpu.memory_space<semaphore_mem>>
        %dma_start3A = arith.constant 0 : i32
        %dma_start3A_148 = tpu.memref_slice %arg6[%add3A_147, %dma_start3A] : memref<20000x128xf32, #tpu.memory_space<hbm>> -> memref<80x128xf32, #tpu.memory_space<hbm>>
        %dma_start3A_149 = arith.constant 0 : i32
        %dma_start3A_150 = tpu.memref_slice %arg6[%add3A_147, %dma_start3A_149] : memref<20000x128xf32, #tpu.memory_space<hbm>> -> memref<80x128xf32, #tpu.memory_space<hbm>>
        tpu.enqueue_dma source(%arg10 : memref<80x128xf32, #tpu.memory_space<vmem>>) target(%dma_start3A_150 : memref<80x128xf32, #tpu.memory_space<hbm>>) target_semaphore(%run_scoped3A : memref<!tpu.dma_semaphore, #tpu.memory_space<semaphore_mem>>)
        %dma_wait3A = arith.constant 0 : i32
        %dma_wait3A_151 = tpu.memref_slice %arg6[%add3A_147, %dma_wait3A] : memref<20000x128xf32, #tpu.memory_space<hbm>> -> memref<80x128xf32, #tpu.memory_space<hbm>>
        %dma_wait3A_152 = arith.constant 0 : i32
        %dma_wait3A_153 = tpu.memref_slice %arg6[%add3A_147, %dma_wait3A_152] : memref<20000x128xf32, #tpu.memory_space<hbm>> -> memref<80x128xf32, #tpu.memory_space<hbm>>
        tpu.wait_dma2 semaphore(%run_scoped3A : memref<!tpu.dma_semaphore, #tpu.memory_space<semaphore_mem>>) src(%arg10 : memref<80x128xf32, #tpu.memory_space<vmem>>) dst(%dma_wait3A_153 : memref<80x128xf32, #tpu.memory_space<hbm>>)
        tpu.yield
      }) : () -> ()
    } else {
    }
    %mul3A_118 = arith.constant 640 : i32
    %mul3A_119 = arith.muli %arg1, %mul3A_118 : i32
    %add3A_120 = arith.constant 400 : i32
    %add3A_121 = arith.addi %mul3A_119, %add3A_120 : i32
    %lt3A_122 = arith.constant 10000 : i32
    %lt3A_123 = arith.cmpi slt, %add3A_121, %lt3A_122 : i32
    %convert_element_type3A_124 = arith.extui %lt3A_123 : i1 to i32
    %cond3A_125 = arith.constant 0 : i32
    %cond3A_126 = arith.cmpi ne, %convert_element_type3A_124, %cond3A_125 : i32
    scf.if %cond3A_126 {
      "tpu.region"() ({
        %run_scoped3A = tpu.sem_alloc : memref<!tpu.dma_semaphore, #tpu.memory_space<semaphore_mem>>
        %dma_start3A = arith.constant 0 : i32
        %dma_start3A_148 = tpu.memref_slice %arg11[%add3A_121, %dma_start3A] : memref<10000x128xf32, #tpu.memory_space<vmem_shared>> -> memref<80x128xf32, #tpu.memory_space<vmem_shared>>
        %dma_start3A_149 = arith.constant 0 : i32
        %dma_start3A_150 = tpu.memref_slice %arg11[%add3A_121, %dma_start3A_149] : memref<10000x128xf32, #tpu.memory_space<vmem_shared>> -> memref<80x128xf32, #tpu.memory_space<vmem_shared>>
        tpu.enqueue_dma source(%dma_start3A_150 : memref<80x128xf32, #tpu.memory_space<vmem_shared>>) target(%arg10 : memref<80x128xf32, #tpu.memory_space<vmem>>) target_semaphore(%run_scoped3A : memref<!tpu.dma_semaphore, #tpu.memory_space<semaphore_mem>>)
        %dma_wait3A = arith.constant 0 : i32
        %dma_wait3A_151 = tpu.memref_slice %arg11[%add3A_121, %dma_wait3A] : memref<10000x128xf32, #tpu.memory_space<vmem_shared>> -> memref<80x128xf32, #tpu.memory_space<vmem_shared>>
        %dma_wait3A_152 = arith.constant 0 : i32
        %dma_wait3A_153 = tpu.memref_slice %arg11[%add3A_121, %dma_wait3A_152] : memref<10000x128xf32, #tpu.memory_space<vmem_shared>> -> memref<80x128xf32, #tpu.memory_space<vmem_shared>>
        tpu.wait_dma2 semaphore(%run_scoped3A : memref<!tpu.dma_semaphore, #tpu.memory_space<semaphore_mem>>) src(%dma_wait3A_153 : memref<80x128xf32, #tpu.memory_space<vmem_shared>>) dst(%arg10 : memref<80x128xf32, #tpu.memory_space<vmem>>)
        tpu.yield
      }) : () -> ()
      %mul3A_145 = arith.constant 10000 : i32
      %mul3A_146 = arith.muli %arg0, %mul3A_145 : i32
      %add3A_147 = arith.addi %mul3A_146, %add3A_121 : i32
      "tpu.region"() ({
        %run_scoped3A = tpu.sem_alloc : memref<!tpu.dma_semaphore, #tpu.memory_space<semaphore_mem>>
        %dma_start3A = arith.constant 0 : i32
        %dma_start3A_148 = tpu.memref_slice %arg6[%add3A_147, %dma_start3A] : memref<20000x128xf32, #tpu.memory_space<hbm>> -> memref<80x128xf32, #tpu.memory_space<hbm>>
        %dma_start3A_149 = arith.constant 0 : i32
        %dma_start3A_150 = tpu.memref_slice %arg6[%add3A_147, %dma_start3A_149] : memref<20000x128xf32, #tpu.memory_space<hbm>> -> memref<80x128xf32, #tpu.memory_space<hbm>>
        tpu.enqueue_dma source(%arg10 : memref<80x128xf32, #tpu.memory_space<vmem>>) target(%dma_start3A_150 : memref<80x128xf32, #tpu.memory_space<hbm>>) target_semaphore(%run_scoped3A : memref<!tpu.dma_semaphore, #tpu.memory_space<semaphore_mem>>)
        %dma_wait3A = arith.constant 0 : i32
        %dma_wait3A_151 = tpu.memref_slice %arg6[%add3A_147, %dma_wait3A] : memref<20000x128xf32, #tpu.memory_space<hbm>> -> memref<80x128xf32, #tpu.memory_space<hbm>>
        %dma_wait3A_152 = arith.constant 0 : i32
        %dma_wait3A_153 = tpu.memref_slice %arg6[%add3A_147, %dma_wait3A_152] : memref<20000x128xf32, #tpu.memory_space<hbm>> -> memref<80x128xf32, #tpu.memory_space<hbm>>
        tpu.wait_dma2 semaphore(%run_scoped3A : memref<!tpu.dma_semaphore, #tpu.memory_space<semaphore_mem>>) src(%arg10 : memref<80x128xf32, #tpu.memory_space<vmem>>) dst(%dma_wait3A_153 : memref<80x128xf32, #tpu.memory_space<hbm>>)
        tpu.yield
      }) : () -> ()
    } else {
    }
    %mul3A_127 = arith.constant 640 : i32
    %mul3A_128 = arith.muli %arg1, %mul3A_127 : i32
    %add3A_129 = arith.constant 480 : i32
    %add3A_130 = arith.addi %mul3A_128, %add3A_129 : i32
    %lt3A_131 = arith.constant 10000 : i32
    %lt3A_132 = arith.cmpi slt, %add3A_130, %lt3A_131 : i32
    %convert_element_type3A_133 = arith.extui %lt3A_132 : i1 to i32
    %cond3A_134 = arith.constant 0 : i32
    %cond3A_135 = arith.cmpi ne, %convert_element_type3A_133, %cond3A_134 : i32
    scf.if %cond3A_135 {
      "tpu.region"() ({
        %run_scoped3A = tpu.sem_alloc : memref<!tpu.dma_semaphore, #tpu.memory_space<semaphore_mem>>
        %dma_start3A = arith.constant 0 : i32
        %dma_start3A_148 = tpu.memref_slice %arg11[%add3A_130, %dma_start3A] : memref<10000x128xf32, #tpu.memory_space<vmem_shared>> -> memref<80x128xf32, #tpu.memory_space<vmem_shared>>
        %dma_start3A_149 = arith.constant 0 : i32
        %dma_start3A_150 = tpu.memref_slice %arg11[%add3A_130, %dma_start3A_149] : memref<10000x128xf32, #tpu.memory_space<vmem_shared>> -> memref<80x128xf32, #tpu.memory_space<vmem_shared>>
        tpu.enqueue_dma source(%dma_start3A_150 : memref<80x128xf32, #tpu.memory_space<vmem_shared>>) target(%arg10 : memref<80x128xf32, #tpu.memory_space<vmem>>) target_semaphore(%run_scoped3A : memref<!tpu.dma_semaphore, #tpu.memory_space<semaphore_mem>>)
        %dma_wait3A = arith.constant 0 : i32
        %dma_wait3A_151 = tpu.memref_slice %arg11[%add3A_130, %dma_wait3A] : memref<10000x128xf32, #tpu.memory_space<vmem_shared>> -> memref<80x128xf32, #tpu.memory_space<vmem_shared>>
        %dma_wait3A_152 = arith.constant 0 : i32
        %dma_wait3A_153 = tpu.memref_slice %arg11[%add3A_130, %dma_wait3A_152] : memref<10000x128xf32, #tpu.memory_space<vmem_shared>> -> memref<80x128xf32, #tpu.memory_space<vmem_shared>>
        tpu.wait_dma2 semaphore(%run_scoped3A : memref<!tpu.dma_semaphore, #tpu.memory_space<semaphore_mem>>) src(%dma_wait3A_153 : memref<80x128xf32, #tpu.memory_space<vmem_shared>>) dst(%arg10 : memref<80x128xf32, #tpu.memory_space<vmem>>)
        tpu.yield
      }) : () -> ()
      %mul3A_145 = arith.constant 10000 : i32
      %mul3A_146 = arith.muli %arg0, %mul3A_145 : i32
      %add3A_147 = arith.addi %mul3A_146, %add3A_130 : i32
      "tpu.region"() ({
        %run_scoped3A = tpu.sem_alloc : memref<!tpu.dma_semaphore, #tpu.memory_space<semaphore_mem>>
        %dma_start3A = arith.constant 0 : i32
        %dma_start3A_148 = tpu.memref_slice %arg6[%add3A_147, %dma_start3A] : memref<20000x128xf32, #tpu.memory_space<hbm>> -> memref<80x128xf32, #tpu.memory_space<hbm>>
        %dma_start3A_149 = arith.constant 0 : i32
        %dma_start3A_150 = tpu.memref_slice %arg6[%add3A_147, %dma_start3A_149] : memref<20000x128xf32, #tpu.memory_space<hbm>> -> memref<80x128xf32, #tpu.memory_space<hbm>>
        tpu.enqueue_dma source(%arg10 : memref<80x128xf32, #tpu.memory_space<vmem>>) target(%dma_start3A_150 : memref<80x128xf32, #tpu.memory_space<hbm>>) target_semaphore(%run_scoped3A : memref<!tpu.dma_semaphore, #tpu.memory_space<semaphore_mem>>)
        %dma_wait3A = arith.constant 0 : i32
        %dma_wait3A_151 = tpu.memref_slice %arg6[%add3A_147, %dma_wait3A] : memref<20000x128xf32, #tpu.memory_space<hbm>> -> memref<80x128xf32, #tpu.memory_space<hbm>>
        %dma_wait3A_152 = arith.constant 0 : i32
        %dma_wait3A_153 = tpu.memref_slice %arg6[%add3A_147, %dma_wait3A_152] : memref<20000x128xf32, #tpu.memory_space<hbm>> -> memref<80x128xf32, #tpu.memory_space<hbm>>
        tpu.wait_dma2 semaphore(%run_scoped3A : memref<!tpu.dma_semaphore, #tpu.memory_space<semaphore_mem>>) src(%arg10 : memref<80x128xf32, #tpu.memory_space<vmem>>) dst(%dma_wait3A_153 : memref<80x128xf32, #tpu.memory_space<hbm>>)
        tpu.yield
      }) : () -> ()
    } else {
    }
    %mul3A_136 = arith.constant 640 : i32
    %mul3A_137 = arith.muli %arg1, %mul3A_136 : i32
    %add3A_138 = arith.constant 560 : i32
    %add3A_139 = arith.addi %mul3A_137, %add3A_138 : i32
    %lt3A_140 = arith.constant 10000 : i32
    %lt3A_141 = arith.cmpi slt, %add3A_139, %lt3A_140 : i32
    %convert_element_type3A_142 = arith.extui %lt3A_141 : i1 to i32
    %cond3A_143 = arith.constant 0 : i32
    %cond3A_144 = arith.cmpi ne, %convert_element_type3A_142, %cond3A_143 : i32
    scf.if %cond3A_144 {
      "tpu.region"() ({
        %run_scoped3A = tpu.sem_alloc : memref<!tpu.dma_semaphore, #tpu.memory_space<semaphore_mem>>
        %dma_start3A = arith.constant 0 : i32
        %dma_start3A_148 = tpu.memref_slice %arg11[%add3A_139, %dma_start3A] : memref<10000x128xf32, #tpu.memory_space<vmem_shared>> -> memref<80x128xf32, #tpu.memory_space<vmem_shared>>
        %dma_start3A_149 = arith.constant 0 : i32
        %dma_start3A_150 = tpu.memref_slice %arg11[%add3A_139, %dma_start3A_149] : memref<10000x128xf32, #tpu.memory_space<vmem_shared>> -> memref<80x128xf32, #tpu.memory_space<vmem_shared>>
        tpu.enqueue_dma source(%dma_start3A_150 : memref<80x128xf32, #tpu.memory_space<vmem_shared>>) target(%arg10 : memref<80x128xf32, #tpu.memory_space<vmem>>) target_semaphore(%run_scoped3A : memref<!tpu.dma_semaphore, #tpu.memory_space<semaphore_mem>>)
        %dma_wait3A = arith.constant 0 : i32
        %dma_wait3A_151 = tpu.memref_slice %arg11[%add3A_139, %dma_wait3A] : memref<10000x128xf32, #tpu.memory_space<vmem_shared>> -> memref<80x128xf32, #tpu.memory_space<vmem_shared>>
        %dma_wait3A_152 = arith.constant 0 : i32
        %dma_wait3A_153 = tpu.memref_slice %arg11[%add3A_139, %dma_wait3A_152] : memref<10000x128xf32, #tpu.memory_space<vmem_shared>> -> memref<80x128xf32, #tpu.memory_space<vmem_shared>>
        tpu.wait_dma2 semaphore(%run_scoped3A : memref<!tpu.dma_semaphore, #tpu.memory_space<semaphore_mem>>) src(%dma_wait3A_153 : memref<80x128xf32, #tpu.memory_space<vmem_shared>>) dst(%arg10 : memref<80x128xf32, #tpu.memory_space<vmem>>)
        tpu.yield
      }) : () -> ()
      %mul3A_145 = arith.constant 10000 : i32
      %mul3A_146 = arith.muli %arg0, %mul3A_145 : i32
      %add3A_147 = arith.addi %mul3A_146, %add3A_139 : i32
      "tpu.region"() ({
        %run_scoped3A = tpu.sem_alloc : memref<!tpu.dma_semaphore, #tpu.memory_space<semaphore_mem>>
        %dma_start3A = arith.constant 0 : i32
        %dma_start3A_148 = tpu.memref_slice %arg6[%add3A_147, %dma_start3A] : memref<20000x128xf32, #tpu.memory_space<hbm>> -> memref<80x128xf32, #tpu.memory_space<hbm>>
        %dma_start3A_149 = arith.constant 0 : i32
        %dma_start3A_150 = tpu.memref_slice %arg6[%add3A_147, %dma_start3A_149] : memref<20000x128xf32, #tpu.memory_space<hbm>> -> memref<80x128xf32, #tpu.memory_space<hbm>>
        tpu.enqueue_dma source(%arg10 : memref<80x128xf32, #tpu.memory_space<vmem>>) target(%dma_start3A_150 : memref<80x128xf32, #tpu.memory_space<hbm>>) target_semaphore(%run_scoped3A : memref<!tpu.dma_semaphore, #tpu.memory_space<semaphore_mem>>)
        %dma_wait3A = arith.constant 0 : i32
        %dma_wait3A_151 = tpu.memref_slice %arg6[%add3A_147, %dma_wait3A] : memref<20000x128xf32, #tpu.memory_space<hbm>> -> memref<80x128xf32, #tpu.memory_space<hbm>>
        %dma_wait3A_152 = arith.constant 0 : i32
        %dma_wait3A_153 = tpu.memref_slice %arg6[%add3A_147, %dma_wait3A_152] : memref<20000x128xf32, #tpu.memory_space<hbm>> -> memref<80x128xf32, #tpu.memory_space<hbm>>
        tpu.wait_dma2 semaphore(%run_scoped3A : memref<!tpu.dma_semaphore, #tpu.memory_space<semaphore_mem>>) src(%arg10 : memref<80x128xf32, #tpu.memory_space<vmem>>) dst(%dma_wait3A_153 : memref<80x128xf32, #tpu.memory_space<hbm>>)
        tpu.yield
      }) : () -> ()
    } else {
    }
    return
  }
}

#map = affine_map<(d0, d1) -> (0, 0)>
#map1 = affine_map<(d0, d1) -> (0)>
module attributes {stable_mosaic.version = 14 : i64} {
  func.func @_sc_aggregate(%arg0: i32, %arg1: i32, %arg2: memref<160000x128xf32, #tpu.memory_space<hbm>>, %arg3: memref<320000xi32, #tpu.memory_space<hbm>>, %arg4: memref<160000xi32, #tpu.memory_space<hbm>>, %arg5: memref<80x128xf32, #tpu.memory_space<hbm>>, %arg6: memref<20000x128xf32, #tpu.memory_space<hbm>>, %arg7: memref<80xi32, #tpu.memory_space<vmem>>, %arg8: memref<80xi32, #tpu.memory_space<vmem>>, %arg9: memref<80x128xf32, #tpu.memory_space<vmem>>, %arg10: memref<80x128xf32, #tpu.memory_space<vmem>>, %arg11: memref<10000x128xf32, #tpu.memory_space<vmem_shared>>, %arg12: memref<!tpu.dma_semaphore, #tpu.memory_space<semaphore_mem>>) attributes {dimension_semantics = [#tpu.dimension_semantics<core_parallel>, #tpu.dimension_semantics<subcore_parallel>], iteration_bounds = array<i64: 2, 16>, scalar_prefetch = 0 : i64, scratch_operands = 6 : i64, tpu.core_type = #tpu.core_type<sc_vector_subcore>, window_params = [{transform_indices = #map}, {transform_indices = #map1}, {transform_indices = #map1}, {transform_indices = #map}, {transform_indices = #map}]} {
    "tpu.region"() ({
      %run_scoped3A = tpu.sem_alloc : memref<!tpu.dma_semaphore, #tpu.memory_space<semaphore_mem>>
      tpu.enqueue_dma source(%arg5 : memref<80x128xf32, #tpu.memory_space<hbm>>) target(%arg10 : memref<80x128xf32, #tpu.memory_space<vmem>>) target_semaphore(%run_scoped3A : memref<!tpu.dma_semaphore, #tpu.memory_space<semaphore_mem>>)
      tpu.wait_dma2 semaphore(%run_scoped3A : memref<!tpu.dma_semaphore, #tpu.memory_space<semaphore_mem>>) src(%arg5 : memref<80x128xf32, #tpu.memory_space<hbm>>) dst(%arg10 : memref<80x128xf32, #tpu.memory_space<vmem>>)
      tpu.yield
    }) : () -> ()
    %mul3A = arith.constant 640 : i32
    %mul3A_0 = arith.muli %arg1, %mul3A : i32
    %add3A = arith.constant 0 : i32
    %add3A_1 = arith.addi %mul3A_0, %add3A : i32
    %lt3A = arith.constant 10000 : i32
    %lt3A_2 = arith.cmpi slt, %add3A_1, %lt3A : i32
    %convert_element_type3A = arith.extui %lt3A_2 : i1 to i32
    %cond3A = arith.constant 0 : i32
    %cond3A_3 = arith.cmpi ne, %convert_element_type3A, %cond3A : i32
    scf.if %cond3A_3 {
      "tpu.region"() ({
        %run_scoped3A = tpu.sem_alloc : memref<!tpu.dma_semaphore, #tpu.memory_space<semaphore_mem>>
        %dma_start3A = arith.constant 0 : i32
        %dma_start3A_145 = tpu.memref_slice %arg11[%add3A_1, %dma_start3A] : memref<10000x128xf32, #tpu.memory_space<vmem_shared>> -> memref<80x128xf32, #tpu.memory_space<vmem_shared>>
        %dma_start3A_146 = arith.constant 0 : i32
        %dma_start3A_147 = tpu.memref_slice %arg11[%add3A_1, %dma_start3A_146] : memref<10000x128xf32, #tpu.memory_space<vmem_shared>> -> memref<80x128xf32, #tpu.memory_space<vmem_shared>>
        tpu.enqueue_dma source(%arg10 : memref<80x128xf32, #tpu.memory_space<vmem>>) target(%dma_start3A_147 : memref<80x128xf32, #tpu.memory_space<vmem_shared>>) target_semaphore(%run_scoped3A : memref<!tpu.dma_semaphore, #tpu.memory_space<semaphore_mem>>)
        %dma_wait3A = arith.constant 0 : i32
        %dma_wait3A_148 = tpu.memref_slice %arg11[%add3A_1, %dma_wait3A] : memref<10000x128xf32, #tpu.memory_space<vmem_shared>> -> memref<80x128xf32, #tpu.memory_space<vmem_shared>>
        %dma_wait3A_149 = arith.constant 0 : i32
        %dma_wait3A_150 = tpu.memref_slice %arg11[%add3A_1, %dma_wait3A_149] : memref<10000x128xf32, #tpu.memory_space<vmem_shared>> -> memref<80x128xf32, #tpu.memory_space<vmem_shared>>
        tpu.wait_dma2 semaphore(%run_scoped3A : memref<!tpu.dma_semaphore, #tpu.memory_space<semaphore_mem>>) src(%arg10 : memref<80x128xf32, #tpu.memory_space<vmem>>) dst(%dma_wait3A_150 : memref<80x128xf32, #tpu.memory_space<vmem_shared>>)
        tpu.yield
      }) : () -> ()
    } else {
    }
    %mul3A_4 = arith.constant 640 : i32
    %mul3A_5 = arith.muli %arg1, %mul3A_4 : i32
    %add3A_6 = arith.constant 80 : i32
    %add3A_7 = arith.addi %mul3A_5, %add3A_6 : i32
    %lt3A_8 = arith.constant 10000 : i32
    %lt3A_9 = arith.cmpi slt, %add3A_7, %lt3A_8 : i32
    %convert_element_type3A_10 = arith.extui %lt3A_9 : i1 to i32
    %cond3A_11 = arith.constant 0 : i32
    %cond3A_12 = arith.cmpi ne, %convert_element_type3A_10, %cond3A_11 : i32
    scf.if %cond3A_12 {
      "tpu.region"() ({
        %run_scoped3A = tpu.sem_alloc : memref<!tpu.dma_semaphore, #tpu.memory_space<semaphore_mem>>
        %dma_start3A = arith.constant 0 : i32
        %dma_start3A_145 = tpu.memref_slice %arg11[%add3A_7, %dma_start3A] : memref<10000x128xf32, #tpu.memory_space<vmem_shared>> -> memref<80x128xf32, #tpu.memory_space<vmem_shared>>
        %dma_start3A_146 = arith.constant 0 : i32
        %dma_start3A_147 = tpu.memref_slice %arg11[%add3A_7, %dma_start3A_146] : memref<10000x128xf32, #tpu.memory_space<vmem_shared>> -> memref<80x128xf32, #tpu.memory_space<vmem_shared>>
        tpu.enqueue_dma source(%arg10 : memref<80x128xf32, #tpu.memory_space<vmem>>) target(%dma_start3A_147 : memref<80x128xf32, #tpu.memory_space<vmem_shared>>) target_semaphore(%run_scoped3A : memref<!tpu.dma_semaphore, #tpu.memory_space<semaphore_mem>>)
        %dma_wait3A = arith.constant 0 : i32
        %dma_wait3A_148 = tpu.memref_slice %arg11[%add3A_7, %dma_wait3A] : memref<10000x128xf32, #tpu.memory_space<vmem_shared>> -> memref<80x128xf32, #tpu.memory_space<vmem_shared>>
        %dma_wait3A_149 = arith.constant 0 : i32
        %dma_wait3A_150 = tpu.memref_slice %arg11[%add3A_7, %dma_wait3A_149] : memref<10000x128xf32, #tpu.memory_space<vmem_shared>> -> memref<80x128xf32, #tpu.memory_space<vmem_shared>>
        tpu.wait_dma2 semaphore(%run_scoped3A : memref<!tpu.dma_semaphore, #tpu.memory_space<semaphore_mem>>) src(%arg10 : memref<80x128xf32, #tpu.memory_space<vmem>>) dst(%dma_wait3A_150 : memref<80x128xf32, #tpu.memory_space<vmem_shared>>)
        tpu.yield
      }) : () -> ()
    } else {
    }
    %mul3A_13 = arith.constant 640 : i32
    %mul3A_14 = arith.muli %arg1, %mul3A_13 : i32
    %add3A_15 = arith.constant 160 : i32
    %add3A_16 = arith.addi %mul3A_14, %add3A_15 : i32
    %lt3A_17 = arith.constant 10000 : i32
    %lt3A_18 = arith.cmpi slt, %add3A_16, %lt3A_17 : i32
    %convert_element_type3A_19 = arith.extui %lt3A_18 : i1 to i32
    %cond3A_20 = arith.constant 0 : i32
    %cond3A_21 = arith.cmpi ne, %convert_element_type3A_19, %cond3A_20 : i32
    scf.if %cond3A_21 {
      "tpu.region"() ({
        %run_scoped3A = tpu.sem_alloc : memref<!tpu.dma_semaphore, #tpu.memory_space<semaphore_mem>>
        %dma_start3A = arith.constant 0 : i32
        %dma_start3A_145 = tpu.memref_slice %arg11[%add3A_16, %dma_start3A] : memref<10000x128xf32, #tpu.memory_space<vmem_shared>> -> memref<80x128xf32, #tpu.memory_space<vmem_shared>>
        %dma_start3A_146 = arith.constant 0 : i32
        %dma_start3A_147 = tpu.memref_slice %arg11[%add3A_16, %dma_start3A_146] : memref<10000x128xf32, #tpu.memory_space<vmem_shared>> -> memref<80x128xf32, #tpu.memory_space<vmem_shared>>
        tpu.enqueue_dma source(%arg10 : memref<80x128xf32, #tpu.memory_space<vmem>>) target(%dma_start3A_147 : memref<80x128xf32, #tpu.memory_space<vmem_shared>>) target_semaphore(%run_scoped3A : memref<!tpu.dma_semaphore, #tpu.memory_space<semaphore_mem>>)
        %dma_wait3A = arith.constant 0 : i32
        %dma_wait3A_148 = tpu.memref_slice %arg11[%add3A_16, %dma_wait3A] : memref<10000x128xf32, #tpu.memory_space<vmem_shared>> -> memref<80x128xf32, #tpu.memory_space<vmem_shared>>
        %dma_wait3A_149 = arith.constant 0 : i32
        %dma_wait3A_150 = tpu.memref_slice %arg11[%add3A_16, %dma_wait3A_149] : memref<10000x128xf32, #tpu.memory_space<vmem_shared>> -> memref<80x128xf32, #tpu.memory_space<vmem_shared>>
        tpu.wait_dma2 semaphore(%run_scoped3A : memref<!tpu.dma_semaphore, #tpu.memory_space<semaphore_mem>>) src(%arg10 : memref<80x128xf32, #tpu.memory_space<vmem>>) dst(%dma_wait3A_150 : memref<80x128xf32, #tpu.memory_space<vmem_shared>>)
        tpu.yield
      }) : () -> ()
    } else {
    }
    %mul3A_22 = arith.constant 640 : i32
    %mul3A_23 = arith.muli %arg1, %mul3A_22 : i32
    %add3A_24 = arith.constant 240 : i32
    %add3A_25 = arith.addi %mul3A_23, %add3A_24 : i32
    %lt3A_26 = arith.constant 10000 : i32
    %lt3A_27 = arith.cmpi slt, %add3A_25, %lt3A_26 : i32
    %convert_element_type3A_28 = arith.extui %lt3A_27 : i1 to i32
    %cond3A_29 = arith.constant 0 : i32
    %cond3A_30 = arith.cmpi ne, %convert_element_type3A_28, %cond3A_29 : i32
    scf.if %cond3A_30 {
      "tpu.region"() ({
        %run_scoped3A = tpu.sem_alloc : memref<!tpu.dma_semaphore, #tpu.memory_space<semaphore_mem>>
        %dma_start3A = arith.constant 0 : i32
        %dma_start3A_145 = tpu.memref_slice %arg11[%add3A_25, %dma_start3A] : memref<10000x128xf32, #tpu.memory_space<vmem_shared>> -> memref<80x128xf32, #tpu.memory_space<vmem_shared>>
        %dma_start3A_146 = arith.constant 0 : i32
        %dma_start3A_147 = tpu.memref_slice %arg11[%add3A_25, %dma_start3A_146] : memref<10000x128xf32, #tpu.memory_space<vmem_shared>> -> memref<80x128xf32, #tpu.memory_space<vmem_shared>>
        tpu.enqueue_dma source(%arg10 : memref<80x128xf32, #tpu.memory_space<vmem>>) target(%dma_start3A_147 : memref<80x128xf32, #tpu.memory_space<vmem_shared>>) target_semaphore(%run_scoped3A : memref<!tpu.dma_semaphore, #tpu.memory_space<semaphore_mem>>)
        %dma_wait3A = arith.constant 0 : i32
        %dma_wait3A_148 = tpu.memref_slice %arg11[%add3A_25, %dma_wait3A] : memref<10000x128xf32, #tpu.memory_space<vmem_shared>> -> memref<80x128xf32, #tpu.memory_space<vmem_shared>>
        %dma_wait3A_149 = arith.constant 0 : i32
        %dma_wait3A_150 = tpu.memref_slice %arg11[%add3A_25, %dma_wait3A_149] : memref<10000x128xf32, #tpu.memory_space<vmem_shared>> -> memref<80x128xf32, #tpu.memory_space<vmem_shared>>
        tpu.wait_dma2 semaphore(%run_scoped3A : memref<!tpu.dma_semaphore, #tpu.memory_space<semaphore_mem>>) src(%arg10 : memref<80x128xf32, #tpu.memory_space<vmem>>) dst(%dma_wait3A_150 : memref<80x128xf32, #tpu.memory_space<vmem_shared>>)
        tpu.yield
      }) : () -> ()
    } else {
    }
    %mul3A_31 = arith.constant 640 : i32
    %mul3A_32 = arith.muli %arg1, %mul3A_31 : i32
    %add3A_33 = arith.constant 320 : i32
    %add3A_34 = arith.addi %mul3A_32, %add3A_33 : i32
    %lt3A_35 = arith.constant 10000 : i32
    %lt3A_36 = arith.cmpi slt, %add3A_34, %lt3A_35 : i32
    %convert_element_type3A_37 = arith.extui %lt3A_36 : i1 to i32
    %cond3A_38 = arith.constant 0 : i32
    %cond3A_39 = arith.cmpi ne, %convert_element_type3A_37, %cond3A_38 : i32
    scf.if %cond3A_39 {
      "tpu.region"() ({
        %run_scoped3A = tpu.sem_alloc : memref<!tpu.dma_semaphore, #tpu.memory_space<semaphore_mem>>
        %dma_start3A = arith.constant 0 : i32
        %dma_start3A_145 = tpu.memref_slice %arg11[%add3A_34, %dma_start3A] : memref<10000x128xf32, #tpu.memory_space<vmem_shared>> -> memref<80x128xf32, #tpu.memory_space<vmem_shared>>
        %dma_start3A_146 = arith.constant 0 : i32
        %dma_start3A_147 = tpu.memref_slice %arg11[%add3A_34, %dma_start3A_146] : memref<10000x128xf32, #tpu.memory_space<vmem_shared>> -> memref<80x128xf32, #tpu.memory_space<vmem_shared>>
        tpu.enqueue_dma source(%arg10 : memref<80x128xf32, #tpu.memory_space<vmem>>) target(%dma_start3A_147 : memref<80x128xf32, #tpu.memory_space<vmem_shared>>) target_semaphore(%run_scoped3A : memref<!tpu.dma_semaphore, #tpu.memory_space<semaphore_mem>>)
        %dma_wait3A = arith.constant 0 : i32
        %dma_wait3A_148 = tpu.memref_slice %arg11[%add3A_34, %dma_wait3A] : memref<10000x128xf32, #tpu.memory_space<vmem_shared>> -> memref<80x128xf32, #tpu.memory_space<vmem_shared>>
        %dma_wait3A_149 = arith.constant 0 : i32
        %dma_wait3A_150 = tpu.memref_slice %arg11[%add3A_34, %dma_wait3A_149] : memref<10000x128xf32, #tpu.memory_space<vmem_shared>> -> memref<80x128xf32, #tpu.memory_space<vmem_shared>>
        tpu.wait_dma2 semaphore(%run_scoped3A : memref<!tpu.dma_semaphore, #tpu.memory_space<semaphore_mem>>) src(%arg10 : memref<80x128xf32, #tpu.memory_space<vmem>>) dst(%dma_wait3A_150 : memref<80x128xf32, #tpu.memory_space<vmem_shared>>)
        tpu.yield
      }) : () -> ()
    } else {
    }
    %mul3A_40 = arith.constant 640 : i32
    %mul3A_41 = arith.muli %arg1, %mul3A_40 : i32
    %add3A_42 = arith.constant 400 : i32
    %add3A_43 = arith.addi %mul3A_41, %add3A_42 : i32
    %lt3A_44 = arith.constant 10000 : i32
    %lt3A_45 = arith.cmpi slt, %add3A_43, %lt3A_44 : i32
    %convert_element_type3A_46 = arith.extui %lt3A_45 : i1 to i32
    %cond3A_47 = arith.constant 0 : i32
    %cond3A_48 = arith.cmpi ne, %convert_element_type3A_46, %cond3A_47 : i32
    scf.if %cond3A_48 {
      "tpu.region"() ({
        %run_scoped3A = tpu.sem_alloc : memref<!tpu.dma_semaphore, #tpu.memory_space<semaphore_mem>>
        %dma_start3A = arith.constant 0 : i32
        %dma_start3A_145 = tpu.memref_slice %arg11[%add3A_43, %dma_start3A] : memref<10000x128xf32, #tpu.memory_space<vmem_shared>> -> memref<80x128xf32, #tpu.memory_space<vmem_shared>>
        %dma_start3A_146 = arith.constant 0 : i32
        %dma_start3A_147 = tpu.memref_slice %arg11[%add3A_43, %dma_start3A_146] : memref<10000x128xf32, #tpu.memory_space<vmem_shared>> -> memref<80x128xf32, #tpu.memory_space<vmem_shared>>
        tpu.enqueue_dma source(%arg10 : memref<80x128xf32, #tpu.memory_space<vmem>>) target(%dma_start3A_147 : memref<80x128xf32, #tpu.memory_space<vmem_shared>>) target_semaphore(%run_scoped3A : memref<!tpu.dma_semaphore, #tpu.memory_space<semaphore_mem>>)
        %dma_wait3A = arith.constant 0 : i32
        %dma_wait3A_148 = tpu.memref_slice %arg11[%add3A_43, %dma_wait3A] : memref<10000x128xf32, #tpu.memory_space<vmem_shared>> -> memref<80x128xf32, #tpu.memory_space<vmem_shared>>
        %dma_wait3A_149 = arith.constant 0 : i32
        %dma_wait3A_150 = tpu.memref_slice %arg11[%add3A_43, %dma_wait3A_149] : memref<10000x128xf32, #tpu.memory_space<vmem_shared>> -> memref<80x128xf32, #tpu.memory_space<vmem_shared>>
        tpu.wait_dma2 semaphore(%run_scoped3A : memref<!tpu.dma_semaphore, #tpu.memory_space<semaphore_mem>>) src(%arg10 : memref<80x128xf32, #tpu.memory_space<vmem>>) dst(%dma_wait3A_150 : memref<80x128xf32, #tpu.memory_space<vmem_shared>>)
        tpu.yield
      }) : () -> ()
    } else {
    }
    %mul3A_49 = arith.constant 640 : i32
    %mul3A_50 = arith.muli %arg1, %mul3A_49 : i32
    %add3A_51 = arith.constant 480 : i32
    %add3A_52 = arith.addi %mul3A_50, %add3A_51 : i32
    %lt3A_53 = arith.constant 10000 : i32
    %lt3A_54 = arith.cmpi slt, %add3A_52, %lt3A_53 : i32
    %convert_element_type3A_55 = arith.extui %lt3A_54 : i1 to i32
    %cond3A_56 = arith.constant 0 : i32
    %cond3A_57 = arith.cmpi ne, %convert_element_type3A_55, %cond3A_56 : i32
    scf.if %cond3A_57 {
      "tpu.region"() ({
        %run_scoped3A = tpu.sem_alloc : memref<!tpu.dma_semaphore, #tpu.memory_space<semaphore_mem>>
        %dma_start3A = arith.constant 0 : i32
        %dma_start3A_145 = tpu.memref_slice %arg11[%add3A_52, %dma_start3A] : memref<10000x128xf32, #tpu.memory_space<vmem_shared>> -> memref<80x128xf32, #tpu.memory_space<vmem_shared>>
        %dma_start3A_146 = arith.constant 0 : i32
        %dma_start3A_147 = tpu.memref_slice %arg11[%add3A_52, %dma_start3A_146] : memref<10000x128xf32, #tpu.memory_space<vmem_shared>> -> memref<80x128xf32, #tpu.memory_space<vmem_shared>>
        tpu.enqueue_dma source(%arg10 : memref<80x128xf32, #tpu.memory_space<vmem>>) target(%dma_start3A_147 : memref<80x128xf32, #tpu.memory_space<vmem_shared>>) target_semaphore(%run_scoped3A : memref<!tpu.dma_semaphore, #tpu.memory_space<semaphore_mem>>)
        %dma_wait3A = arith.constant 0 : i32
        %dma_wait3A_148 = tpu.memref_slice %arg11[%add3A_52, %dma_wait3A] : memref<10000x128xf32, #tpu.memory_space<vmem_shared>> -> memref<80x128xf32, #tpu.memory_space<vmem_shared>>
        %dma_wait3A_149 = arith.constant 0 : i32
        %dma_wait3A_150 = tpu.memref_slice %arg11[%add3A_52, %dma_wait3A_149] : memref<10000x128xf32, #tpu.memory_space<vmem_shared>> -> memref<80x128xf32, #tpu.memory_space<vmem_shared>>
        tpu.wait_dma2 semaphore(%run_scoped3A : memref<!tpu.dma_semaphore, #tpu.memory_space<semaphore_mem>>) src(%arg10 : memref<80x128xf32, #tpu.memory_space<vmem>>) dst(%dma_wait3A_150 : memref<80x128xf32, #tpu.memory_space<vmem_shared>>)
        tpu.yield
      }) : () -> ()
    } else {
    }
    %mul3A_58 = arith.constant 640 : i32
    %mul3A_59 = arith.muli %arg1, %mul3A_58 : i32
    %add3A_60 = arith.constant 560 : i32
    %add3A_61 = arith.addi %mul3A_59, %add3A_60 : i32
    %lt3A_62 = arith.constant 10000 : i32
    %lt3A_63 = arith.cmpi slt, %add3A_61, %lt3A_62 : i32
    %convert_element_type3A_64 = arith.extui %lt3A_63 : i1 to i32
    %cond3A_65 = arith.constant 0 : i32
    %cond3A_66 = arith.cmpi ne, %convert_element_type3A_64, %cond3A_65 : i32
    scf.if %cond3A_66 {
      "tpu.region"() ({
        %run_scoped3A = tpu.sem_alloc : memref<!tpu.dma_semaphore, #tpu.memory_space<semaphore_mem>>
        %dma_start3A = arith.constant 0 : i32
        %dma_start3A_145 = tpu.memref_slice %arg11[%add3A_61, %dma_start3A] : memref<10000x128xf32, #tpu.memory_space<vmem_shared>> -> memref<80x128xf32, #tpu.memory_space<vmem_shared>>
        %dma_start3A_146 = arith.constant 0 : i32
        %dma_start3A_147 = tpu.memref_slice %arg11[%add3A_61, %dma_start3A_146] : memref<10000x128xf32, #tpu.memory_space<vmem_shared>> -> memref<80x128xf32, #tpu.memory_space<vmem_shared>>
        tpu.enqueue_dma source(%arg10 : memref<80x128xf32, #tpu.memory_space<vmem>>) target(%dma_start3A_147 : memref<80x128xf32, #tpu.memory_space<vmem_shared>>) target_semaphore(%run_scoped3A : memref<!tpu.dma_semaphore, #tpu.memory_space<semaphore_mem>>)
        %dma_wait3A = arith.constant 0 : i32
        %dma_wait3A_148 = tpu.memref_slice %arg11[%add3A_61, %dma_wait3A] : memref<10000x128xf32, #tpu.memory_space<vmem_shared>> -> memref<80x128xf32, #tpu.memory_space<vmem_shared>>
        %dma_wait3A_149 = arith.constant 0 : i32
        %dma_wait3A_150 = tpu.memref_slice %arg11[%add3A_61, %dma_wait3A_149] : memref<10000x128xf32, #tpu.memory_space<vmem_shared>> -> memref<80x128xf32, #tpu.memory_space<vmem_shared>>
        tpu.wait_dma2 semaphore(%run_scoped3A : memref<!tpu.dma_semaphore, #tpu.memory_space<semaphore_mem>>) src(%arg10 : memref<80x128xf32, #tpu.memory_space<vmem>>) dst(%dma_wait3A_150 : memref<80x128xf32, #tpu.memory_space<vmem_shared>>)
        tpu.yield
      }) : () -> ()
    } else {
    }
    %barrier3A = arith.constant 0 : index
    tpu.barrier barrier_id(%barrier3A)
    %scan3A = arith.constant 0 : i32
    %scan3A_67 = arith.constant 0 : i32
    %scan3A_68 = arith.constant 125 : i32
    %scan3A_69 = arith.addi %scan3A_67, %scan3A_68 : i32
    %scan3A_70 = arith.constant 1 : i32
    scf.for %scan3A_145 = %scan3A_67 to %scan3A_69 step %scan3A_70  : i32 {
      %mul3A_146 = arith.constant 10000 : i32
      %mul3A_147 = arith.muli %arg1, %mul3A_146 : i32
      %mul3A_148 = arith.constant 80 : i32
      %mul3A_149 = arith.muli %scan3A_145, %mul3A_148 : i32
      %add3A_150 = arith.addi %mul3A_147, %mul3A_149 : i32
      %mul3A_151 = arith.constant 160000 : i32
      %mul3A_152 = arith.muli %arg0, %mul3A_151 : i32
      %add3A_153 = arith.addi %mul3A_152, %add3A_150 : i32
      "tpu.region"() ({
        %run_scoped3A = tpu.sem_alloc : memref<!tpu.dma_semaphore, #tpu.memory_space<semaphore_mem>>
        %dma_start3A_158 = tpu.memref_slice %arg3[%add3A_153] : memref<320000xi32, #tpu.memory_space<hbm>> -> memref<80xi32, #tpu.memory_space<hbm>>
        %dma_start3A_159 = tpu.memref_slice %arg3[%add3A_153] : memref<320000xi32, #tpu.memory_space<hbm>> -> memref<80xi32, #tpu.memory_space<hbm>>
        tpu.enqueue_dma source(%dma_start3A_159 : memref<80xi32, #tpu.memory_space<hbm>>) target(%arg7 : memref<80xi32, #tpu.memory_space<vmem>>) target_semaphore(%run_scoped3A : memref<!tpu.dma_semaphore, #tpu.memory_space<semaphore_mem>>)
        %dma_wait3A_160 = tpu.memref_slice %arg3[%add3A_153] : memref<320000xi32, #tpu.memory_space<hbm>> -> memref<80xi32, #tpu.memory_space<hbm>>
        %dma_wait3A_161 = tpu.memref_slice %arg3[%add3A_153] : memref<320000xi32, #tpu.memory_space<hbm>> -> memref<80xi32, #tpu.memory_space<hbm>>
        tpu.wait_dma2 semaphore(%run_scoped3A : memref<!tpu.dma_semaphore, #tpu.memory_space<semaphore_mem>>) src(%dma_wait3A_161 : memref<80xi32, #tpu.memory_space<hbm>>) dst(%arg7 : memref<80xi32, #tpu.memory_space<vmem>>)
        tpu.yield
      }) : () -> ()
      "tpu.region"() ({
        %run_scoped3A = tpu.sem_alloc : memref<!tpu.dma_semaphore, #tpu.memory_space<semaphore_mem>>
        %dma_start3A_158 = tpu.memref_slice %arg4[%add3A_150] : memref<160000xi32, #tpu.memory_space<hbm>> -> memref<80xi32, #tpu.memory_space<hbm>>
        %dma_start3A_159 = tpu.memref_slice %arg4[%add3A_150] : memref<160000xi32, #tpu.memory_space<hbm>> -> memref<80xi32, #tpu.memory_space<hbm>>
        tpu.enqueue_dma source(%dma_start3A_159 : memref<80xi32, #tpu.memory_space<hbm>>) target(%arg8 : memref<80xi32, #tpu.memory_space<vmem>>) target_semaphore(%run_scoped3A : memref<!tpu.dma_semaphore, #tpu.memory_space<semaphore_mem>>)
        %dma_wait3A_160 = tpu.memref_slice %arg4[%add3A_150] : memref<160000xi32, #tpu.memory_space<hbm>> -> memref<80xi32, #tpu.memory_space<hbm>>
        %dma_wait3A_161 = tpu.memref_slice %arg4[%add3A_150] : memref<160000xi32, #tpu.memory_space<hbm>> -> memref<80xi32, #tpu.memory_space<hbm>>
        tpu.wait_dma2 semaphore(%run_scoped3A : memref<!tpu.dma_semaphore, #tpu.memory_space<semaphore_mem>>) src(%dma_wait3A_161 : memref<80xi32, #tpu.memory_space<hbm>>) dst(%arg8 : memref<80xi32, #tpu.memory_space<vmem>>)
        tpu.yield
      }) : () -> ()
      %dma_start3A = arith.constant 0 : i32
      %dma_start3A_154 = arith.constant 0 : i32
      %dma_start3A_155 = tpu.memref_slice %arg2[%dma_start3A, %dma_start3A_154] : memref<160000x128xf32, #tpu.memory_space<hbm>> -> memref<160000x128xf32, #tpu.memory_space<hbm>>
      tpu.enqueue_indirect_dma source(%dma_start3A_155 : memref<160000x128xf32, #tpu.memory_space<hbm>>) target(%arg9 : memref<80x128xf32, #tpu.memory_space<vmem>>) offsets(%arg7 : memref<80xi32, #tpu.memory_space<vmem>>) semaphore(%arg12 : memref<!tpu.dma_semaphore, #tpu.memory_space<semaphore_mem>>)
      %dma_wait3A = arith.constant 0 : i32
      %dma_wait3A_156 = arith.constant 0 : i32
      %dma_wait3A_157 = tpu.memref_slice %arg2[%dma_wait3A, %dma_wait3A_156] : memref<160000x128xf32, #tpu.memory_space<hbm>> -> memref<160000x128xf32, #tpu.memory_space<hbm>>
      tpu.wait_indirect_dma semaphore(%arg12 : memref<!tpu.dma_semaphore, #tpu.memory_space<semaphore_mem>>) src(%dma_wait3A_157 : memref<160000x128xf32, #tpu.memory_space<hbm>>) dst(%arg9 : memref<80x128xf32, #tpu.memory_space<vmem>>)
      "tpu.region"() ({
        %run_scoped3A = tpu.sem_alloc : memref<!tpu.dma_semaphore, #tpu.memory_space<semaphore_mem>>
        %dma_start3A_158 = arith.constant 0 : i32
        %dma_start3A_159 = arith.constant 0 : i32
        %dma_start3A_160 = tpu.memref_slice %arg11[%dma_start3A_158, %dma_start3A_159] : memref<10000x128xf32, #tpu.memory_space<vmem_shared>> -> memref<10000x128xf32, #tpu.memory_space<vmem_shared>>
        tpu.enqueue_indirect_dma source(%arg9 : memref<80x128xf32, #tpu.memory_space<vmem>>) target(%dma_start3A_160 : memref<10000x128xf32, #tpu.memory_space<vmem_shared>>) offsets(%arg8 : memref<80xi32, #tpu.memory_space<vmem>>) semaphore(%run_scoped3A : memref<!tpu.dma_semaphore, #tpu.memory_space<semaphore_mem>>) {add = true}
        %dma_wait3A_161 = arith.constant 0 : i32
        %dma_wait3A_162 = arith.constant 0 : i32
        %dma_wait3A_163 = tpu.memref_slice %arg11[%dma_wait3A_161, %dma_wait3A_162] : memref<10000x128xf32, #tpu.memory_space<vmem_shared>> -> memref<10000x128xf32, #tpu.memory_space<vmem_shared>>
        tpu.wait_indirect_dma semaphore(%run_scoped3A : memref<!tpu.dma_semaphore, #tpu.memory_space<semaphore_mem>>) src(%arg9 : memref<80x128xf32, #tpu.memory_space<vmem>>) dst(%dma_wait3A_163 : memref<10000x128xf32, #tpu.memory_space<vmem_shared>>)
        tpu.yield
      }) : () -> ()
    }
    %scan3A_71 = arith.constant 125 : i32
    %barrier3A_72 = arith.constant 0 : index
    tpu.barrier barrier_id(%barrier3A_72)
    %mul3A_73 = arith.constant 640 : i32
    %mul3A_74 = arith.muli %arg1, %mul3A_73 : i32
    %add3A_75 = arith.constant 0 : i32
    %add3A_76 = arith.addi %mul3A_74, %add3A_75 : i32
    %lt3A_77 = arith.constant 10000 : i32
    %lt3A_78 = arith.cmpi slt, %add3A_76, %lt3A_77 : i32
    %convert_element_type3A_79 = arith.extui %lt3A_78 : i1 to i32
    %cond3A_80 = arith.constant 0 : i32
    %cond3A_81 = arith.cmpi ne, %convert_element_type3A_79, %cond3A_80 : i32
    scf.if %cond3A_81 {
      "tpu.region"() ({
        %run_scoped3A = tpu.sem_alloc : memref<!tpu.dma_semaphore, #tpu.memory_space<semaphore_mem>>
        %dma_start3A = arith.constant 0 : i32
        %dma_start3A_148 = tpu.memref_slice %arg11[%add3A_76, %dma_start3A] : memref<10000x128xf32, #tpu.memory_space<vmem_shared>> -> memref<80x128xf32, #tpu.memory_space<vmem_shared>>
        %dma_start3A_149 = arith.constant 0 : i32
        %dma_start3A_150 = tpu.memref_slice %arg11[%add3A_76, %dma_start3A_149] : memref<10000x128xf32, #tpu.memory_space<vmem_shared>> -> memref<80x128xf32, #tpu.memory_space<vmem_shared>>
        tpu.enqueue_dma source(%dma_start3A_150 : memref<80x128xf32, #tpu.memory_space<vmem_shared>>) target(%arg10 : memref<80x128xf32, #tpu.memory_space<vmem>>) target_semaphore(%run_scoped3A : memref<!tpu.dma_semaphore, #tpu.memory_space<semaphore_mem>>)
        %dma_wait3A = arith.constant 0 : i32
        %dma_wait3A_151 = tpu.memref_slice %arg11[%add3A_76, %dma_wait3A] : memref<10000x128xf32, #tpu.memory_space<vmem_shared>> -> memref<80x128xf32, #tpu.memory_space<vmem_shared>>
        %dma_wait3A_152 = arith.constant 0 : i32
        %dma_wait3A_153 = tpu.memref_slice %arg11[%add3A_76, %dma_wait3A_152] : memref<10000x128xf32, #tpu.memory_space<vmem_shared>> -> memref<80x128xf32, #tpu.memory_space<vmem_shared>>
        tpu.wait_dma2 semaphore(%run_scoped3A : memref<!tpu.dma_semaphore, #tpu.memory_space<semaphore_mem>>) src(%dma_wait3A_153 : memref<80x128xf32, #tpu.memory_space<vmem_shared>>) dst(%arg10 : memref<80x128xf32, #tpu.memory_space<vmem>>)
        tpu.yield
      }) : () -> ()
      %mul3A_145 = arith.constant 10000 : i32
      %mul3A_146 = arith.muli %arg0, %mul3A_145 : i32
      %add3A_147 = arith.addi %mul3A_146, %add3A_76 : i32
      "tpu.region"() ({
        %run_scoped3A = tpu.sem_alloc : memref<!tpu.dma_semaphore, #tpu.memory_space<semaphore_mem>>
        %dma_start3A = arith.constant 0 : i32
        %dma_start3A_148 = tpu.memref_slice %arg6[%add3A_147, %dma_start3A] : memref<20000x128xf32, #tpu.memory_space<hbm>> -> memref<80x128xf32, #tpu.memory_space<hbm>>
        %dma_start3A_149 = arith.constant 0 : i32
        %dma_start3A_150 = tpu.memref_slice %arg6[%add3A_147, %dma_start3A_149] : memref<20000x128xf32, #tpu.memory_space<hbm>> -> memref<80x128xf32, #tpu.memory_space<hbm>>
        tpu.enqueue_dma source(%arg10 : memref<80x128xf32, #tpu.memory_space<vmem>>) target(%dma_start3A_150 : memref<80x128xf32, #tpu.memory_space<hbm>>) target_semaphore(%run_scoped3A : memref<!tpu.dma_semaphore, #tpu.memory_space<semaphore_mem>>)
        %dma_wait3A = arith.constant 0 : i32
        %dma_wait3A_151 = tpu.memref_slice %arg6[%add3A_147, %dma_wait3A] : memref<20000x128xf32, #tpu.memory_space<hbm>> -> memref<80x128xf32, #tpu.memory_space<hbm>>
        %dma_wait3A_152 = arith.constant 0 : i32
        %dma_wait3A_153 = tpu.memref_slice %arg6[%add3A_147, %dma_wait3A_152] : memref<20000x128xf32, #tpu.memory_space<hbm>> -> memref<80x128xf32, #tpu.memory_space<hbm>>
        tpu.wait_dma2 semaphore(%run_scoped3A : memref<!tpu.dma_semaphore, #tpu.memory_space<semaphore_mem>>) src(%arg10 : memref<80x128xf32, #tpu.memory_space<vmem>>) dst(%dma_wait3A_153 : memref<80x128xf32, #tpu.memory_space<hbm>>)
        tpu.yield
      }) : () -> ()
    } else {
    }
    %mul3A_82 = arith.constant 640 : i32
    %mul3A_83 = arith.muli %arg1, %mul3A_82 : i32
    %add3A_84 = arith.constant 80 : i32
    %add3A_85 = arith.addi %mul3A_83, %add3A_84 : i32
    %lt3A_86 = arith.constant 10000 : i32
    %lt3A_87 = arith.cmpi slt, %add3A_85, %lt3A_86 : i32
    %convert_element_type3A_88 = arith.extui %lt3A_87 : i1 to i32
    %cond3A_89 = arith.constant 0 : i32
    %cond3A_90 = arith.cmpi ne, %convert_element_type3A_88, %cond3A_89 : i32
    scf.if %cond3A_90 {
      "tpu.region"() ({
        %run_scoped3A = tpu.sem_alloc : memref<!tpu.dma_semaphore, #tpu.memory_space<semaphore_mem>>
        %dma_start3A = arith.constant 0 : i32
        %dma_start3A_148 = tpu.memref_slice %arg11[%add3A_85, %dma_start3A] : memref<10000x128xf32, #tpu.memory_space<vmem_shared>> -> memref<80x128xf32, #tpu.memory_space<vmem_shared>>
        %dma_start3A_149 = arith.constant 0 : i32
        %dma_start3A_150 = tpu.memref_slice %arg11[%add3A_85, %dma_start3A_149] : memref<10000x128xf32, #tpu.memory_space<vmem_shared>> -> memref<80x128xf32, #tpu.memory_space<vmem_shared>>
        tpu.enqueue_dma source(%dma_start3A_150 : memref<80x128xf32, #tpu.memory_space<vmem_shared>>) target(%arg10 : memref<80x128xf32, #tpu.memory_space<vmem>>) target_semaphore(%run_scoped3A : memref<!tpu.dma_semaphore, #tpu.memory_space<semaphore_mem>>)
        %dma_wait3A = arith.constant 0 : i32
        %dma_wait3A_151 = tpu.memref_slice %arg11[%add3A_85, %dma_wait3A] : memref<10000x128xf32, #tpu.memory_space<vmem_shared>> -> memref<80x128xf32, #tpu.memory_space<vmem_shared>>
        %dma_wait3A_152 = arith.constant 0 : i32
        %dma_wait3A_153 = tpu.memref_slice %arg11[%add3A_85, %dma_wait3A_152] : memref<10000x128xf32, #tpu.memory_space<vmem_shared>> -> memref<80x128xf32, #tpu.memory_space<vmem_shared>>
        tpu.wait_dma2 semaphore(%run_scoped3A : memref<!tpu.dma_semaphore, #tpu.memory_space<semaphore_mem>>) src(%dma_wait3A_153 : memref<80x128xf32, #tpu.memory_space<vmem_shared>>) dst(%arg10 : memref<80x128xf32, #tpu.memory_space<vmem>>)
        tpu.yield
      }) : () -> ()
      %mul3A_145 = arith.constant 10000 : i32
      %mul3A_146 = arith.muli %arg0, %mul3A_145 : i32
      %add3A_147 = arith.addi %mul3A_146, %add3A_85 : i32
      "tpu.region"() ({
        %run_scoped3A = tpu.sem_alloc : memref<!tpu.dma_semaphore, #tpu.memory_space<semaphore_mem>>
        %dma_start3A = arith.constant 0 : i32
        %dma_start3A_148 = tpu.memref_slice %arg6[%add3A_147, %dma_start3A] : memref<20000x128xf32, #tpu.memory_space<hbm>> -> memref<80x128xf32, #tpu.memory_space<hbm>>
        %dma_start3A_149 = arith.constant 0 : i32
        %dma_start3A_150 = tpu.memref_slice %arg6[%add3A_147, %dma_start3A_149] : memref<20000x128xf32, #tpu.memory_space<hbm>> -> memref<80x128xf32, #tpu.memory_space<hbm>>
        tpu.enqueue_dma source(%arg10 : memref<80x128xf32, #tpu.memory_space<vmem>>) target(%dma_start3A_150 : memref<80x128xf32, #tpu.memory_space<hbm>>) target_semaphore(%run_scoped3A : memref<!tpu.dma_semaphore, #tpu.memory_space<semaphore_mem>>)
        %dma_wait3A = arith.constant 0 : i32
        %dma_wait3A_151 = tpu.memref_slice %arg6[%add3A_147, %dma_wait3A] : memref<20000x128xf32, #tpu.memory_space<hbm>> -> memref<80x128xf32, #tpu.memory_space<hbm>>
        %dma_wait3A_152 = arith.constant 0 : i32
        %dma_wait3A_153 = tpu.memref_slice %arg6[%add3A_147, %dma_wait3A_152] : memref<20000x128xf32, #tpu.memory_space<hbm>> -> memref<80x128xf32, #tpu.memory_space<hbm>>
        tpu.wait_dma2 semaphore(%run_scoped3A : memref<!tpu.dma_semaphore, #tpu.memory_space<semaphore_mem>>) src(%arg10 : memref<80x128xf32, #tpu.memory_space<vmem>>) dst(%dma_wait3A_153 : memref<80x128xf32, #tpu.memory_space<hbm>>)
        tpu.yield
      }) : () -> ()
    } else {
    }
    %mul3A_91 = arith.constant 640 : i32
    %mul3A_92 = arith.muli %arg1, %mul3A_91 : i32
    %add3A_93 = arith.constant 160 : i32
    %add3A_94 = arith.addi %mul3A_92, %add3A_93 : i32
    %lt3A_95 = arith.constant 10000 : i32
    %lt3A_96 = arith.cmpi slt, %add3A_94, %lt3A_95 : i32
    %convert_element_type3A_97 = arith.extui %lt3A_96 : i1 to i32
    %cond3A_98 = arith.constant 0 : i32
    %cond3A_99 = arith.cmpi ne, %convert_element_type3A_97, %cond3A_98 : i32
    scf.if %cond3A_99 {
      "tpu.region"() ({
        %run_scoped3A = tpu.sem_alloc : memref<!tpu.dma_semaphore, #tpu.memory_space<semaphore_mem>>
        %dma_start3A = arith.constant 0 : i32
        %dma_start3A_148 = tpu.memref_slice %arg11[%add3A_94, %dma_start3A] : memref<10000x128xf32, #tpu.memory_space<vmem_shared>> -> memref<80x128xf32, #tpu.memory_space<vmem_shared>>
        %dma_start3A_149 = arith.constant 0 : i32
        %dma_start3A_150 = tpu.memref_slice %arg11[%add3A_94, %dma_start3A_149] : memref<10000x128xf32, #tpu.memory_space<vmem_shared>> -> memref<80x128xf32, #tpu.memory_space<vmem_shared>>
        tpu.enqueue_dma source(%dma_start3A_150 : memref<80x128xf32, #tpu.memory_space<vmem_shared>>) target(%arg10 : memref<80x128xf32, #tpu.memory_space<vmem>>) target_semaphore(%run_scoped3A : memref<!tpu.dma_semaphore, #tpu.memory_space<semaphore_mem>>)
        %dma_wait3A = arith.constant 0 : i32
        %dma_wait3A_151 = tpu.memref_slice %arg11[%add3A_94, %dma_wait3A] : memref<10000x128xf32, #tpu.memory_space<vmem_shared>> -> memref<80x128xf32, #tpu.memory_space<vmem_shared>>
        %dma_wait3A_152 = arith.constant 0 : i32
        %dma_wait3A_153 = tpu.memref_slice %arg11[%add3A_94, %dma_wait3A_152] : memref<10000x128xf32, #tpu.memory_space<vmem_shared>> -> memref<80x128xf32, #tpu.memory_space<vmem_shared>>
        tpu.wait_dma2 semaphore(%run_scoped3A : memref<!tpu.dma_semaphore, #tpu.memory_space<semaphore_mem>>) src(%dma_wait3A_153 : memref<80x128xf32, #tpu.memory_space<vmem_shared>>) dst(%arg10 : memref<80x128xf32, #tpu.memory_space<vmem>>)
        tpu.yield
      }) : () -> ()
      %mul3A_145 = arith.constant 10000 : i32
      %mul3A_146 = arith.muli %arg0, %mul3A_145 : i32
      %add3A_147 = arith.addi %mul3A_146, %add3A_94 : i32
      "tpu.region"() ({
        %run_scoped3A = tpu.sem_alloc : memref<!tpu.dma_semaphore, #tpu.memory_space<semaphore_mem>>
        %dma_start3A = arith.constant 0 : i32
        %dma_start3A_148 = tpu.memref_slice %arg6[%add3A_147, %dma_start3A] : memref<20000x128xf32, #tpu.memory_space<hbm>> -> memref<80x128xf32, #tpu.memory_space<hbm>>
        %dma_start3A_149 = arith.constant 0 : i32
        %dma_start3A_150 = tpu.memref_slice %arg6[%add3A_147, %dma_start3A_149] : memref<20000x128xf32, #tpu.memory_space<hbm>> -> memref<80x128xf32, #tpu.memory_space<hbm>>
        tpu.enqueue_dma source(%arg10 : memref<80x128xf32, #tpu.memory_space<vmem>>) target(%dma_start3A_150 : memref<80x128xf32, #tpu.memory_space<hbm>>) target_semaphore(%run_scoped3A : memref<!tpu.dma_semaphore, #tpu.memory_space<semaphore_mem>>)
        %dma_wait3A = arith.constant 0 : i32
        %dma_wait3A_151 = tpu.memref_slice %arg6[%add3A_147, %dma_wait3A] : memref<20000x128xf32, #tpu.memory_space<hbm>> -> memref<80x128xf32, #tpu.memory_space<hbm>>
        %dma_wait3A_152 = arith.constant 0 : i32
        %dma_wait3A_153 = tpu.memref_slice %arg6[%add3A_147, %dma_wait3A_152] : memref<20000x128xf32, #tpu.memory_space<hbm>> -> memref<80x128xf32, #tpu.memory_space<hbm>>
        tpu.wait_dma2 semaphore(%run_scoped3A : memref<!tpu.dma_semaphore, #tpu.memory_space<semaphore_mem>>) src(%arg10 : memref<80x128xf32, #tpu.memory_space<vmem>>) dst(%dma_wait3A_153 : memref<80x128xf32, #tpu.memory_space<hbm>>)
        tpu.yield
      }) : () -> ()
    } else {
    }
    %mul3A_100 = arith.constant 640 : i32
    %mul3A_101 = arith.muli %arg1, %mul3A_100 : i32
    %add3A_102 = arith.constant 240 : i32
    %add3A_103 = arith.addi %mul3A_101, %add3A_102 : i32
    %lt3A_104 = arith.constant 10000 : i32
    %lt3A_105 = arith.cmpi slt, %add3A_103, %lt3A_104 : i32
    %convert_element_type3A_106 = arith.extui %lt3A_105 : i1 to i32
    %cond3A_107 = arith.constant 0 : i32
    %cond3A_108 = arith.cmpi ne, %convert_element_type3A_106, %cond3A_107 : i32
    scf.if %cond3A_108 {
      "tpu.region"() ({
        %run_scoped3A = tpu.sem_alloc : memref<!tpu.dma_semaphore, #tpu.memory_space<semaphore_mem>>
        %dma_start3A = arith.constant 0 : i32
        %dma_start3A_148 = tpu.memref_slice %arg11[%add3A_103, %dma_start3A] : memref<10000x128xf32, #tpu.memory_space<vmem_shared>> -> memref<80x128xf32, #tpu.memory_space<vmem_shared>>
        %dma_start3A_149 = arith.constant 0 : i32
        %dma_start3A_150 = tpu.memref_slice %arg11[%add3A_103, %dma_start3A_149] : memref<10000x128xf32, #tpu.memory_space<vmem_shared>> -> memref<80x128xf32, #tpu.memory_space<vmem_shared>>
        tpu.enqueue_dma source(%dma_start3A_150 : memref<80x128xf32, #tpu.memory_space<vmem_shared>>) target(%arg10 : memref<80x128xf32, #tpu.memory_space<vmem>>) target_semaphore(%run_scoped3A : memref<!tpu.dma_semaphore, #tpu.memory_space<semaphore_mem>>)
        %dma_wait3A = arith.constant 0 : i32
        %dma_wait3A_151 = tpu.memref_slice %arg11[%add3A_103, %dma_wait3A] : memref<10000x128xf32, #tpu.memory_space<vmem_shared>> -> memref<80x128xf32, #tpu.memory_space<vmem_shared>>
        %dma_wait3A_152 = arith.constant 0 : i32
        %dma_wait3A_153 = tpu.memref_slice %arg11[%add3A_103, %dma_wait3A_152] : memref<10000x128xf32, #tpu.memory_space<vmem_shared>> -> memref<80x128xf32, #tpu.memory_space<vmem_shared>>
        tpu.wait_dma2 semaphore(%run_scoped3A : memref<!tpu.dma_semaphore, #tpu.memory_space<semaphore_mem>>) src(%dma_wait3A_153 : memref<80x128xf32, #tpu.memory_space<vmem_shared>>) dst(%arg10 : memref<80x128xf32, #tpu.memory_space<vmem>>)
        tpu.yield
      }) : () -> ()
      %mul3A_145 = arith.constant 10000 : i32
      %mul3A_146 = arith.muli %arg0, %mul3A_145 : i32
      %add3A_147 = arith.addi %mul3A_146, %add3A_103 : i32
      "tpu.region"() ({
        %run_scoped3A = tpu.sem_alloc : memref<!tpu.dma_semaphore, #tpu.memory_space<semaphore_mem>>
        %dma_start3A = arith.constant 0 : i32
        %dma_start3A_148 = tpu.memref_slice %arg6[%add3A_147, %dma_start3A] : memref<20000x128xf32, #tpu.memory_space<hbm>> -> memref<80x128xf32, #tpu.memory_space<hbm>>
        %dma_start3A_149 = arith.constant 0 : i32
        %dma_start3A_150 = tpu.memref_slice %arg6[%add3A_147, %dma_start3A_149] : memref<20000x128xf32, #tpu.memory_space<hbm>> -> memref<80x128xf32, #tpu.memory_space<hbm>>
        tpu.enqueue_dma source(%arg10 : memref<80x128xf32, #tpu.memory_space<vmem>>) target(%dma_start3A_150 : memref<80x128xf32, #tpu.memory_space<hbm>>) target_semaphore(%run_scoped3A : memref<!tpu.dma_semaphore, #tpu.memory_space<semaphore_mem>>)
        %dma_wait3A = arith.constant 0 : i32
        %dma_wait3A_151 = tpu.memref_slice %arg6[%add3A_147, %dma_wait3A] : memref<20000x128xf32, #tpu.memory_space<hbm>> -> memref<80x128xf32, #tpu.memory_space<hbm>>
        %dma_wait3A_152 = arith.constant 0 : i32
        %dma_wait3A_153 = tpu.memref_slice %arg6[%add3A_147, %dma_wait3A_152] : memref<20000x128xf32, #tpu.memory_space<hbm>> -> memref<80x128xf32, #tpu.memory_space<hbm>>
        tpu.wait_dma2 semaphore(%run_scoped3A : memref<!tpu.dma_semaphore, #tpu.memory_space<semaphore_mem>>) src(%arg10 : memref<80x128xf32, #tpu.memory_space<vmem>>) dst(%dma_wait3A_153 : memref<80x128xf32, #tpu.memory_space<hbm>>)
        tpu.yield
      }) : () -> ()
    } else {
    }
    %mul3A_109 = arith.constant 640 : i32
    %mul3A_110 = arith.muli %arg1, %mul3A_109 : i32
    %add3A_111 = arith.constant 320 : i32
    %add3A_112 = arith.addi %mul3A_110, %add3A_111 : i32
    %lt3A_113 = arith.constant 10000 : i32
    %lt3A_114 = arith.cmpi slt, %add3A_112, %lt3A_113 : i32
    %convert_element_type3A_115 = arith.extui %lt3A_114 : i1 to i32
    %cond3A_116 = arith.constant 0 : i32
    %cond3A_117 = arith.cmpi ne, %convert_element_type3A_115, %cond3A_116 : i32
    scf.if %cond3A_117 {
      "tpu.region"() ({
        %run_scoped3A = tpu.sem_alloc : memref<!tpu.dma_semaphore, #tpu.memory_space<semaphore_mem>>
        %dma_start3A = arith.constant 0 : i32
        %dma_start3A_148 = tpu.memref_slice %arg11[%add3A_112, %dma_start3A] : memref<10000x128xf32, #tpu.memory_space<vmem_shared>> -> memref<80x128xf32, #tpu.memory_space<vmem_shared>>
        %dma_start3A_149 = arith.constant 0 : i32
        %dma_start3A_150 = tpu.memref_slice %arg11[%add3A_112, %dma_start3A_149] : memref<10000x128xf32, #tpu.memory_space<vmem_shared>> -> memref<80x128xf32, #tpu.memory_space<vmem_shared>>
        tpu.enqueue_dma source(%dma_start3A_150 : memref<80x128xf32, #tpu.memory_space<vmem_shared>>) target(%arg10 : memref<80x128xf32, #tpu.memory_space<vmem>>) target_semaphore(%run_scoped3A : memref<!tpu.dma_semaphore, #tpu.memory_space<semaphore_mem>>)
        %dma_wait3A = arith.constant 0 : i32
        %dma_wait3A_151 = tpu.memref_slice %arg11[%add3A_112, %dma_wait3A] : memref<10000x128xf32, #tpu.memory_space<vmem_shared>> -> memref<80x128xf32, #tpu.memory_space<vmem_shared>>
        %dma_wait3A_152 = arith.constant 0 : i32
        %dma_wait3A_153 = tpu.memref_slice %arg11[%add3A_112, %dma_wait3A_152] : memref<10000x128xf32, #tpu.memory_space<vmem_shared>> -> memref<80x128xf32, #tpu.memory_space<vmem_shared>>
        tpu.wait_dma2 semaphore(%run_scoped3A : memref<!tpu.dma_semaphore, #tpu.memory_space<semaphore_mem>>) src(%dma_wait3A_153 : memref<80x128xf32, #tpu.memory_space<vmem_shared>>) dst(%arg10 : memref<80x128xf32, #tpu.memory_space<vmem>>)
        tpu.yield
      }) : () -> ()
      %mul3A_145 = arith.constant 10000 : i32
      %mul3A_146 = arith.muli %arg0, %mul3A_145 : i32
      %add3A_147 = arith.addi %mul3A_146, %add3A_112 : i32
      "tpu.region"() ({
        %run_scoped3A = tpu.sem_alloc : memref<!tpu.dma_semaphore, #tpu.memory_space<semaphore_mem>>
        %dma_start3A = arith.constant 0 : i32
        %dma_start3A_148 = tpu.memref_slice %arg6[%add3A_147, %dma_start3A] : memref<20000x128xf32, #tpu.memory_space<hbm>> -> memref<80x128xf32, #tpu.memory_space<hbm>>
        %dma_start3A_149 = arith.constant 0 : i32
        %dma_start3A_150 = tpu.memref_slice %arg6[%add3A_147, %dma_start3A_149] : memref<20000x128xf32, #tpu.memory_space<hbm>> -> memref<80x128xf32, #tpu.memory_space<hbm>>
        tpu.enqueue_dma source(%arg10 : memref<80x128xf32, #tpu.memory_space<vmem>>) target(%dma_start3A_150 : memref<80x128xf32, #tpu.memory_space<hbm>>) target_semaphore(%run_scoped3A : memref<!tpu.dma_semaphore, #tpu.memory_space<semaphore_mem>>)
        %dma_wait3A = arith.constant 0 : i32
        %dma_wait3A_151 = tpu.memref_slice %arg6[%add3A_147, %dma_wait3A] : memref<20000x128xf32, #tpu.memory_space<hbm>> -> memref<80x128xf32, #tpu.memory_space<hbm>>
        %dma_wait3A_152 = arith.constant 0 : i32
        %dma_wait3A_153 = tpu.memref_slice %arg6[%add3A_147, %dma_wait3A_152] : memref<20000x128xf32, #tpu.memory_space<hbm>> -> memref<80x128xf32, #tpu.memory_space<hbm>>
        tpu.wait_dma2 semaphore(%run_scoped3A : memref<!tpu.dma_semaphore, #tpu.memory_space<semaphore_mem>>) src(%arg10 : memref<80x128xf32, #tpu.memory_space<vmem>>) dst(%dma_wait3A_153 : memref<80x128xf32, #tpu.memory_space<hbm>>)
        tpu.yield
      }) : () -> ()
    } else {
    }
    %mul3A_118 = arith.constant 640 : i32
    %mul3A_119 = arith.muli %arg1, %mul3A_118 : i32
    %add3A_120 = arith.constant 400 : i32
    %add3A_121 = arith.addi %mul3A_119, %add3A_120 : i32
    %lt3A_122 = arith.constant 10000 : i32
    %lt3A_123 = arith.cmpi slt, %add3A_121, %lt3A_122 : i32
    %convert_element_type3A_124 = arith.extui %lt3A_123 : i1 to i32
    %cond3A_125 = arith.constant 0 : i32
    %cond3A_126 = arith.cmpi ne, %convert_element_type3A_124, %cond3A_125 : i32
    scf.if %cond3A_126 {
      "tpu.region"() ({
        %run_scoped3A = tpu.sem_alloc : memref<!tpu.dma_semaphore, #tpu.memory_space<semaphore_mem>>
        %dma_start3A = arith.constant 0 : i32
        %dma_start3A_148 = tpu.memref_slice %arg11[%add3A_121, %dma_start3A] : memref<10000x128xf32, #tpu.memory_space<vmem_shared>> -> memref<80x128xf32, #tpu.memory_space<vmem_shared>>
        %dma_start3A_149 = arith.constant 0 : i32
        %dma_start3A_150 = tpu.memref_slice %arg11[%add3A_121, %dma_start3A_149] : memref<10000x128xf32, #tpu.memory_space<vmem_shared>> -> memref<80x128xf32, #tpu.memory_space<vmem_shared>>
        tpu.enqueue_dma source(%dma_start3A_150 : memref<80x128xf32, #tpu.memory_space<vmem_shared>>) target(%arg10 : memref<80x128xf32, #tpu.memory_space<vmem>>) target_semaphore(%run_scoped3A : memref<!tpu.dma_semaphore, #tpu.memory_space<semaphore_mem>>)
        %dma_wait3A = arith.constant 0 : i32
        %dma_wait3A_151 = tpu.memref_slice %arg11[%add3A_121, %dma_wait3A] : memref<10000x128xf32, #tpu.memory_space<vmem_shared>> -> memref<80x128xf32, #tpu.memory_space<vmem_shared>>
        %dma_wait3A_152 = arith.constant 0 : i32
        %dma_wait3A_153 = tpu.memref_slice %arg11[%add3A_121, %dma_wait3A_152] : memref<10000x128xf32, #tpu.memory_space<vmem_shared>> -> memref<80x128xf32, #tpu.memory_space<vmem_shared>>
        tpu.wait_dma2 semaphore(%run_scoped3A : memref<!tpu.dma_semaphore, #tpu.memory_space<semaphore_mem>>) src(%dma_wait3A_153 : memref<80x128xf32, #tpu.memory_space<vmem_shared>>) dst(%arg10 : memref<80x128xf32, #tpu.memory_space<vmem>>)
        tpu.yield
      }) : () -> ()
      %mul3A_145 = arith.constant 10000 : i32
      %mul3A_146 = arith.muli %arg0, %mul3A_145 : i32
      %add3A_147 = arith.addi %mul3A_146, %add3A_121 : i32
      "tpu.region"() ({
        %run_scoped3A = tpu.sem_alloc : memref<!tpu.dma_semaphore, #tpu.memory_space<semaphore_mem>>
        %dma_start3A = arith.constant 0 : i32
        %dma_start3A_148 = tpu.memref_slice %arg6[%add3A_147, %dma_start3A] : memref<20000x128xf32, #tpu.memory_space<hbm>> -> memref<80x128xf32, #tpu.memory_space<hbm>>
        %dma_start3A_149 = arith.constant 0 : i32
        %dma_start3A_150 = tpu.memref_slice %arg6[%add3A_147, %dma_start3A_149] : memref<20000x128xf32, #tpu.memory_space<hbm>> -> memref<80x128xf32, #tpu.memory_space<hbm>>
        tpu.enqueue_dma source(%arg10 : memref<80x128xf32, #tpu.memory_space<vmem>>) target(%dma_start3A_150 : memref<80x128xf32, #tpu.memory_space<hbm>>) target_semaphore(%run_scoped3A : memref<!tpu.dma_semaphore, #tpu.memory_space<semaphore_mem>>)
        %dma_wait3A = arith.constant 0 : i32
        %dma_wait3A_151 = tpu.memref_slice %arg6[%add3A_147, %dma_wait3A] : memref<20000x128xf32, #tpu.memory_space<hbm>> -> memref<80x128xf32, #tpu.memory_space<hbm>>
        %dma_wait3A_152 = arith.constant 0 : i32
        %dma_wait3A_153 = tpu.memref_slice %arg6[%add3A_147, %dma_wait3A_152] : memref<20000x128xf32, #tpu.memory_space<hbm>> -> memref<80x128xf32, #tpu.memory_space<hbm>>
        tpu.wait_dma2 semaphore(%run_scoped3A : memref<!tpu.dma_semaphore, #tpu.memory_space<semaphore_mem>>) src(%arg10 : memref<80x128xf32, #tpu.memory_space<vmem>>) dst(%dma_wait3A_153 : memref<80x128xf32, #tpu.memory_space<hbm>>)
        tpu.yield
      }) : () -> ()
    } else {
    }
    %mul3A_127 = arith.constant 640 : i32
    %mul3A_128 = arith.muli %arg1, %mul3A_127 : i32
    %add3A_129 = arith.constant 480 : i32
    %add3A_130 = arith.addi %mul3A_128, %add3A_129 : i32
    %lt3A_131 = arith.constant 10000 : i32
    %lt3A_132 = arith.cmpi slt, %add3A_130, %lt3A_131 : i32
    %convert_element_type3A_133 = arith.extui %lt3A_132 : i1 to i32
    %cond3A_134 = arith.constant 0 : i32
    %cond3A_135 = arith.cmpi ne, %convert_element_type3A_133, %cond3A_134 : i32
    scf.if %cond3A_135 {
      "tpu.region"() ({
        %run_scoped3A = tpu.sem_alloc : memref<!tpu.dma_semaphore, #tpu.memory_space<semaphore_mem>>
        %dma_start3A = arith.constant 0 : i32
        %dma_start3A_148 = tpu.memref_slice %arg11[%add3A_130, %dma_start3A] : memref<10000x128xf32, #tpu.memory_space<vmem_shared>> -> memref<80x128xf32, #tpu.memory_space<vmem_shared>>
        %dma_start3A_149 = arith.constant 0 : i32
        %dma_start3A_150 = tpu.memref_slice %arg11[%add3A_130, %dma_start3A_149] : memref<10000x128xf32, #tpu.memory_space<vmem_shared>> -> memref<80x128xf32, #tpu.memory_space<vmem_shared>>
        tpu.enqueue_dma source(%dma_start3A_150 : memref<80x128xf32, #tpu.memory_space<vmem_shared>>) target(%arg10 : memref<80x128xf32, #tpu.memory_space<vmem>>) target_semaphore(%run_scoped3A : memref<!tpu.dma_semaphore, #tpu.memory_space<semaphore_mem>>)
        %dma_wait3A = arith.constant 0 : i32
        %dma_wait3A_151 = tpu.memref_slice %arg11[%add3A_130, %dma_wait3A] : memref<10000x128xf32, #tpu.memory_space<vmem_shared>> -> memref<80x128xf32, #tpu.memory_space<vmem_shared>>
        %dma_wait3A_152 = arith.constant 0 : i32
        %dma_wait3A_153 = tpu.memref_slice %arg11[%add3A_130, %dma_wait3A_152] : memref<10000x128xf32, #tpu.memory_space<vmem_shared>> -> memref<80x128xf32, #tpu.memory_space<vmem_shared>>
        tpu.wait_dma2 semaphore(%run_scoped3A : memref<!tpu.dma_semaphore, #tpu.memory_space<semaphore_mem>>) src(%dma_wait3A_153 : memref<80x128xf32, #tpu.memory_space<vmem_shared>>) dst(%arg10 : memref<80x128xf32, #tpu.memory_space<vmem>>)
        tpu.yield
      }) : () -> ()
      %mul3A_145 = arith.constant 10000 : i32
      %mul3A_146 = arith.muli %arg0, %mul3A_145 : i32
      %add3A_147 = arith.addi %mul3A_146, %add3A_130 : i32
      "tpu.region"() ({
        %run_scoped3A = tpu.sem_alloc : memref<!tpu.dma_semaphore, #tpu.memory_space<semaphore_mem>>
        %dma_start3A = arith.constant 0 : i32
        %dma_start3A_148 = tpu.memref_slice %arg6[%add3A_147, %dma_start3A] : memref<20000x128xf32, #tpu.memory_space<hbm>> -> memref<80x128xf32, #tpu.memory_space<hbm>>
        %dma_start3A_149 = arith.constant 0 : i32
        %dma_start3A_150 = tpu.memref_slice %arg6[%add3A_147, %dma_start3A_149] : memref<20000x128xf32, #tpu.memory_space<hbm>> -> memref<80x128xf32, #tpu.memory_space<hbm>>
        tpu.enqueue_dma source(%arg10 : memref<80x128xf32, #tpu.memory_space<vmem>>) target(%dma_start3A_150 : memref<80x128xf32, #tpu.memory_space<hbm>>) target_semaphore(%run_scoped3A : memref<!tpu.dma_semaphore, #tpu.memory_space<semaphore_mem>>)
        %dma_wait3A = arith.constant 0 : i32
        %dma_wait3A_151 = tpu.memref_slice %arg6[%add3A_147, %dma_wait3A] : memref<20000x128xf32, #tpu.memory_space<hbm>> -> memref<80x128xf32, #tpu.memory_space<hbm>>
        %dma_wait3A_152 = arith.constant 0 : i32
        %dma_wait3A_153 = tpu.memref_slice %arg6[%add3A_147, %dma_wait3A_152] : memref<20000x128xf32, #tpu.memory_space<hbm>> -> memref<80x128xf32, #tpu.memory_space<hbm>>
        tpu.wait_dma2 semaphore(%run_scoped3A : memref<!tpu.dma_semaphore, #tpu.memory_space<semaphore_mem>>) src(%arg10 : memref<80x128xf32, #tpu.memory_space<vmem>>) dst(%dma_wait3A_153 : memref<80x128xf32, #tpu.memory_space<hbm>>)
        tpu.yield
      }) : () -> ()
    } else {
    }
    %mul3A_136 = arith.constant 640 : i32
    %mul3A_137 = arith.muli %arg1, %mul3A_136 : i32
    %add3A_138 = arith.constant 560 : i32
    %add3A_139 = arith.addi %mul3A_137, %add3A_138 : i32
    %lt3A_140 = arith.constant 10000 : i32
    %lt3A_141 = arith.cmpi slt, %add3A_139, %lt3A_140 : i32
    %convert_element_type3A_142 = arith.extui %lt3A_141 : i1 to i32
    %cond3A_143 = arith.constant 0 : i32
    %cond3A_144 = arith.cmpi ne, %convert_element_type3A_142, %cond3A_143 : i32
    scf.if %cond3A_144 {
      "tpu.region"() ({
        %run_scoped3A = tpu.sem_alloc : memref<!tpu.dma_semaphore, #tpu.memory_space<semaphore_mem>>
        %dma_start3A = arith.constant 0 : i32
        %dma_start3A_148 = tpu.memref_slice %arg11[%add3A_139, %dma_start3A] : memref<10000x128xf32, #tpu.memory_space<vmem_shared>> -> memref<80x128xf32, #tpu.memory_space<vmem_shared>>
        %dma_start3A_149 = arith.constant 0 : i32
        %dma_start3A_150 = tpu.memref_slice %arg11[%add3A_139, %dma_start3A_149] : memref<10000x128xf32, #tpu.memory_space<vmem_shared>> -> memref<80x128xf32, #tpu.memory_space<vmem_shared>>
        tpu.enqueue_dma source(%dma_start3A_150 : memref<80x128xf32, #tpu.memory_space<vmem_shared>>) target(%arg10 : memref<80x128xf32, #tpu.memory_space<vmem>>) target_semaphore(%run_scoped3A : memref<!tpu.dma_semaphore, #tpu.memory_space<semaphore_mem>>)
        %dma_wait3A = arith.constant 0 : i32
        %dma_wait3A_151 = tpu.memref_slice %arg11[%add3A_139, %dma_wait3A] : memref<10000x128xf32, #tpu.memory_space<vmem_shared>> -> memref<80x128xf32, #tpu.memory_space<vmem_shared>>
        %dma_wait3A_152 = arith.constant 0 : i32
        %dma_wait3A_153 = tpu.memref_slice %arg11[%add3A_139, %dma_wait3A_152] : memref<10000x128xf32, #tpu.memory_space<vmem_shared>> -> memref<80x128xf32, #tpu.memory_space<vmem_shared>>
        tpu.wait_dma2 semaphore(%run_scoped3A : memref<!tpu.dma_semaphore, #tpu.memory_space<semaphore_mem>>) src(%dma_wait3A_153 : memref<80x128xf32, #tpu.memory_space<vmem_shared>>) dst(%arg10 : memref<80x128xf32, #tpu.memory_space<vmem>>)
        tpu.yield
      }) : () -> ()
      %mul3A_145 = arith.constant 10000 : i32
      %mul3A_146 = arith.muli %arg0, %mul3A_145 : i32
      %add3A_147 = arith.addi %mul3A_146, %add3A_139 : i32
      "tpu.region"() ({
        %run_scoped3A = tpu.sem_alloc : memref<!tpu.dma_semaphore, #tpu.memory_space<semaphore_mem>>
        %dma_start3A = arith.constant 0 : i32
        %dma_start3A_148 = tpu.memref_slice %arg6[%add3A_147, %dma_start3A] : memref<20000x128xf32, #tpu.memory_space<hbm>> -> memref<80x128xf32, #tpu.memory_space<hbm>>
        %dma_start3A_149 = arith.constant 0 : i32
        %dma_start3A_150 = tpu.memref_slice %arg6[%add3A_147, %dma_start3A_149] : memref<20000x128xf32, #tpu.memory_space<hbm>> -> memref<80x128xf32, #tpu.memory_space<hbm>>
        tpu.enqueue_dma source(%arg10 : memref<80x128xf32, #tpu.memory_space<vmem>>) target(%dma_start3A_150 : memref<80x128xf32, #tpu.memory_space<hbm>>) target_semaphore(%run_scoped3A : memref<!tpu.dma_semaphore, #tpu.memory_space<semaphore_mem>>)
        %dma_wait3A = arith.constant 0 : i32
        %dma_wait3A_151 = tpu.memref_slice %arg6[%add3A_147, %dma_wait3A] : memref<20000x128xf32, #tpu.memory_space<hbm>> -> memref<80x128xf32, #tpu.memory_space<hbm>>
        %dma_wait3A_152 = arith.constant 0 : i32
        %dma_wait3A_153 = tpu.memref_slice %arg6[%add3A_147, %dma_wait3A_152] : memref<20000x128xf32, #tpu.memory_space<hbm>> -> memref<80x128xf32, #tpu.memory_space<hbm>>
        tpu.wait_dma2 semaphore(%run_scoped3A : memref<!tpu.dma_semaphore, #tpu.memory_space<semaphore_mem>>) src(%arg10 : memref<80x128xf32, #tpu.memory_space<vmem>>) dst(%dma_wait3A_153 : memref<80x128xf32, #tpu.memory_space<hbm>>)
        tpu.yield
      }) : () -> ()
    } else {
    }
    return
  }
}

module attributes {stable_mosaic.version = 14 : i64} {
  func.func @_project_body(%arg0: i32, %arg1: memref<400x256xf32, #tpu.memory_space<vmem>>, %arg2: memref<4x256x256xf32, #tpu.memory_space<vmem>>, %arg3: memref<8x4xf32, #tpu.memory_space<vmem>>, %arg4: memref<256x256xf32, #tpu.memory_space<vmem>>, %arg5: memref<1x256xf32, #tpu.memory_space<vmem>>, %arg6: memref<2x8x400x128xf32, #tpu.memory_space<vmem>>, %arg7: memref<400x256xf32, #tpu.memory_space<vmem>>) attributes {dimension_semantics = [#tpu.dimension_semantics<arbitrary>], iteration_bounds = array<i64: 25>, scalar_prefetch = 0 : i64, scratch_operands = 0 : i64, tpu.core_type = #tpu.core_type<tc>, window_params = [{transform_indices = @transform_0, window_bounds = array<i64: 400, 256>}, {pipeline_mode = #tpu.pipeline_mode<synchronous>, transform_indices = @transform_1, window_bounds = array<i64: 4, 256, 256>}, {pipeline_mode = #tpu.pipeline_mode<synchronous>, transform_indices = @transform_2, window_bounds = array<i64: 8, 4>}, {pipeline_mode = #tpu.pipeline_mode<synchronous>, transform_indices = @transform_3, window_bounds = array<i64: 256, 256>}, {pipeline_mode = #tpu.pipeline_mode<synchronous>, transform_indices = @transform_4, window_bounds = array<i64: 1, 256>}, {transform_indices = @transform_5, window_bounds = array<i64: 2, 8, 400, 128>}, {transform_indices = @transform_6, window_bounds = array<i64: 400, 256>}]} {
    %get3A = arith.constant 0 : index
    %get3A_0 = arith.constant 0 : index
    %get3A_1 = vector.load %arg1[%get3A, %get3A_0] : memref<400x256xf32, #tpu.memory_space<vmem>>, vector<400x256xf32>
    %get3A_2 = arith.constant 0 : index
    %get3A_3 = arith.constant 0 : index
    %get3A_4 = arith.constant 0 : index
    %get3A_5 = vector.load %arg2[%get3A_2, %get3A_3, %get3A_4] : memref<4x256x256xf32, #tpu.memory_space<vmem>>, vector<1x256x256xf32>
    %get3A_6 = vector.shape_cast %get3A_5 : vector<1x256x256xf32> to vector<256x256xf32>
    %dot_general3A = arith.constant dense<0.000000e+00> : vector<400x256xf32>
    %dot_general3A_7 = tpu.matmul %get3A_1, %get3A_6, %dot_general3A {dimension_numbers = #tpu.dot_dimension_numbers<[1], [0], [0], [1], [0, 0, 1, 1], [], []>, transpose_lhs_hint = false} : vector<400x256xf32>, vector<256x256xf32>, vector<400x256xf32> -> vector<400x256xf32>
    %get3A_8 = arith.constant 1 : index
    %get3A_9 = arith.constant 0 : index
    %get3A_10 = arith.constant 0 : index
    %get3A_11 = vector.load %arg2[%get3A_8, %get3A_9, %get3A_10] : memref<4x256x256xf32, #tpu.memory_space<vmem>>, vector<1x256x256xf32>
    %get3A_12 = vector.shape_cast %get3A_11 : vector<1x256x256xf32> to vector<256x256xf32>
    %dot_general3A_13 = arith.constant dense<0.000000e+00> : vector<400x256xf32>
    %dot_general3A_14 = tpu.matmul %get3A_1, %get3A_12, %dot_general3A_13 {dimension_numbers = #tpu.dot_dimension_numbers<[1], [0], [0], [1], [0, 0, 1, 1], [], []>, transpose_lhs_hint = false} : vector<400x256xf32>, vector<256x256xf32>, vector<400x256xf32> -> vector<400x256xf32>
    %get3A_15 = arith.constant 2 : index
    %get3A_16 = arith.constant 0 : index
    %get3A_17 = arith.constant 0 : index
    %get3A_18 = vector.load %arg2[%get3A_15, %get3A_16, %get3A_17] : memref<4x256x256xf32, #tpu.memory_space<vmem>>, vector<1x256x256xf32>
    %get3A_19 = vector.shape_cast %get3A_18 : vector<1x256x256xf32> to vector<256x256xf32>
    %dot_general3A_20 = arith.constant dense<0.000000e+00> : vector<400x256xf32>
    %dot_general3A_21 = tpu.matmul %get3A_1, %get3A_19, %dot_general3A_20 {dimension_numbers = #tpu.dot_dimension_numbers<[1], [0], [0], [1], [0, 0, 1, 1], [], []>, transpose_lhs_hint = false} : vector<400x256xf32>, vector<256x256xf32>, vector<400x256xf32> -> vector<400x256xf32>
    %get3A_22 = arith.constant 3 : index
    %get3A_23 = arith.constant 0 : index
    %get3A_24 = arith.constant 0 : index
    %get3A_25 = vector.load %arg2[%get3A_22, %get3A_23, %get3A_24] : memref<4x256x256xf32, #tpu.memory_space<vmem>>, vector<1x256x256xf32>
    %get3A_26 = vector.shape_cast %get3A_25 : vector<1x256x256xf32> to vector<256x256xf32>
    %dot_general3A_27 = arith.constant dense<0.000000e+00> : vector<400x256xf32>
    %dot_general3A_28 = tpu.matmul %get3A_1, %get3A_26, %dot_general3A_27 {dimension_numbers = #tpu.dot_dimension_numbers<[1], [0], [0], [1], [0, 0, 1, 1], [], []>, transpose_lhs_hint = false} : vector<400x256xf32>, vector<256x256xf32>, vector<400x256xf32> -> vector<400x256xf32>
    %get3A_29 = arith.constant 0 : index
    %get3A_30 = arith.constant 0 : index
    %get3A_31 = vector.load %arg4[%get3A_29, %get3A_30] : memref<256x256xf32, #tpu.memory_space<vmem>>, vector<256x256xf32>
    %dot_general3A_32 = arith.constant dense<0.000000e+00> : vector<400x256xf32>
    %dot_general3A_33 = tpu.matmul %get3A_1, %get3A_31, %dot_general3A_32 {dimension_numbers = #tpu.dot_dimension_numbers<[1], [0], [0], [1], [0, 0, 1, 1], [], []>, transpose_lhs_hint = false} : vector<400x256xf32>, vector<256x256xf32>, vector<400x256xf32> -> vector<400x256xf32>
    %get3A_34 = arith.constant 0 : index
    %get3A_35 = arith.constant 0 : index
    %get3A_36 = vector.load %arg5[%get3A_34, %get3A_35] : memref<1x256xf32, #tpu.memory_space<vmem>>, vector<1x256xf32>
    %add3A = vector.broadcast %get3A_36 : vector<1x256xf32> to vector<400x256xf32>
    %add3A_37 = arith.addf %dot_general3A_33, %add3A : vector<400x256xf32>
    %swap3A = arith.constant 0 : index
    %swap3A_38 = arith.constant 0 : index
    %swap3A_39 = vector.load %arg7[%swap3A, %swap3A_38] : memref<400x256xf32, #tpu.memory_space<vmem>>, vector<400x256xf32>
    tpu.vector_store %arg7[%swap3A, %swap3A_38], %add3A_37 {strides = array<i32>} : memref<400x256xf32, #tpu.memory_space<vmem>>, vector<400x256xf32>,
    %get3A_40 = arith.constant 0 : index
    %get3A_41 = arith.constant 0 : index
    %get3A_42 = vector.load %arg3[%get3A_40, %get3A_41] : memref<8x4xf32, #tpu.memory_space<vmem>>, vector<1x1xf32>
    %get3A_43 = vector.extract %get3A_42[0, 0] : f32 from vector<1x1xf32>
    %mul3A = vector.broadcast %get3A_43 : f32 to vector<400x256xf32>
    %mul3A_44 = arith.mulf %dot_general3A_7, %mul3A : vector<400x256xf32>
    %get3A_45 = arith.constant 0 : index
    %get3A_46 = arith.constant 1 : index
    %get3A_47 = vector.load %arg3[%get3A_45, %get3A_46] : memref<8x4xf32, #tpu.memory_space<vmem>>, vector<1x1xf32>
    %get3A_48 = vector.extract %get3A_47[0, 0] : f32 from vector<1x1xf32>
    %mul3A_49 = vector.broadcast %get3A_48 : f32 to vector<400x256xf32>
    %mul3A_50 = arith.mulf %dot_general3A_14, %mul3A_49 : vector<400x256xf32>
    %add3A_51 = arith.addf %mul3A_44, %mul3A_50 : vector<400x256xf32>
    %get3A_52 = arith.constant 0 : index
    %get3A_53 = arith.constant 2 : index
    %get3A_54 = vector.load %arg3[%get3A_52, %get3A_53] : memref<8x4xf32, #tpu.memory_space<vmem>>, vector<1x1xf32>
    %get3A_55 = vector.extract %get3A_54[0, 0] : f32 from vector<1x1xf32>
    %mul3A_56 = vector.broadcast %get3A_55 : f32 to vector<400x256xf32>
    %mul3A_57 = arith.mulf %dot_general3A_21, %mul3A_56 : vector<400x256xf32>
    %add3A_58 = arith.addf %add3A_51, %mul3A_57 : vector<400x256xf32>
    %get3A_59 = arith.constant 0 : index
    %get3A_60 = arith.constant 3 : index
    %get3A_61 = vector.load %arg3[%get3A_59, %get3A_60] : memref<8x4xf32, #tpu.memory_space<vmem>>, vector<1x1xf32>
    %get3A_62 = vector.extract %get3A_61[0, 0] : f32 from vector<1x1xf32>
    %mul3A_63 = vector.broadcast %get3A_62 : f32 to vector<400x256xf32>
    %mul3A_64 = arith.mulf %dot_general3A_28, %mul3A_63 : vector<400x256xf32>
    %add3A_65 = arith.addf %add3A_58, %mul3A_64 : vector<400x256xf32>
    %slice3A = vector.extract_strided_slice %add3A_65 {offsets = [0, 0], sizes = [400, 128], strides = [1, 1]} : vector<400x256xf32> to vector<400x128xf32>
    %swap3A_66 = arith.constant 0 : index
    %swap3A_67 = arith.constant 0 : index
    %swap3A_68 = arith.constant 0 : index
    %swap3A_69 = arith.constant 0 : index
    %swap3A_70 = vector.load %arg6[%swap3A_66, %swap3A_67, %swap3A_68, %swap3A_69] : memref<2x8x400x128xf32, #tpu.memory_space<vmem>>, vector<1x1x400x128xf32>
    %swap3A_71 = vector.shape_cast %swap3A_70 : vector<1x1x400x128xf32> to vector<400x128xf32>
    %swap3A_72 = vector.shape_cast %slice3A : vector<400x128xf32> to vector<1x1x400x128xf32>
    tpu.vector_store %arg6[%swap3A_66, %swap3A_67, %swap3A_68, %swap3A_69], %swap3A_72 {strides = array<i32>} : memref<2x8x400x128xf32, #tpu.memory_space<vmem>>, vector<1x1x400x128xf32>,
    %slice3A_73 = vector.extract_strided_slice %add3A_65 {offsets = [0, 128], sizes = [400, 128], strides = [1, 1]} : vector<400x256xf32> to vector<400x128xf32>
    %swap3A_74 = arith.constant 1 : index
    %swap3A_75 = arith.constant 0 : index
    %swap3A_76 = arith.constant 0 : index
    %swap3A_77 = arith.constant 0 : index
    %swap3A_78 = vector.load %arg6[%swap3A_74, %swap3A_75, %swap3A_76, %swap3A_77] : memref<2x8x400x128xf32, #tpu.memory_space<vmem>>, vector<1x1x400x128xf32>
    %swap3A_79 = vector.shape_cast %swap3A_78 : vector<1x1x400x128xf32> to vector<400x128xf32>
    %swap3A_80 = vector.shape_cast %slice3A_73 : vector<400x128xf32> to vector<1x1x400x128xf32>
    tpu.vector_store %arg6[%swap3A_74, %swap3A_75, %swap3A_76, %swap3A_77], %swap3A_80 {strides = array<i32>} : memref<2x8x400x128xf32, #tpu.memory_space<vmem>>, vector<1x1x400x128xf32>,
    %get3A_81 = arith.constant 1 : index
    %get3A_82 = arith.constant 0 : index
    %get3A_83 = vector.load %arg3[%get3A_81, %get3A_82] : memref<8x4xf32, #tpu.memory_space<vmem>>, vector<1x1xf32>
    %get3A_84 = vector.extract %get3A_83[0, 0] : f32 from vector<1x1xf32>
    %mul3A_85 = vector.broadcast %get3A_84 : f32 to vector<400x256xf32>
    %mul3A_86 = arith.mulf %dot_general3A_7, %mul3A_85 : vector<400x256xf32>
    %get3A_87 = arith.constant 1 : index
    %get3A_88 = arith.constant 1 : index
    %get3A_89 = vector.load %arg3[%get3A_87, %get3A_88] : memref<8x4xf32, #tpu.memory_space<vmem>>, vector<1x1xf32>
    %get3A_90 = vector.extract %get3A_89[0, 0] : f32 from vector<1x1xf32>
    %mul3A_91 = vector.broadcast %get3A_90 : f32 to vector<400x256xf32>
    %mul3A_92 = arith.mulf %dot_general3A_14, %mul3A_91 : vector<400x256xf32>
    %add3A_93 = arith.addf %mul3A_86, %mul3A_92 : vector<400x256xf32>
    %get3A_94 = arith.constant 1 : index
    %get3A_95 = arith.constant 2 : index
    %get3A_96 = vector.load %arg3[%get3A_94, %get3A_95] : memref<8x4xf32, #tpu.memory_space<vmem>>, vector<1x1xf32>
    %get3A_97 = vector.extract %get3A_96[0, 0] : f32 from vector<1x1xf32>
    %mul3A_98 = vector.broadcast %get3A_97 : f32 to vector<400x256xf32>
    %mul3A_99 = arith.mulf %dot_general3A_21, %mul3A_98 : vector<400x256xf32>
    %add3A_100 = arith.addf %add3A_93, %mul3A_99 : vector<400x256xf32>
    %get3A_101 = arith.constant 1 : index
    %get3A_102 = arith.constant 3 : index
    %get3A_103 = vector.load %arg3[%get3A_101, %get3A_102] : memref<8x4xf32, #tpu.memory_space<vmem>>, vector<1x1xf32>
    %get3A_104 = vector.extract %get3A_103[0, 0] : f32 from vector<1x1xf32>
    %mul3A_105 = vector.broadcast %get3A_104 : f32 to vector<400x256xf32>
    %mul3A_106 = arith.mulf %dot_general3A_28, %mul3A_105 : vector<400x256xf32>
    %add3A_107 = arith.addf %add3A_100, %mul3A_106 : vector<400x256xf32>
    %slice3A_108 = vector.extract_strided_slice %add3A_107 {offsets = [0, 0], sizes = [400, 128], strides = [1, 1]} : vector<400x256xf32> to vector<400x128xf32>
    %swap3A_109 = arith.constant 0 : index
    %swap3A_110 = arith.constant 1 : index
    %swap3A_111 = arith.constant 0 : index
    %swap3A_112 = arith.constant 0 : index
    %swap3A_113 = vector.load %arg6[%swap3A_109, %swap3A_110, %swap3A_111, %swap3A_112] : memref<2x8x400x128xf32, #tpu.memory_space<vmem>>, vector<1x1x400x128xf32>
    %swap3A_114 = vector.shape_cast %swap3A_113 : vector<1x1x400x128xf32> to vector<400x128xf32>
    %swap3A_115 = vector.shape_cast %slice3A_108 : vector<400x128xf32> to vector<1x1x400x128xf32>
    tpu.vector_store %arg6[%swap3A_109, %swap3A_110, %swap3A_111, %swap3A_112], %swap3A_115 {strides = array<i32>} : memref<2x8x400x128xf32, #tpu.memory_space<vmem>>, vector<1x1x400x128xf32>,
    %slice3A_116 = vector.extract_strided_slice %add3A_107 {offsets = [0, 128], sizes = [400, 128], strides = [1, 1]} : vector<400x256xf32> to vector<400x128xf32>
    %swap3A_117 = arith.constant 1 : index
    %swap3A_118 = arith.constant 1 : index
    %swap3A_119 = arith.constant 0 : index
    %swap3A_120 = arith.constant 0 : index
    %swap3A_121 = vector.load %arg6[%swap3A_117, %swap3A_118, %swap3A_119, %swap3A_120] : memref<2x8x400x128xf32, #tpu.memory_space<vmem>>, vector<1x1x400x128xf32>
    %swap3A_122 = vector.shape_cast %swap3A_121 : vector<1x1x400x128xf32> to vector<400x128xf32>
    %swap3A_123 = vector.shape_cast %slice3A_116 : vector<400x128xf32> to vector<1x1x400x128xf32>
    tpu.vector_store %arg6[%swap3A_117, %swap3A_118, %swap3A_119, %swap3A_120], %swap3A_123 {strides = array<i32>} : memref<2x8x400x128xf32, #tpu.memory_space<vmem>>, vector<1x1x400x128xf32>,
    %get3A_124 = arith.constant 2 : index
    %get3A_125 = arith.constant 0 : index
    %get3A_126 = vector.load %arg3[%get3A_124, %get3A_125] : memref<8x4xf32, #tpu.memory_space<vmem>>, vector<1x1xf32>
    %get3A_127 = vector.extract %get3A_126[0, 0] : f32 from vector<1x1xf32>
    %mul3A_128 = vector.broadcast %get3A_127 : f32 to vector<400x256xf32>
    %mul3A_129 = arith.mulf %dot_general3A_7, %mul3A_128 : vector<400x256xf32>
    %get3A_130 = arith.constant 2 : index
    %get3A_131 = arith.constant 1 : index
    %get3A_132 = vector.load %arg3[%get3A_130, %get3A_131] : memref<8x4xf32, #tpu.memory_space<vmem>>, vector<1x1xf32>
    %get3A_133 = vector.extract %get3A_132[0, 0] : f32 from vector<1x1xf32>
    %mul3A_134 = vector.broadcast %get3A_133 : f32 to vector<400x256xf32>
    %mul3A_135 = arith.mulf %dot_general3A_14, %mul3A_134 : vector<400x256xf32>
    %add3A_136 = arith.addf %mul3A_129, %mul3A_135 : vector<400x256xf32>
    %get3A_137 = arith.constant 2 : index
    %get3A_138 = arith.constant 2 : index
    %get3A_139 = vector.load %arg3[%get3A_137, %get3A_138] : memref<8x4xf32, #tpu.memory_space<vmem>>, vector<1x1xf32>
    %get3A_140 = vector.extract %get3A_139[0, 0] : f32 from vector<1x1xf32>
    %mul3A_141 = vector.broadcast %get3A_140 : f32 to vector<400x256xf32>
    %mul3A_142 = arith.mulf %dot_general3A_21, %mul3A_141 : vector<400x256xf32>
    %add3A_143 = arith.addf %add3A_136, %mul3A_142 : vector<400x256xf32>
    %get3A_144 = arith.constant 2 : index
    %get3A_145 = arith.constant 3 : index
    %get3A_146 = vector.load %arg3[%get3A_144, %get3A_145] : memref<8x4xf32, #tpu.memory_space<vmem>>, vector<1x1xf32>
    %get3A_147 = vector.extract %get3A_146[0, 0] : f32 from vector<1x1xf32>
    %mul3A_148 = vector.broadcast %get3A_147 : f32 to vector<400x256xf32>
    %mul3A_149 = arith.mulf %dot_general3A_28, %mul3A_148 : vector<400x256xf32>
    %add3A_150 = arith.addf %add3A_143, %mul3A_149 : vector<400x256xf32>
    %slice3A_151 = vector.extract_strided_slice %add3A_150 {offsets = [0, 0], sizes = [400, 128], strides = [1, 1]} : vector<400x256xf32> to vector<400x128xf32>
    %swap3A_152 = arith.constant 0 : index
    %swap3A_153 = arith.constant 2 : index
    %swap3A_154 = arith.constant 0 : index
    %swap3A_155 = arith.constant 0 : index
    %swap3A_156 = vector.load %arg6[%swap3A_152, %swap3A_153, %swap3A_154, %swap3A_155] : memref<2x8x400x128xf32, #tpu.memory_space<vmem>>, vector<1x1x400x128xf32>
    %swap3A_157 = vector.shape_cast %swap3A_156 : vector<1x1x400x128xf32> to vector<400x128xf32>
    %swap3A_158 = vector.shape_cast %slice3A_151 : vector<400x128xf32> to vector<1x1x400x128xf32>
    tpu.vector_store %arg6[%swap3A_152, %swap3A_153, %swap3A_154, %swap3A_155], %swap3A_158 {strides = array<i32>} : memref<2x8x400x128xf32, #tpu.memory_space<vmem>>, vector<1x1x400x128xf32>,
    %slice3A_159 = vector.extract_strided_slice %add3A_150 {offsets = [0, 128], sizes = [400, 128], strides = [1, 1]} : vector<400x256xf32> to vector<400x128xf32>
    %swap3A_160 = arith.constant 1 : index
    %swap3A_161 = arith.constant 2 : index
    %swap3A_162 = arith.constant 0 : index
    %swap3A_163 = arith.constant 0 : index
    %swap3A_164 = vector.load %arg6[%swap3A_160, %swap3A_161, %swap3A_162, %swap3A_163] : memref<2x8x400x128xf32, #tpu.memory_space<vmem>>, vector<1x1x400x128xf32>
    %swap3A_165 = vector.shape_cast %swap3A_164 : vector<1x1x400x128xf32> to vector<400x128xf32>
    %swap3A_166 = vector.shape_cast %slice3A_159 : vector<400x128xf32> to vector<1x1x400x128xf32>
    tpu.vector_store %arg6[%swap3A_160, %swap3A_161, %swap3A_162, %swap3A_163], %swap3A_166 {strides = array<i32>} : memref<2x8x400x128xf32, #tpu.memory_space<vmem>>, vector<1x1x400x128xf32>,
    %get3A_167 = arith.constant 3 : index
    %get3A_168 = arith.constant 0 : index
    %get3A_169 = vector.load %arg3[%get3A_167, %get3A_168] : memref<8x4xf32, #tpu.memory_space<vmem>>, vector<1x1xf32>
    %get3A_170 = vector.extract %get3A_169[0, 0] : f32 from vector<1x1xf32>
    %mul3A_171 = vector.broadcast %get3A_170 : f32 to vector<400x256xf32>
    %mul3A_172 = arith.mulf %dot_general3A_7, %mul3A_171 : vector<400x256xf32>
    %get3A_173 = arith.constant 3 : index
    %get3A_174 = arith.constant 1 : index
    %get3A_175 = vector.load %arg3[%get3A_173, %get3A_174] : memref<8x4xf32, #tpu.memory_space<vmem>>, vector<1x1xf32>
    %get3A_176 = vector.extract %get3A_175[0, 0] : f32 from vector<1x1xf32>
    %mul3A_177 = vector.broadcast %get3A_176 : f32 to vector<400x256xf32>
    %mul3A_178 = arith.mulf %dot_general3A_14, %mul3A_177 : vector<400x256xf32>
    %add3A_179 = arith.addf %mul3A_172, %mul3A_178 : vector<400x256xf32>
    %get3A_180 = arith.constant 3 : index
    %get3A_181 = arith.constant 2 : index
    %get3A_182 = vector.load %arg3[%get3A_180, %get3A_181] : memref<8x4xf32, #tpu.memory_space<vmem>>, vector<1x1xf32>
    %get3A_183 = vector.extract %get3A_182[0, 0] : f32 from vector<1x1xf32>
    %mul3A_184 = vector.broadcast %get3A_183 : f32 to vector<400x256xf32>
    %mul3A_185 = arith.mulf %dot_general3A_21, %mul3A_184 : vector<400x256xf32>
    %add3A_186 = arith.addf %add3A_179, %mul3A_185 : vector<400x256xf32>
    %get3A_187 = arith.constant 3 : index
    %get3A_188 = arith.constant 3 : index
    %get3A_189 = vector.load %arg3[%get3A_187, %get3A_188] : memref<8x4xf32, #tpu.memory_space<vmem>>, vector<1x1xf32>
    %get3A_190 = vector.extract %get3A_189[0, 0] : f32 from vector<1x1xf32>
    %mul3A_191 = vector.broadcast %get3A_190 : f32 to vector<400x256xf32>
    %mul3A_192 = arith.mulf %dot_general3A_28, %mul3A_191 : vector<400x256xf32>
    %add3A_193 = arith.addf %add3A_186, %mul3A_192 : vector<400x256xf32>
    %slice3A_194 = vector.extract_strided_slice %add3A_193 {offsets = [0, 0], sizes = [400, 128], strides = [1, 1]} : vector<400x256xf32> to vector<400x128xf32>
    %swap3A_195 = arith.constant 0 : index
    %swap3A_196 = arith.constant 3 : index
    %swap3A_197 = arith.constant 0 : index
    %swap3A_198 = arith.constant 0 : index
    %swap3A_199 = vector.load %arg6[%swap3A_195, %swap3A_196, %swap3A_197, %swap3A_198] : memref<2x8x400x128xf32, #tpu.memory_space<vmem>>, vector<1x1x400x128xf32>
    %swap3A_200 = vector.shape_cast %swap3A_199 : vector<1x1x400x128xf32> to vector<400x128xf32>
    %swap3A_201 = vector.shape_cast %slice3A_194 : vector<400x128xf32> to vector<1x1x400x128xf32>
    tpu.vector_store %arg6[%swap3A_195, %swap3A_196, %swap3A_197, %swap3A_198], %swap3A_201 {strides = array<i32>} : memref<2x8x400x128xf32, #tpu.memory_space<vmem>>, vector<1x1x400x128xf32>,
    %slice3A_202 = vector.extract_strided_slice %add3A_193 {offsets = [0, 128], sizes = [400, 128], strides = [1, 1]} : vector<400x256xf32> to vector<400x128xf32>
    %swap3A_203 = arith.constant 1 : index
    %swap3A_204 = arith.constant 3 : index
    %swap3A_205 = arith.constant 0 : index
    %swap3A_206 = arith.constant 0 : index
    %swap3A_207 = vector.load %arg6[%swap3A_203, %swap3A_204, %swap3A_205, %swap3A_206] : memref<2x8x400x128xf32, #tpu.memory_space<vmem>>, vector<1x1x400x128xf32>
    %swap3A_208 = vector.shape_cast %swap3A_207 : vector<1x1x400x128xf32> to vector<400x128xf32>
    %swap3A_209 = vector.shape_cast %slice3A_202 : vector<400x128xf32> to vector<1x1x400x128xf32>
    tpu.vector_store %arg6[%swap3A_203, %swap3A_204, %swap3A_205, %swap3A_206], %swap3A_209 {strides = array<i32>} : memref<2x8x400x128xf32, #tpu.memory_space<vmem>>, vector<1x1x400x128xf32>,
    %get3A_210 = arith.constant 4 : index
    %get3A_211 = arith.constant 0 : index
    %get3A_212 = vector.load %arg3[%get3A_210, %get3A_211] : memref<8x4xf32, #tpu.memory_space<vmem>>, vector<1x1xf32>
    %get3A_213 = vector.extract %get3A_212[0, 0] : f32 from vector<1x1xf32>
    %mul3A_214 = vector.broadcast %get3A_213 : f32 to vector<400x256xf32>
    %mul3A_215 = arith.mulf %dot_general3A_7, %mul3A_214 : vector<400x256xf32>
    %get3A_216 = arith.constant 4 : index
    %get3A_217 = arith.constant 1 : index
    %get3A_218 = vector.load %arg3[%get3A_216, %get3A_217] : memref<8x4xf32, #tpu.memory_space<vmem>>, vector<1x1xf32>
    %get3A_219 = vector.extract %get3A_218[0, 0] : f32 from vector<1x1xf32>
    %mul3A_220 = vector.broadcast %get3A_219 : f32 to vector<400x256xf32>
    %mul3A_221 = arith.mulf %dot_general3A_14, %mul3A_220 : vector<400x256xf32>
    %add3A_222 = arith.addf %mul3A_215, %mul3A_221 : vector<400x256xf32>
    %get3A_223 = arith.constant 4 : index
    %get3A_224 = arith.constant 2 : index
    %get3A_225 = vector.load %arg3[%get3A_223, %get3A_224] : memref<8x4xf32, #tpu.memory_space<vmem>>, vector<1x1xf32>
    %get3A_226 = vector.extract %get3A_225[0, 0] : f32 from vector<1x1xf32>
    %mul3A_227 = vector.broadcast %get3A_226 : f32 to vector<400x256xf32>
    %mul3A_228 = arith.mulf %dot_general3A_21, %mul3A_227 : vector<400x256xf32>
    %add3A_229 = arith.addf %add3A_222, %mul3A_228 : vector<400x256xf32>
    %get3A_230 = arith.constant 4 : index
    %get3A_231 = arith.constant 3 : index
    %get3A_232 = vector.load %arg3[%get3A_230, %get3A_231] : memref<8x4xf32, #tpu.memory_space<vmem>>, vector<1x1xf32>
    %get3A_233 = vector.extract %get3A_232[0, 0] : f32 from vector<1x1xf32>
    %mul3A_234 = vector.broadcast %get3A_233 : f32 to vector<400x256xf32>
    %mul3A_235 = arith.mulf %dot_general3A_28, %mul3A_234 : vector<400x256xf32>
    %add3A_236 = arith.addf %add3A_229, %mul3A_235 : vector<400x256xf32>
    %slice3A_237 = vector.extract_strided_slice %add3A_236 {offsets = [0, 0], sizes = [400, 128], strides = [1, 1]} : vector<400x256xf32> to vector<400x128xf32>
    %swap3A_238 = arith.constant 0 : index
    %swap3A_239 = arith.constant 4 : index
    %swap3A_240 = arith.constant 0 : index
    %swap3A_241 = arith.constant 0 : index
    %swap3A_242 = vector.load %arg6[%swap3A_238, %swap3A_239, %swap3A_240, %swap3A_241] : memref<2x8x400x128xf32, #tpu.memory_space<vmem>>, vector<1x1x400x128xf32>
    %swap3A_243 = vector.shape_cast %swap3A_242 : vector<1x1x400x128xf32> to vector<400x128xf32>
    %swap3A_244 = vector.shape_cast %slice3A_237 : vector<400x128xf32> to vector<1x1x400x128xf32>
    tpu.vector_store %arg6[%swap3A_238, %swap3A_239, %swap3A_240, %swap3A_241], %swap3A_244 {strides = array<i32>} : memref<2x8x400x128xf32, #tpu.memory_space<vmem>>, vector<1x1x400x128xf32>,
    %slice3A_245 = vector.extract_strided_slice %add3A_236 {offsets = [0, 128], sizes = [400, 128], strides = [1, 1]} : vector<400x256xf32> to vector<400x128xf32>
    %swap3A_246 = arith.constant 1 : index
    %swap3A_247 = arith.constant 4 : index
    %swap3A_248 = arith.constant 0 : index
    %swap3A_249 = arith.constant 0 : index
    %swap3A_250 = vector.load %arg6[%swap3A_246, %swap3A_247, %swap3A_248, %swap3A_249] : memref<2x8x400x128xf32, #tpu.memory_space<vmem>>, vector<1x1x400x128xf32>
    %swap3A_251 = vector.shape_cast %swap3A_250 : vector<1x1x400x128xf32> to vector<400x128xf32>
    %swap3A_252 = vector.shape_cast %slice3A_245 : vector<400x128xf32> to vector<1x1x400x128xf32>
    tpu.vector_store %arg6[%swap3A_246, %swap3A_247, %swap3A_248, %swap3A_249], %swap3A_252 {strides = array<i32>} : memref<2x8x400x128xf32, #tpu.memory_space<vmem>>, vector<1x1x400x128xf32>,
    %get3A_253 = arith.constant 5 : index
    %get3A_254 = arith.constant 0 : index
    %get3A_255 = vector.load %arg3[%get3A_253, %get3A_254] : memref<8x4xf32, #tpu.memory_space<vmem>>, vector<1x1xf32>
    %get3A_256 = vector.extract %get3A_255[0, 0] : f32 from vector<1x1xf32>
    %mul3A_257 = vector.broadcast %get3A_256 : f32 to vector<400x256xf32>
    %mul3A_258 = arith.mulf %dot_general3A_7, %mul3A_257 : vector<400x256xf32>
    %get3A_259 = arith.constant 5 : index
    %get3A_260 = arith.constant 1 : index
    %get3A_261 = vector.load %arg3[%get3A_259, %get3A_260] : memref<8x4xf32, #tpu.memory_space<vmem>>, vector<1x1xf32>
    %get3A_262 = vector.extract %get3A_261[0, 0] : f32 from vector<1x1xf32>
    %mul3A_263 = vector.broadcast %get3A_262 : f32 to vector<400x256xf32>
    %mul3A_264 = arith.mulf %dot_general3A_14, %mul3A_263 : vector<400x256xf32>
    %add3A_265 = arith.addf %mul3A_258, %mul3A_264 : vector<400x256xf32>
    %get3A_266 = arith.constant 5 : index
    %get3A_267 = arith.constant 2 : index
    %get3A_268 = vector.load %arg3[%get3A_266, %get3A_267] : memref<8x4xf32, #tpu.memory_space<vmem>>, vector<1x1xf32>
    %get3A_269 = vector.extract %get3A_268[0, 0] : f32 from vector<1x1xf32>
    %mul3A_270 = vector.broadcast %get3A_269 : f32 to vector<400x256xf32>
    %mul3A_271 = arith.mulf %dot_general3A_21, %mul3A_270 : vector<400x256xf32>
    %add3A_272 = arith.addf %add3A_265, %mul3A_271 : vector<400x256xf32>
    %get3A_273 = arith.constant 5 : index
    %get3A_274 = arith.constant 3 : index
    %get3A_275 = vector.load %arg3[%get3A_273, %get3A_274] : memref<8x4xf32, #tpu.memory_space<vmem>>, vector<1x1xf32>
    %get3A_276 = vector.extract %get3A_275[0, 0] : f32 from vector<1x1xf32>
    %mul3A_277 = vector.broadcast %get3A_276 : f32 to vector<400x256xf32>
    %mul3A_278 = arith.mulf %dot_general3A_28, %mul3A_277 : vector<400x256xf32>
    %add3A_279 = arith.addf %add3A_272, %mul3A_278 : vector<400x256xf32>
    %slice3A_280 = vector.extract_strided_slice %add3A_279 {offsets = [0, 0], sizes = [400, 128], strides = [1, 1]} : vector<400x256xf32> to vector<400x128xf32>
    %swap3A_281 = arith.constant 0 : index
    %swap3A_282 = arith.constant 5 : index
    %swap3A_283 = arith.constant 0 : index
    %swap3A_284 = arith.constant 0 : index
    %swap3A_285 = vector.load %arg6[%swap3A_281, %swap3A_282, %swap3A_283, %swap3A_284] : memref<2x8x400x128xf32, #tpu.memory_space<vmem>>, vector<1x1x400x128xf32>
    %swap3A_286 = vector.shape_cast %swap3A_285 : vector<1x1x400x128xf32> to vector<400x128xf32>
    %swap3A_287 = vector.shape_cast %slice3A_280 : vector<400x128xf32> to vector<1x1x400x128xf32>
    tpu.vector_store %arg6[%swap3A_281, %swap3A_282, %swap3A_283, %swap3A_284], %swap3A_287 {strides = array<i32>} : memref<2x8x400x128xf32, #tpu.memory_space<vmem>>, vector<1x1x400x128xf32>,
    %slice3A_288 = vector.extract_strided_slice %add3A_279 {offsets = [0, 128], sizes = [400, 128], strides = [1, 1]} : vector<400x256xf32> to vector<400x128xf32>
    %swap3A_289 = arith.constant 1 : index
    %swap3A_290 = arith.constant 5 : index
    %swap3A_291 = arith.constant 0 : index
    %swap3A_292 = arith.constant 0 : index
    %swap3A_293 = vector.load %arg6[%swap3A_289, %swap3A_290, %swap3A_291, %swap3A_292] : memref<2x8x400x128xf32, #tpu.memory_space<vmem>>, vector<1x1x400x128xf32>
    %swap3A_294 = vector.shape_cast %swap3A_293 : vector<1x1x400x128xf32> to vector<400x128xf32>
    %swap3A_295 = vector.shape_cast %slice3A_288 : vector<400x128xf32> to vector<1x1x400x128xf32>
    tpu.vector_store %arg6[%swap3A_289, %swap3A_290, %swap3A_291, %swap3A_292], %swap3A_295 {strides = array<i32>} : memref<2x8x400x128xf32, #tpu.memory_space<vmem>>, vector<1x1x400x128xf32>,
    %get3A_296 = arith.constant 6 : index
    %get3A_297 = arith.constant 0 : index
    %get3A_298 = vector.load %arg3[%get3A_296, %get3A_297] : memref<8x4xf32, #tpu.memory_space<vmem>>, vector<1x1xf32>
    %get3A_299 = vector.extract %get3A_298[0, 0] : f32 from vector<1x1xf32>
    %mul3A_300 = vector.broadcast %get3A_299 : f32 to vector<400x256xf32>
    %mul3A_301 = arith.mulf %dot_general3A_7, %mul3A_300 : vector<400x256xf32>
    %get3A_302 = arith.constant 6 : index
    %get3A_303 = arith.constant 1 : index
    %get3A_304 = vector.load %arg3[%get3A_302, %get3A_303] : memref<8x4xf32, #tpu.memory_space<vmem>>, vector<1x1xf32>
    %get3A_305 = vector.extract %get3A_304[0, 0] : f32 from vector<1x1xf32>
    %mul3A_306 = vector.broadcast %get3A_305 : f32 to vector<400x256xf32>
    %mul3A_307 = arith.mulf %dot_general3A_14, %mul3A_306 : vector<400x256xf32>
    %add3A_308 = arith.addf %mul3A_301, %mul3A_307 : vector<400x256xf32>
    %get3A_309 = arith.constant 6 : index
    %get3A_310 = arith.constant 2 : index
    %get3A_311 = vector.load %arg3[%get3A_309, %get3A_310] : memref<8x4xf32, #tpu.memory_space<vmem>>, vector<1x1xf32>
    %get3A_312 = vector.extract %get3A_311[0, 0] : f32 from vector<1x1xf32>
    %mul3A_313 = vector.broadcast %get3A_312 : f32 to vector<400x256xf32>
    %mul3A_314 = arith.mulf %dot_general3A_21, %mul3A_313 : vector<400x256xf32>
    %add3A_315 = arith.addf %add3A_308, %mul3A_314 : vector<400x256xf32>
    %get3A_316 = arith.constant 6 : index
    %get3A_317 = arith.constant 3 : index
    %get3A_318 = vector.load %arg3[%get3A_316, %get3A_317] : memref<8x4xf32, #tpu.memory_space<vmem>>, vector<1x1xf32>
    %get3A_319 = vector.extract %get3A_318[0, 0] : f32 from vector<1x1xf32>
    %mul3A_320 = vector.broadcast %get3A_319 : f32 to vector<400x256xf32>
    %mul3A_321 = arith.mulf %dot_general3A_28, %mul3A_320 : vector<400x256xf32>
    %add3A_322 = arith.addf %add3A_315, %mul3A_321 : vector<400x256xf32>
    %slice3A_323 = vector.extract_strided_slice %add3A_322 {offsets = [0, 0], sizes = [400, 128], strides = [1, 1]} : vector<400x256xf32> to vector<400x128xf32>
    %swap3A_324 = arith.constant 0 : index
    %swap3A_325 = arith.constant 6 : index
    %swap3A_326 = arith.constant 0 : index
    %swap3A_327 = arith.constant 0 : index
    %swap3A_328 = vector.load %arg6[%swap3A_324, %swap3A_325, %swap3A_326, %swap3A_327] : memref<2x8x400x128xf32, #tpu.memory_space<vmem>>, vector<1x1x400x128xf32>
    %swap3A_329 = vector.shape_cast %swap3A_328 : vector<1x1x400x128xf32> to vector<400x128xf32>
    %swap3A_330 = vector.shape_cast %slice3A_323 : vector<400x128xf32> to vector<1x1x400x128xf32>
    tpu.vector_store %arg6[%swap3A_324, %swap3A_325, %swap3A_326, %swap3A_327], %swap3A_330 {strides = array<i32>} : memref<2x8x400x128xf32, #tpu.memory_space<vmem>>, vector<1x1x400x128xf32>,
    %slice3A_331 = vector.extract_strided_slice %add3A_322 {offsets = [0, 128], sizes = [400, 128], strides = [1, 1]} : vector<400x256xf32> to vector<400x128xf32>
    %swap3A_332 = arith.constant 1 : index
    %swap3A_333 = arith.constant 6 : index
    %swap3A_334 = arith.constant 0 : index
    %swap3A_335 = arith.constant 0 : index
    %swap3A_336 = vector.load %arg6[%swap3A_332, %swap3A_333, %swap3A_334, %swap3A_335] : memref<2x8x400x128xf32, #tpu.memory_space<vmem>>, vector<1x1x400x128xf32>
    %swap3A_337 = vector.shape_cast %swap3A_336 : vector<1x1x400x128xf32> to vector<400x128xf32>
    %swap3A_338 = vector.shape_cast %slice3A_331 : vector<400x128xf32> to vector<1x1x400x128xf32>
    tpu.vector_store %arg6[%swap3A_332, %swap3A_333, %swap3A_334, %swap3A_335], %swap3A_338 {strides = array<i32>} : memref<2x8x400x128xf32, #tpu.memory_space<vmem>>, vector<1x1x400x128xf32>,
    %get3A_339 = arith.constant 7 : index
    %get3A_340 = arith.constant 0 : index
    %get3A_341 = vector.load %arg3[%get3A_339, %get3A_340] : memref<8x4xf32, #tpu.memory_space<vmem>>, vector<1x1xf32>
    %get3A_342 = vector.extract %get3A_341[0, 0] : f32 from vector<1x1xf32>
    %mul3A_343 = vector.broadcast %get3A_342 : f32 to vector<400x256xf32>
    %mul3A_344 = arith.mulf %dot_general3A_7, %mul3A_343 : vector<400x256xf32>
    %get3A_345 = arith.constant 7 : index
    %get3A_346 = arith.constant 1 : index
    %get3A_347 = vector.load %arg3[%get3A_345, %get3A_346] : memref<8x4xf32, #tpu.memory_space<vmem>>, vector<1x1xf32>
    %get3A_348 = vector.extract %get3A_347[0, 0] : f32 from vector<1x1xf32>
    %mul3A_349 = vector.broadcast %get3A_348 : f32 to vector<400x256xf32>
    %mul3A_350 = arith.mulf %dot_general3A_14, %mul3A_349 : vector<400x256xf32>
    %add3A_351 = arith.addf %mul3A_344, %mul3A_350 : vector<400x256xf32>
    %get3A_352 = arith.constant 7 : index
    %get3A_353 = arith.constant 2 : index
    %get3A_354 = vector.load %arg3[%get3A_352, %get3A_353] : memref<8x4xf32, #tpu.memory_space<vmem>>, vector<1x1xf32>
    %get3A_355 = vector.extract %get3A_354[0, 0] : f32 from vector<1x1xf32>
    %mul3A_356 = vector.broadcast %get3A_355 : f32 to vector<400x256xf32>
    %mul3A_357 = arith.mulf %dot_general3A_21, %mul3A_356 : vector<400x256xf32>
    %add3A_358 = arith.addf %add3A_351, %mul3A_357 : vector<400x256xf32>
    %get3A_359 = arith.constant 7 : index
    %get3A_360 = arith.constant 3 : index
    %get3A_361 = vector.load %arg3[%get3A_359, %get3A_360] : memref<8x4xf32, #tpu.memory_space<vmem>>, vector<1x1xf32>
    %get3A_362 = vector.extract %get3A_361[0, 0] : f32 from vector<1x1xf32>
    %mul3A_363 = vector.broadcast %get3A_362 : f32 to vector<400x256xf32>
    %mul3A_364 = arith.mulf %dot_general3A_28, %mul3A_363 : vector<400x256xf32>
    %add3A_365 = arith.addf %add3A_358, %mul3A_364 : vector<400x256xf32>
    %slice3A_366 = vector.extract_strided_slice %add3A_365 {offsets = [0, 0], sizes = [400, 128], strides = [1, 1]} : vector<400x256xf32> to vector<400x128xf32>
    %swap3A_367 = arith.constant 0 : index
    %swap3A_368 = arith.constant 7 : index
    %swap3A_369 = arith.constant 0 : index
    %swap3A_370 = arith.constant 0 : index
    %swap3A_371 = vector.load %arg6[%swap3A_367, %swap3A_368, %swap3A_369, %swap3A_370] : memref<2x8x400x128xf32, #tpu.memory_space<vmem>>, vector<1x1x400x128xf32>
    %swap3A_372 = vector.shape_cast %swap3A_371 : vector<1x1x400x128xf32> to vector<400x128xf32>
    %swap3A_373 = vector.shape_cast %slice3A_366 : vector<400x128xf32> to vector<1x1x400x128xf32>
    tpu.vector_store %arg6[%swap3A_367, %swap3A_368, %swap3A_369, %swap3A_370], %swap3A_373 {strides = array<i32>} : memref<2x8x400x128xf32, #tpu.memory_space<vmem>>, vector<1x1x400x128xf32>,
    %slice3A_374 = vector.extract_strided_slice %add3A_365 {offsets = [0, 128], sizes = [400, 128], strides = [1, 1]} : vector<400x256xf32> to vector<400x128xf32>
    %swap3A_375 = arith.constant 1 : index
    %swap3A_376 = arith.constant 7 : index
    %swap3A_377 = arith.constant 0 : index
    %swap3A_378 = arith.constant 0 : index
    %swap3A_379 = vector.load %arg6[%swap3A_375, %swap3A_376, %swap3A_377, %swap3A_378] : memref<2x8x400x128xf32, #tpu.memory_space<vmem>>, vector<1x1x400x128xf32>
    %swap3A_380 = vector.shape_cast %swap3A_379 : vector<1x1x400x128xf32> to vector<400x128xf32>
    %swap3A_381 = vector.shape_cast %slice3A_374 : vector<400x128xf32> to vector<1x1x400x128xf32>
    tpu.vector_store %arg6[%swap3A_375, %swap3A_376, %swap3A_377, %swap3A_378], %swap3A_381 {strides = array<i32>} : memref<2x8x400x128xf32, #tpu.memory_space<vmem>>, vector<1x1x400x128xf32>,
    return
  }
  func.func @transform_0(%arg0: i32) -> (i32, i32) {
    %c0_i32 = arith.constant 0 : i32
    %c0_i32_0 = arith.constant 0 : i32
    return %arg0, %c0_i32 : i32, i32
  }
  func.func @transform_1(%arg0: i32) -> (i32, i32, i32) {
    %c0_i32 = arith.constant 0 : i32
    %c0_i32_0 = arith.constant 0 : i32
    %c0_i32_1 = arith.constant 0 : i32
    %c0_i32_2 = arith.constant 0 : i32
    return %c0_i32, %c0_i32_0, %c0_i32_1 : i32, i32, i32
  }
  func.func @transform_2(%arg0: i32) -> (i32, i32) {
    %c0_i32 = arith.constant 0 : i32
    %c0_i32_0 = arith.constant 0 : i32
    %c0_i32_1 = arith.constant 0 : i32
    return %c0_i32, %c0_i32_0 : i32, i32
  }
  func.func @transform_3(%arg0: i32) -> (i32, i32) {
    %c0_i32 = arith.constant 0 : i32
    %c0_i32_0 = arith.constant 0 : i32
    %c0_i32_1 = arith.constant 0 : i32
    return %c0_i32, %c0_i32_0 : i32, i32
  }
  func.func @transform_4(%arg0: i32) -> (i32, i32) {
    %c0_i32 = arith.constant 0 : i32
    %c0_i32_0 = arith.constant 0 : i32
    %c0_i32_1 = arith.constant 0 : i32
    return %c0_i32, %c0_i32_0 : i32, i32
  }
  func.func @transform_5(%arg0: i32) -> (i32, i32, i32, i32) {
    %c0_i32 = arith.constant 0 : i32
    %c0_i32_0 = arith.constant 0 : i32
    %c0_i32_1 = arith.constant 0 : i32
    %c0_i32_2 = arith.constant 0 : i32
    return %c0_i32, %c0_i32_0, %arg0, %c0_i32_1 : i32, i32, i32, i32
  }
  func.func @transform_6(%arg0: i32) -> (i32, i32) {
    %c0_i32 = arith.constant 0 : i32
    %c0_i32_0 = arith.constant 0 : i32
    return %arg0, %c0_i32 : i32, i32
  }
}

module attributes {stable_mosaic.version = 14 : i64} {
  func.func @_combine_body(%arg0: i32, %arg1: memref<2x400x128xf32, #tpu.memory_space<vmem>>, %arg2: memref<400x256xf32, #tpu.memory_space<vmem>>, %arg3: memref<400x256xf32, #tpu.memory_space<vmem>>, %arg4: memref<400x256xf32, #tpu.memory_space<vmem>>) attributes {dimension_semantics = [#tpu.dimension_semantics<arbitrary>], iteration_bounds = array<i64: 25>, scalar_prefetch = 0 : i64, scratch_operands = 0 : i64, tpu.core_type = #tpu.core_type<tc>, window_params = [{transform_indices = @transform_0, window_bounds = array<i64: 2, 400, 128>}, {transform_indices = @transform_1, window_bounds = array<i64: 400, 256>}, {transform_indices = @transform_2, window_bounds = array<i64: 400, 256>}, {transform_indices = @transform_3, window_bounds = array<i64: 400, 256>}]} {
    %get3A = arith.constant 0 : index
    %get3A_0 = arith.constant 0 : index
    %get3A_1 = arith.constant 0 : index
    %get3A_2 = vector.load %arg1[%get3A, %get3A_0, %get3A_1] : memref<2x400x128xf32, #tpu.memory_space<vmem>>, vector<1x400x128xf32>
    %get3A_3 = vector.shape_cast %get3A_2 : vector<1x400x128xf32> to vector<400x128xf32>
    %get3A_4 = arith.constant 1 : index
    %get3A_5 = arith.constant 0 : index
    %get3A_6 = arith.constant 0 : index
    %get3A_7 = vector.load %arg1[%get3A_4, %get3A_5, %get3A_6] : memref<2x400x128xf32, #tpu.memory_space<vmem>>, vector<1x400x128xf32>
    %get3A_8 = vector.shape_cast %get3A_7 : vector<1x400x128xf32> to vector<400x128xf32>
    %concatenate3A = tpu.concatenate %get3A_3, %get3A_8 in 1 : vector<400x128xf32>, vector<400x128xf32> -> vector<400x256xf32>
    %get3A_9 = arith.constant 0 : index
    %get3A_10 = arith.constant 0 : index
    %get3A_11 = vector.load %arg2[%get3A_9, %get3A_10] : memref<400x256xf32, #tpu.memory_space<vmem>>, vector<400x256xf32>
    %add3A = arith.addf %concatenate3A, %get3A_11 : vector<400x256xf32>
    %max3A = arith.constant 0.000000e+00 : f32
    %max3A_12 = vector.broadcast %max3A : f32 to vector<400x256xf32>
    %max3A_13 = arith.maximumf %add3A, %max3A_12 : vector<400x256xf32>
    %get3A_14 = arith.constant 0 : index
    %get3A_15 = arith.constant 0 : index
    %get3A_16 = vector.load %arg3[%get3A_14, %get3A_15] : memref<400x256xf32, #tpu.memory_space<vmem>>, vector<400x256xf32>
    %add3A_17 = arith.addf %max3A_13, %get3A_16 : vector<400x256xf32>
    %swap3A = arith.constant 0 : index
    %swap3A_18 = arith.constant 0 : index
    %swap3A_19 = vector.load %arg4[%swap3A, %swap3A_18] : memref<400x256xf32, #tpu.memory_space<vmem>>, vector<400x256xf32>
    tpu.vector_store %arg4[%swap3A, %swap3A_18], %add3A_17 {strides = array<i32>} : memref<400x256xf32, #tpu.memory_space<vmem>>, vector<400x256xf32>,
    return
  }
  func.func @transform_0(%arg0: i32) -> (i32, i32, i32) {
    %c0_i32 = arith.constant 0 : i32
    %c0_i32_0 = arith.constant 0 : i32
    %c0_i32_1 = arith.constant 0 : i32
    return %c0_i32, %arg0, %c0_i32_0 : i32, i32, i32
  }
  func.func @transform_1(%arg0: i32) -> (i32, i32) {
    %c0_i32 = arith.constant 0 : i32
    %c0_i32_0 = arith.constant 0 : i32
    return %arg0, %c0_i32 : i32, i32
  }
  func.func @transform_2(%arg0: i32) -> (i32, i32) {
    %c0_i32 = arith.constant 0 : i32
    %c0_i32_0 = arith.constant 0 : i32
    return %arg0, %c0_i32 : i32, i32
  }
  func.func @transform_3(%arg0: i32) -> (i32, i32) {
    %c0_i32 = arith.constant 0 : i32
    %c0_i32_0 = arith.constant 0 : i32
    return %arg0, %c0_i32 : i32, i32
  }
}

module attributes {stable_mosaic.version = 14 : i64} {
  func.func @_combine_body(%arg0: i32, %arg1: memref<2x400x128xf32, #tpu.memory_space<vmem>>, %arg2: memref<400x256xf32, #tpu.memory_space<vmem>>, %arg3: memref<400x256xf32, #tpu.memory_space<vmem>>, %arg4: memref<400x256xf32, #tpu.memory_space<vmem>>) attributes {dimension_semantics = [#tpu.dimension_semantics<arbitrary>], iteration_bounds = array<i64: 25>, scalar_prefetch = 0 : i64, scratch_operands = 0 : i64, tpu.core_type = #tpu.core_type<tc>, window_params = [{transform_indices = @transform_0, window_bounds = array<i64: 2, 400, 128>}, {transform_indices = @transform_1, window_bounds = array<i64: 400, 256>}, {transform_indices = @transform_2, window_bounds = array<i64: 400, 256>}, {transform_indices = @transform_3, window_bounds = array<i64: 400, 256>}]} {
    %get3A = arith.constant 0 : index
    %get3A_0 = arith.constant 0 : index
    %get3A_1 = arith.constant 0 : index
    %get3A_2 = vector.load %arg1[%get3A, %get3A_0, %get3A_1] : memref<2x400x128xf32, #tpu.memory_space<vmem>>, vector<1x400x128xf32>
    %get3A_3 = vector.shape_cast %get3A_2 : vector<1x400x128xf32> to vector<400x128xf32>
    %get3A_4 = arith.constant 1 : index
    %get3A_5 = arith.constant 0 : index
    %get3A_6 = arith.constant 0 : index
    %get3A_7 = vector.load %arg1[%get3A_4, %get3A_5, %get3A_6] : memref<2x400x128xf32, #tpu.memory_space<vmem>>, vector<1x400x128xf32>
    %get3A_8 = vector.shape_cast %get3A_7 : vector<1x400x128xf32> to vector<400x128xf32>
    %concatenate3A = tpu.concatenate %get3A_3, %get3A_8 in 1 : vector<400x128xf32>, vector<400x128xf32> -> vector<400x256xf32>
    %get3A_9 = arith.constant 0 : index
    %get3A_10 = arith.constant 0 : index
    %get3A_11 = vector.load %arg2[%get3A_9, %get3A_10] : memref<400x256xf32, #tpu.memory_space<vmem>>, vector<400x256xf32>
    %add3A = arith.addf %concatenate3A, %get3A_11 : vector<400x256xf32>
    %max3A = arith.constant 0.000000e+00 : f32
    %max3A_12 = vector.broadcast %max3A : f32 to vector<400x256xf32>
    %max3A_13 = arith.maximumf %add3A, %max3A_12 : vector<400x256xf32>
    %get3A_14 = arith.constant 0 : index
    %get3A_15 = arith.constant 0 : index
    %get3A_16 = vector.load %arg3[%get3A_14, %get3A_15] : memref<400x256xf32, #tpu.memory_space<vmem>>, vector<400x256xf32>
    %add3A_17 = arith.addf %max3A_13, %get3A_16 : vector<400x256xf32>
    %swap3A = arith.constant 0 : index
    %swap3A_18 = arith.constant 0 : index
    %swap3A_19 = vector.load %arg4[%swap3A, %swap3A_18] : memref<400x256xf32, #tpu.memory_space<vmem>>, vector<400x256xf32>
    tpu.vector_store %arg4[%swap3A, %swap3A_18], %add3A_17 {strides = array<i32>} : memref<400x256xf32, #tpu.memory_space<vmem>>, vector<400x256xf32>,
    return
  }
  func.func @transform_0(%arg0: i32) -> (i32, i32, i32) {
    %c0_i32 = arith.constant 0 : i32
    %c0_i32_0 = arith.constant 0 : i32
    %c0_i32_1 = arith.constant 0 : i32
    return %c0_i32, %arg0, %c0_i32_0 : i32, i32, i32
  }
  func.func @transform_1(%arg0: i32) -> (i32, i32) {
    %c0_i32 = arith.constant 0 : i32
    %c0_i32_0 = arith.constant 0 : i32
    return %arg0, %c0_i32 : i32, i32
  }
  func.func @transform_2(%arg0: i32) -> (i32, i32) {
    %c0_i32 = arith.constant 0 : i32
    %c0_i32_0 = arith.constant 0 : i32
    return %arg0, %c0_i32 : i32, i32
  }
  func.func @transform_3(%arg0: i32) -> (i32, i32) {
    %c0_i32 = arith.constant 0 : i32
    %c0_i32_0 = arith.constant 0 : i32
    return %arg0, %c0_i32 : i32, i32
  }
}

</mosaic_0001>

<sc_bundles>
// kernel: kernel.11.cloned.1.call-start
scs
__scs_entry_jumppad:
0x0: {  	(pc) =	sbr.rel $0x88, $3  }
0x1: {  	(tag) =	ssettag $0x0;
	lr =	simm.s32 $0x1  }
0x2: {  	[smem:$0x3F92] =	sst lr;
	_ =	strace $0xD0000000  }
0x3: {  	_ = 	snop  }
0x4: {  	_ = 	snop  }
0x5: {  	_ = 	snop  }
0x6: {  	_ = 	snop  }
0x7: {  	_ = 	snop  }
__scs_overlays_trampoline_lowered:
0x8: {  	[smem:$0x3FA1] =	sst s0  }
0x9: {  	[smem:$0x3FA2] =	sst s1  }
0xa: {  	[smem:$0x3FA3] =	sst s2  }
0xb: {  	[smem:$0x3FA4] =	sst s3  }
0xc: {  	[smem:$0x3FA5] =	sst s4  }
0xd: {  	[smem:$0x3FA6] =	sst s5  }
0xe: {  	[smem:$0x3FA7] =	sst s6  }
0xf: {  	[smem:$0x3FA8] =	sst s7  }
0x10: {  	[smem:$0x3FA9] =	sst s8  }
0x11: {  	[smem:$0x3FAA] =	sst s9;
	s0 =	simm.s32 @!p0 $0x0  }
0x12: {  	s1 =	sld [smem:$0x3F90];
	s0 =	simm.s32 @p0 $0x1  }
0x13: {  	[smem:$0x3FAB] =	sst s0;
	s0 =	simm.s32 @!p1 $0x0  }
0x14: {  	s2 =	sld [smem:$0x3F8F];
	s0 =	simm.s32 @p1 $0x1  }
0x15: {  	[smem:$0x3FAC] =	sst s0;
	s0 =	simm.s32 @!p2 $0x0  }
0x16: {  	s3 =	sld [smem:$0x3FDB];
	s0 =	simm.s32 @p2 $0x1  }
0x17: {  	s4 =	simm.s32 $0x1BF5;
	[smem:$0x3FAE] =	sst s0  }
0x18: {  	s0 =	sld [smem:$0x3F91];
	_ =	swait.ge [sflag:s4], $0x0  }
0x19: {  	s7 =	sld [smem:$0x3F92]  }
0x1a: {  	s8 =	sadd.s32 $0xFFFFE003, lr  }
0x1b: {  	s9 =	sadd.s32 $0xFFFFFEF7, lr;
	s5 =	simm.s32 $0xFFFFFFFF;
	p2 =	slt.u32 s8, $0xFFFFF086  }
0x1c: {  	p1 =	slt.u32 s9, $0xF7A;
	s5 =	simm.s32 @!p2 $0x0  }
0x1d: {  	s5 =	simm.s32 @p1 $0x1;
	p0 =	seq.s32 s7, s2  }
0x1e: {  	s7 =	smul.u32 @!p0 $0xF7A, s2;
	p2 =	seq.s32 @!p0 s5, $0x0  }
0x1f: {  	s9 =	smul.u32 $0xF7A, s1;
	s8 =	simm.s32 @!p0 $0x1BF5;
	p2 =	por !p2, p0  }
0x20: {  	[sflag:s8] =	ssyncset.s32 @!p0 $0xFFFFF086;
	s6 =	sadd.s32 @!p0 s3, s7;
	s7 =	simm.s32 @!p0 $0x108  }
0x21: {  	s3 =	sadd.s32 s3, s9;
	s6 =	sadd.s32 @!p0 $0x88, s6;
	s7 =	simm.s32 @p2 $0x1082  }
0x22: {  	[simem:s7], [sflag:s8] =	dma.local @!p0 [hbm:s6], $0xF7A  }
0x23: {  	s9 =	sor.u32 $0xD0000000, s2;
	s6 =	simm.s32 $0x108;
	_ =	swait.ge @!p0 [sflag:s8], $0x0  }
0x24: {  	s3 =	sadd.s32 $0x88, s3;
	s6 =	simm.s32 @!p1 $0x1082;
	[sflag:s4] =	ssyncset.s32 $0xFFFFF086  }
0x25: {  	[simem:s6], [sflag:s4] =	dma.local [hbm:s3], $0xF7A  }
0x26: {  	[smem:$0x3F92] =	sst s1;
	(tag) =	ssettag s2;
	_ =	strace s9  }
0x27: {  	s1 =	sld [smem:$0x3FA2]  }
0x28: {  	s2 =	sld [smem:$0x3FA3]  }
0x29: {  	s4 =	sld [smem:$0x3FA5]  }
0x2a: {  	p0 =	seq.s32 s5, $0x0;
	s5 =	sld [smem:$0x3FA6]  }
0x2b: {  	s6 =	sld [smem:$0x3FA7]  }
0x2c: {  	s7 =	sld [smem:$0x3FA8]  }
0x2d: {  	s3 =	simm.s32 $0x108;
	s8 =	sld [smem:$0x3FA9]  }
0x2e: {  	s3 =	simm.s32 @!p0 $0x1082;
	s9 =	sld [smem:$0x3FAA]  }
0x2f: {  	lr =	sadd.s32 s0, s3;
	s0 =	sld [smem:$0x3FA1]  }
0x30: {  	s3 =	sld [smem:$0x3FA4]  }
0x31: {  	[smem:$0x3FAD] =	sst s10  }
0x32: {  	s10 =	sld [smem:$0x3FAB];
	_ =	sdelay $0x3  }
0x33: {  	p0 =	seq.s32 s10, $0x1;
	s10 =	sld [smem:$0x3FAD];
	_ =	sdelay $0x3  }
0x34: {  	[smem:$0x3FAD] =	sst s10  }
0x35: {  	s10 =	sld [smem:$0x3FAC];
	_ =	sdelay $0x3  }
0x36: {  	p1 =	seq.s32 s10, $0x1;
	s10 =	sld [smem:$0x3FAD];
	_ =	sdelay $0x3  }
0x37: {  	[smem:$0x3FAD] =	sst s10  }
0x38: {  	s10 =	sld [smem:$0x3FAE]  }
0x39: {  	_ = 	snop;
	(pc) =	sbr.ind lr, $3  }
0x3a: {  	_ = 	snop  }
0x3b: {  	_ = 	snop  }
0x3c: {  	p2 =	seq.s32 s10, $0x1;
	s10 =	sld [smem:$0x3FAD]  }
0x3d: {  	_ =	shalt  }
0x3e: {  	_ =	shalt  }
0x3f: {  	_ =	shalt  }
0x40: {  	_ =	shalt  }
0x41: {  	_ =	shalt  }
0x42: {  	_ =	shalt  }
0x43: {  	_ =	shalt  }
0x44: {  	_ =	shalt  }
0x45: {  	_ =	shalt  }
0x46: {  	_ =	shalt  }
0x47: {  	_ =	shalt  }
0x48: {  	_ =	shalt  }
0x49: {  	_ =	shalt  }
0x4a: {  	_ =	shalt  }
0x4b: {  	_ =	shalt  }
0x4c: {  	_ =	shalt  }
0x4d: {  	_ =	shalt  }
0x4e: {  	_ =	shalt  }
0x4f: {  	_ =	shalt  }
0x50: {  	_ =	shalt  }
0x51: {  	_ =	shalt  }
0x52: {  	_ =	shalt  }
0x53: {  	_ =	shalt  }
0x54: {  	_ =	shalt  }
0x55: {  	_ =	shalt  }
0x56: {  	_ =	shalt  }
0x57: {  	_ =	shalt  }
0x58: {  	_ =	shalt  }
0x59: {  	_ =	shalt  }
0x5a: {  	_ =	shalt  }
0x5b: {  	_ =	shalt  }
0x5c: {  	_ =	shalt  }
0x5d: {  	_ =	shalt  }
0x5e: {  	_ =	shalt  }
0x5f: {  	_ =	shalt  }
0x60: {  	_ =	shalt  }
0x61: {  	_ =	shalt  }
0x62: {  	_ =	shalt  }
0x63: {  	_ =	shalt  }
0x64: {  	_ =	shalt  }
0x65: {  	_ =	shalt  }
0x66: {  	_ =	shalt  }
0x67: {  	_ =	shalt  }
0x68: {  	_ =	shalt  }
0x69: {  	_ =	shalt  }
0x6a: {  	_ =	shalt  }
0x6b: {  	_ =	shalt  }
0x6c: {  	_ =	shalt  }
0x6d: {  	_ =	shalt  }
0x6e: {  	_ =	shalt  }
0x6f: {  	_ =	shalt  }
0x70: {  	_ =	shalt  }
0x71: {  	_ =	shalt  }
0x72: {  	_ =	shalt  }
0x73: {  	_ =	shalt  }
0x74: {  	_ =	shalt  }
0x75: {  	_ =	shalt  }
0x76: {  	_ =	shalt  }
0x77: {  	_ =	shalt  }
0x78: {  	_ =	shalt  }
0x79: {  	_ =	shalt  }
0x7a: {  	_ =	shalt  }
0x7b: {  	_ =	shalt  }
0x7c: {  	_ =	shalt  }
0x7d: {  	_ =	shalt  }
0x7e: {  	_ =	shalt  }
0x7f: {  	_ =	shalt  }
0x80: {  	_ =	shalt  }
0x81: {  	_ =	shalt  }
0x82: {  	_ =	shalt  }
0x83: {  	_ =	shalt  }
0x84: {  	_ =	shalt  }
0x85: {  	_ =	shalt  }
0x86: {  	_ =	shalt  }
0x87: {  	_ =	shalt  }
.Lfunc_end0:
.L_simem_size_0:
called_computation_lowered:
.L_overlay_start_0:
0x88: {  	s2 =	sld [smem:$0x3FD9]  }
0x89: {  	s3 =	sld [smem:$0x3FFE];
	_ =	sdelay $0x1  }
0x8a: {  	s1 =	srdreg.scid  }
0x8b: {  	s0 =	sand.u32 $0x1, s1  }
0x8c: {  	s16 =	sshll.u32 s0, $0xA;
	s2 =	sadd.s32 s3, s2  }
0x8d: {  	s2 =	sadd.s32 s2, s16  }
0x8e: {  	[smem:$0x3FB9] =	sst s2  }
0x8f: {  	_ = 	snop  }
0x90: {  	(tm) =	ssettm $0x1  }
0x91: {  	s17 =	sld [smem:$0x3FFB];
	_ =	sdelay $0x3  }
0x92: {  	_ =	strace s17  }
0x93: {  	s2 =	sld [smem:$0x3FFC];
	_ =	sdelay $0x3  }
0x94: {  	_ =	strace s2  }
0x95: {  	s2 =	sld [smem:$0x3FFD];
	_ =	sdelay $0x3  }
0x96: {  	_ =	strace s2  }
0x97: {  	_ =	strace $0x8FFFFFFF  }
0x98: {  	s18 =	sld [smem:$0x3FDB];
	_ =	sdelay $0x1  }
0x99: {  	s19 =	simm.s32 $_scs_section_size  }
0x9a: {  	s4 =	simm.s32 $_size__tile_overlayer_lowered;
	s5 =	simm.s32 $_tile_overlayer_lowered  }
0x9b: {  	s22 =	simm.s32 $0x1BFF;
	s21 =	sshll.u32 s5, $0x1;
	s2 =	sadd.s32 s19, s18  }
0x9c: {  	s6 =	simm.s32 $0x0;
	s20 =	sshll.u32 s4, $0x1;
	s4 =	sadd.s32 s21, s2  }
0x9d: {  	[timem:s6], [sflag:s22] =	dma.local [hbm:s4], s20  }
0x9e: {  	_ =	swait.ge [sflag:s22], s20  }
0x9f: {  	s3 =	ssub.s32 $0x0, s20;
	[sflag:s22] =	ssyncset.done $0x0  }
0xa0: {  	[sflag:s22] =	ssyncadd.s32 s3;
	_ =	sdelay $0x1  }
0xa1: {  	s23 =	simm.s32 $0x1B8B  }
0xa2: {  	_ =	swait.ge [sflag:s23], $0x1  }
0xa3: {  	[sflag:s23] =	ssyncset.done $0x0  }
0xa4: {  	s25 =	simm.s32 $0x1B8E;
	s24 =	sld [smem:$0x3FFE];
	[sflag:s23] =	ssyncadd.s32 $0xFFFFFFFF  }
0xa5: {  	s26 =	simm.s32 $execute0_lowered;
	[smem:$0x3FD2] =	sst s25  }
0xa6: {  	s4 =	sshll.u32 s26, $0x1;
	_ =	strace $0x80000046;
	[dreg:$0x1] =	wrdreg $0xFFFFFFFF  }
0xa7: {  	s28 =	simm.s32 $_size_execute0_lowered;
	s2 =	sadd.s32 s2, s4;
	[dreg:$0x0] =	wrdreg $0x0  }
0xa8: {  	s4 =	sshll.u32 s28, $0x1;
	[dreg:$0x2] =	wrdreg s2  }
0xa9: {  	[dreg:$0x3] =	wrdreg s4  }
0xaa: {  	[dreg:$0x4] =	wrdreg $0xC0  }
0xab: {  	_ =	task [dreg:s6], $0x5FFFF  }
0xac: {  	[dreg:$0x1] =	wrdreg $0xFFFFFFFF  }
0xad: {  	[dreg:$0x0] =	wrdreg $0x60  }
0xae: {  	[dreg:$0x2] =	wrdreg s24  }
0xaf: {  	[dreg:$0x3] =	wrdreg $0x51000  }
0xb0: {  	[dreg:$0x4] =	wrdreg $0x9  }
0xb1: {  	_ =	task.clear_ibuf [dreg:s6], $0x5FFFF;
	_ =	strace $0x90000046  }
0xb2: {  	s29 =	simm.s32 $0x9;
	_ =	strace $0x80000048  }
0xb3: {  	_ =	swait.ge [sflag:s29], $0x1  }
0xb4: {  	[sflag:s29] =	ssyncadd.s32 $0xFFFFFFFF  }
0xb5: {  	_ =	strace $0x90000048  }
0xb6: {  	_ =	sfence  }
0xb7: {  	s30 =	sld [smem:$0x0];
	_ =	sdelay $0x2  }
0xb8: {  	s31 =	sshll.u32 s1, $0xD;
	s1 =	sshrl.u32 s1, $0x2  }
0xb9: {  	s3 =	sand.u32 $0x4000, s31;
	s1 =	sadd.s32 s1, s30  }
0xba: {  	s0 =	sor.u32 s3, s0;
	s1 =	sshll.u32 s1, $0x11  }
0xbb: {  	s0 =	sor.u32 s1, s0  }
0xbc: {  	s0 =	sadd.s32 $0x8F2B, s0  }
0xbd: {  	[sflag:s0] =	ssyncadd.remote.s32 $0x1  }
0xbe: {  	_ =	sfence.sel $0xFFFF  }
0xbf: {  	[dreg:$0x0] =	wrdreg $0xFFFFFFFF;
	(pc) =	sbr.abs _section_cstart, $3  }
0xc0: {  	[dreg:$0x1] =	wrdreg $0xFFFFFFFF  }
0xc1: {  	_ =	task.clear_ibuf [dreg:s6], $0x2FFFF;
	_ =	strace $0x9FFFFFFF  }
0xc2: {  	(tm) =	ssettm $0x7FFFFFFF  }
0xc3: {  	_ =	shalt  }
tec
execute0_lowered:
.L_overlay_start_1:
0x0: {  	(tag) =	ssettag $0x1  }
0x1: {  	s0 =	srdreg.scid  }
0x2: {  	s28 =	stileid.u32;
	s5 =	rddreg [dreg:$0x0]  }
0x3: {  	s2 =	rddreg [dreg:$0x1];
	s3 =	simm.s32 $0x0;
	s1 =	smul.u32 $0x2710, s28  }
0x4: {  	s29 =	simm.s32 $0x2;
	s30 =	simm.s32 $0x80;
	s6 =	smul.u32 $0x4E2, s28  }
0x5: {  	s31 =	simm.s32 $0x50;
	s0 =	sand.u32 $0x1, s0;
	s17 =	smul.u32 $0x280, s28  }
0x6: {  	[smem:$0x7FF] =	sst s3;
	s22 =	sadd.s32 $0x283000, s5;
	s9 =	smul.u32 $0x50000, s28  }
0x7: {  	p0 =	seq.s32 s28, $0xF;
	s28 =	simm.s32 $0x2900;
	s4 =	smul.u32 $0x27100, s0  }
0x8: {  	_ =	strace $0x80000047;
	s7 =	ssub.s32 $0x2, s0;
	[dreg:$0x3] =	wrdreg s22  }
0x9: {  	s14 =	smul.u32 $0x2710, s0;
	s16 =	sadd.s32 s6, s5;
	s8 =	sshrl.u32 s7, $0x1  }
0xa: {  	s6 =	sadd.s32 $0x283600, s5;
	s18 =	sor.u32 $0x50, s17;
	s23 =	sshrl.u32 s9, $0x2  }
0xb: {  	s19 =	sadd.s32 $0xA0, s17;
	s21 =	sadd.s32 $0xF0, s17;
	s22 =	sadd.s32 $0x140, s17  }
0xc: {  	s12 =	sadd.s32 $0x1E0, s17;
	s13 =	sadd.s32 $0x230, s17;
	s1 =	sadd.s32 s1, s4  }
0xd: {  	s4 =	sadd.s32 $0x12000, s5;
	s24 =	sshll.u32 s18, $0x7;
	s25 =	sshll.u32 s19, $0x7  }
0xe: {  	s10 =	sshll.u32 s21, $0x7;
	s11 =	sshll.u32 s22, $0x7;
	s26 =	sshll.u32 s12, $0x7  }
0xf: {  	s20 =	sshll.u32 s13, $0x7;
	s19 =	sadd.s32 s14, s19;
	s21 =	sadd.s32 s14, s21  }
0x10: {  	s22 =	sadd.s32 s14, s22;
	s13 =	simm.s32 @p0 $0x27B0;
	s12 =	simm.s32 @p0 $0x2760  }
0x11: {  	s1 =	sshrl.u32 s1, $0x3;
	s9 =	sadd.s32 s25, s2;
	s10 =	sadd.s32 s10, s2  }
0x12: {  	s11 =	sadd.s32 s11, s2;
	s0 =	sadd.s32 s26, s2;
	s25 =	sadd.s32 s17, s14  }
0x13: {  	s26 =	sadd.s32 s14, s18;
	s19 =	sshll.u32 s19, $0x4;
	s1 =	sadd.s32 s1, s5  }
0x14: {  	s5 =	ssub.s32 s7, s8;
	s7 =	sadd.s32 s23, s2;
	s8 =	sadd.s32 s24, s2  }
0x15: {  	s23 =	sadd.s32 $0x190, s17;
	[dreg:$0x4] =	wrdreg s0;
	s24 =	sadd.s32 s20, s2  }
0x16: {  	s0 =	sshll.u32 s25, $0x4;
	s18 =	sshll.u32 s26, $0x4;
	s20 =	sadd.s32 s6, s19  }
0x17: {  	s25 =	sshll.u32 s22, $0x4;
	s15 =	sshll.u32 s23, $0x7;
	[dreg:$0x5] =	wrdreg s24  }
0x18: {  	s0 =	sadd.s32 s6, s0;
	[dreg:$0x8] =	wrdreg s20;
	s24 =	sadd.s32 s14, s23  }
0x19: {  	s22 =	sadd.s32 s6, s25;
	s25 =	sadd.s32 $0x3200, s16;
	s15 =	sadd.s32 s15, s2  }
0x1a: {  	[dreg:$0x6] =	wrdreg s0;
	s0 =	sadd.s32 s6, s18;
	s26 =	sshll.u32 s24, $0x4  }
0x1b: {  	s24 =	smax.u32 s5, $0x1;
	s5 =	simm.s32 $0x0;
	[dreg:$0x7] =	wrdreg s0  }
0x1c: {  	s0 =	sshll.u32 s21, $0x4;
	s23 =	sadd.s32 s6, s26;
	s26 =	sadd.s32 $0x8200, s1  }
0x1d: {  	s1 =	simm.s32 $0x100;
	s21 =	sadd.s32 s6, s0;
	s0 =	simm.s32 $0x1  }
.LBB2_1:
0x1e: {  	s16 =	rddreg [dreg:$0x3]  }
0x1f: {  	[tilespmem:s28], [sflag:$0x2] =	stream.linear.gather [hbm4b:s16+s3], $0x2800, $0x38;
	[tilespmem:$0x18980] =	vst v63  }
0x20: {  	_ =	swait.ge [sflag:s29], $0x2800  }
0x21: {  	[sflag:s29] =	ssyncset.done $0x0  }
0x22: {  	[sflag:s29] =	ssyncadd.s32 $0xFFFFD800  }
0x23: {  	[spmem:s7] =	stream.linear.scatter [tilespmem:s28], [sflag:$0x2], $0x2800, $0x38;
	[tilespmem:$0x18980] =	vst v63  }
0x24: {  	_ =	swait.ge [sflag:s29], $0x2800  }
0x25: {  	[sflag:s29] =	ssyncset.done $0x0  }
0x26: {  	[sflag:s29] =	ssyncadd.s32 $0xFFFFD800  }
0x27: {  	[spmem:s8] =	stream.linear.scatter [tilespmem:s28], [sflag:$0x2], $0x2800, $0x38;
	[tilespmem:$0x18980] =	vst v63  }
0x28: {  	_ =	swait.ge [sflag:s29], $0x2800  }
0x29: {  	[sflag:s29] =	ssyncset.done $0x0  }
0x2a: {  	[sflag:s29] =	ssyncadd.s32 $0xFFFFD800  }
0x2b: {  	[spmem:s9] =	stream.linear.scatter [tilespmem:s28], [sflag:$0x2], $0x2800, $0x38;
	[tilespmem:$0x18980] =	vst v63  }
0x2c: {  	_ =	swait.ge [sflag:s29], $0x2800  }
0x2d: {  	[sflag:s29] =	ssyncset.done $0x0  }
0x2e: {  	[sflag:s29] =	ssyncadd.s32 $0xFFFFD800  }
0x2f: {  	[spmem:s10] =	stream.linear.scatter [tilespmem:s28], [sflag:$0x2], $0x2800, $0x38;
	[tilespmem:$0x18980] =	vst v63  }
0x30: {  	_ =	swait.ge [sflag:s29], $0x2800  }
0x31: {  	[sflag:s29] =	ssyncset.done $0x0  }
0x32: {  	[sflag:s29] =	ssyncadd.s32 $0xFFFFD800  }
0x33: {  	[spmem:s11] =	stream.linear.scatter [tilespmem:s28], [sflag:$0x2], $0x2800, $0x38;
	[tilespmem:$0x18980] =	vst v63  }
0x34: {  	_ =	swait.ge [sflag:s29], $0x2800  }
0x35: {  	[sflag:s29] =	ssyncset.done $0x0  }
0x36: {  	s17 =	simm.s32 @!p0 $0x2;
	s16 =	simm.s32 @!p0 $0x2900;
	[sflag:s29] =	ssyncadd.s32 $0xFFFFD800  }
0x37: {  	[spmem:s15] =	stream.linear.scatter @!p0 [tilespmem:s16], [sflag:$0x2], $0x2800, $0x38;
	[tilespmem:$0x18980] =	vst v63  }
0x38: {  	_ =	swait.ge @!p0 [sflag:s17], $0x2800  }
0x39: {  	[sflag:s17] =	ssyncset.done @!p0 $0x0  }
0x3a: {  	s18 =	rddreg [dreg:$0x4];
	[sflag:s17] =	ssyncadd.s32 @!p0 $0xFFFFD800  }
0x3b: {  	[spmem:s18] =	stream.linear.scatter @!p0 [tilespmem:s16], [sflag:$0x2], $0x2800, $0x38;
	[tilespmem:$0x18980] =	vst v63  }
0x3c: {  	_ =	swait.ge @!p0 [sflag:s17], $0x2800  }
0x3d: {  	[sflag:s17] =	ssyncset.done @!p0 $0x0  }
0x3e: {  	s18 =	rddreg [dreg:$0x5];
	[sflag:s17] =	ssyncadd.s32 @!p0 $0xFFFFD800  }
0x3f: {  	[spmem:s18] =	stream.linear.scatter @!p0 [tilespmem:s16], [sflag:$0x2], $0x2800, $0x38;
	[tilespmem:$0x18980] =	vst v63  }
0x40: {  	_ =	swait.ge @!p0 [sflag:s17], $0x2800  }
0x41: {  	[sflag:s17] =	ssyncset.done @!p0 $0x0  }
0x42: {  	[sflag:s17] =	ssyncadd.s32 @!p0 $0xFFFFD800  }
0x43: {  	s19 =	sadd.s32 $0x0, s26;
	[bflag:$0x0] =	sbarrier.arrive $0xFFFF  }
0x44: {  	[tilespmem:s3], [sflag:$0x2] =	stream.linear.gather [hbm4b:s19+s3], $0x50, $0x38;
	[tilespmem:$0x18980] =	vst v63  }
0x45: {  	_ =	swait.ge [sflag:s29], $0x50  }
0x46: {  	[sflag:s29] =	ssyncset.done $0x0  }
0x47: {  	s20 =	sadd.s32 $0x0, s25;
	[sflag:s29] =	ssyncadd.s32 $0xFFFFFFB0  }
0x48: {  	[tilespmem:s30], [sflag:$0x2] =	stream.linear.gather [hbm4b:s20+s3], $0x50, $0x38;
	[tilespmem:$0x18980] =	vst v63  }
0x49: {  	_ =	swait.ge [sflag:s29], $0x50  }
0x4a: {  	[sflag:s29] =	ssyncset.done $0x0  }
0x4b: {  	[sflag:s29] =	ssyncadd.s32 $0xFFFFFFB0  }
0x4c: {  	[tilespmem:s1], [sflag:$0x1] =	stream.indirect.gather [hbm4b:s4+s31], $0x80, s3, s31, $0xb8;
	[tilespmem:$0x18980] =	vst v63  }
0x4d: {  	_ =	swait.ge [sflag:s0], $0x2800  }
0x4e: {  	[sflag:s0] =	ssyncset.done $0x0  }
0x4f: {  	[sflag:s0] =	ssyncadd.s32 $0xFFFFD800  }
0x50: {  	[spmem:s2] =	stream.indirect.scatter.add.f32 [tilespmem:s1], [sflag:$0x2], $0x80, s30, s31, $0xb8;
	[tilespmem:$0x18980] =	vst v63  }
0x51: {  	_ =	swait.ge [sflag:s29], $0x2800  }
0x52: {  	s16 =	simm.s32 $0xA;
	s17 =	simm.s32 $0x14;
	[sflag:s29] =	ssyncset.done $0x0  }
.LBB2_2:
0x53: {  	s18 =	sadd.s32 s16, s26  }
0x54: {  	[sflag:s29] =	ssyncadd.s32 $0xFFFFD800;
	s19 =	smov.u32 s17;
	s20 =	sadd.s32 $0xA, s17  }
0x55: {  	[tilespmem:s3], [sflag:$0x2] =	stream.linear.gather [hbm4b:s18+s3], $0x50, $0x38;
	[tilespmem:$0x18980] =	vst v63  }
0x56: {  	p1 =	sne.s32 s17, $0x4D8;
	_ =	swait.ge [sflag:s29], $0x50  }
0x57: {  	[sflag:s29] =	ssyncset.done $0x0  }
0x58: {  	s17 =	sadd.s32 s16, s25;
	s16 =	smov.u32 s19;
	[sflag:s29] =	ssyncadd.s32 $0xFFFFFFB0  }
0x59: {  	[tilespmem:s30], [sflag:$0x2] =	stream.linear.gather [hbm4b:s17+s3], $0x50, $0x38;
	[tilespmem:$0x18980] =	vst v63  }
0x5a: {  	_ =	swait.ge [sflag:s29], $0x50  }
0x5b: {  	[sflag:s29] =	ssyncset.done $0x0  }
0x5c: {  	[sflag:s29] =	ssyncadd.s32 $0xFFFFFFB0  }
0x5d: {  	[tilespmem:s1], [sflag:$0x1] =	stream.indirect.gather [hbm4b:s4+s31], $0x80, s3, s31, $0xb8;
	[tilespmem:$0x18980] =	vst v63  }
0x5e: {  	_ =	swait.ge [sflag:s0], $0x2800  }
.Ltmp0:
0x5f: {  	[sflag:s0] =	ssyncset.done $0x0;
	(pc) =	sbr.rel @p1 .LBB2_2-.Ltmp0, $4  }
0x60: {  	[sflag:s0] =	ssyncadd.s32 $0xFFFFD800  }
0x61: {  	[spmem:s2] =	stream.indirect.scatter.add.f32 [tilespmem:s1], [sflag:$0x2], $0x80, s30, s31, $0xb8;
	[tilespmem:$0x18980] =	vst v63  }
0x62: {  	_ =	swait.ge [sflag:s29], $0x2800  }
0x63: {  	s17 =	smov.u32 s20;
	[sflag:s29] =	ssyncset.done $0x0  }
0x64: {  	s17 =	sadd.s32 s16, s26;
	[sflag:s29] =	ssyncadd.s32 $0xFFFFD800  }
0x65: {  	[tilespmem:s3], [sflag:$0x2] =	stream.linear.gather [hbm4b:s17+s3], $0x50, $0x38;
	[tilespmem:$0x18980] =	vst v63  }
0x66: {  	_ =	swait.ge [sflag:s29], $0x50  }
0x67: {  	[sflag:s29] =	ssyncset.done $0x0  }
0x68: {  	s17 =	sadd.s32 s16, s25;
	[sflag:s29] =	ssyncadd.s32 $0xFFFFFFB0  }
0x69: {  	[tilespmem:s30], [sflag:$0x2] =	stream.linear.gather [hbm4b:s17+s3], $0x50, $0x38;
	[tilespmem:$0x18980] =	vst v63  }
0x6a: {  	_ =	swait.ge [sflag:s29], $0x50  }
0x6b: {  	[sflag:s29] =	ssyncset.done $0x0  }
0x6c: {  	[sflag:s29] =	ssyncadd.s32 $0xFFFFFFB0  }
0x6d: {  	[tilespmem:s1], [sflag:$0x1] =	stream.indirect.gather [hbm4b:s4+s31], $0x80, s3, s31, $0xb8;
	[tilespmem:$0x18980] =	vst v63  }
0x6e: {  	_ =	swait.ge [sflag:s0], $0x2800  }
0x6f: {  	[sflag:s0] =	ssyncset.done $0x0  }
0x70: {  	[sflag:s0] =	ssyncadd.s32 $0xFFFFD800  }
0x71: {  	[spmem:s2] =	stream.indirect.scatter.add.f32 [tilespmem:s1], [sflag:$0x2], $0x80, s30, s31, $0xb8;
	[tilespmem:$0x18980] =	vst v63  }
0x72: {  	_ =	swait.ge [sflag:s29], $0x2800  }
0x73: {  	[sflag:s29] =	ssyncset.done $0x0  }
0x74: {  	[sflag:s29] =	ssyncadd.s32 $0xFFFFD800  }
0x75: {  	[bflag:$0x0] =	sbarrier.arrive $0xFFFF  }
0x76: {  	[tilespmem:s28], [sflag:$0x2] =	stream.linear.gather [spmem:s7], $0x2800, $0x38;
	[tilespmem:$0x18980] =	vst v63  }
0x77: {  	_ =	swait.ge [sflag:s29], $0x2800  }
0x78: {  	[sflag:s29] =	ssyncset.done $0x0  }
0x79: {  	s18 =	rddreg [dreg:$0x6];
	[sflag:s29] =	ssyncadd.s32 $0xFFFFD800  }
0x7a: {  	[hbm4b:s18+s3] =	stream.linear.scatter [tilespmem:s28], [sflag:$0x2], $0x2800, $0x38;
	[tilespmem:$0x18980] =	vst v63  }
0x7b: {  	_ =	swait.ge [sflag:s29], $0x2800  }
0x7c: {  	[sflag:s29] =	ssyncset.done $0x0  }
0x7d: {  	[sflag:s29] =	ssyncadd.s32 $0xFFFFD800  }
0x7e: {  	[tilespmem:s28], [sflag:$0x2] =	stream.linear.gather [spmem:s8], $0x2800, $0x38;
	[tilespmem:$0x18980] =	vst v63  }
0x7f: {  	_ =	swait.ge [sflag:s29], $0x2800  }
0x80: {  	[sflag:s29] =	ssyncset.done $0x0  }
0x81: {  	s19 =	rddreg [dreg:$0x7];
	[sflag:s29] =	ssyncadd.s32 $0xFFFFD800  }
0x82: {  	[hbm4b:s19+s3] =	stream.linear.scatter [tilespmem:s28], [sflag:$0x2], $0x2800, $0x38;
	[tilespmem:$0x18980] =	vst v63  }
0x83: {  	_ =	swait.ge [sflag:s29], $0x2800  }
0x84: {  	[sflag:s29] =	ssyncset.done $0x0  }
0x85: {  	[sflag:s29] =	ssyncadd.s32 $0xFFFFD800  }
0x86: {  	[tilespmem:s28], [sflag:$0x2] =	stream.linear.gather [spmem:s9], $0x2800, $0x38;
	[tilespmem:$0x18980] =	vst v63  }
0x87: {  	_ =	swait.ge [sflag:s29], $0x2800  }
0x88: {  	[sflag:s29] =	ssyncset.done $0x0  }
0x89: {  	s20 =	rddreg [dreg:$0x8];
	[sflag:s29] =	ssyncadd.s32 $0xFFFFD800  }
0x8a: {  	[hbm4b:s20+s3] =	stream.linear.scatter [tilespmem:s28], [sflag:$0x2], $0x2800, $0x38;
	[tilespmem:$0x18980] =	vst v63  }
0x8b: {  	_ =	swait.ge [sflag:s29], $0x2800  }
0x8c: {  	[sflag:s29] =	ssyncset.done $0x0  }
0x8d: {  	[sflag:s29] =	ssyncadd.s32 $0xFFFFD800  }
0x8e: {  	[tilespmem:s28], [sflag:$0x2] =	stream.linear.gather [spmem:s10], $0x2800, $0x38;
	[tilespmem:$0x18980] =	vst v63  }
0x8f: {  	_ =	swait.ge [sflag:s29], $0x2800  }
0x90: {  	[sflag:s29] =	ssyncset.done $0x0  }
0x91: {  	[sflag:s29] =	ssyncadd.s32 $0xFFFFD800  }
0x92: {  	[hbm4b:s21+s3] =	stream.linear.scatter [tilespmem:s28], [sflag:$0x2], $0x2800, $0x38;
	[tilespmem:$0x18980] =	vst v63  }
0x93: {  	_ =	swait.ge [sflag:s29], $0x2800  }
0x94: {  	[sflag:s29] =	ssyncset.done $0x0  }
0x95: {  	[sflag:s29] =	ssyncadd.s32 $0xFFFFD800  }
0x96: {  	[tilespmem:s28], [sflag:$0x2] =	stream.linear.gather [spmem:s11], $0x2800, $0x38;
	[tilespmem:$0x18980] =	vst v63  }
0x97: {  	_ =	swait.ge [sflag:s29], $0x2800  }
0x98: {  	[sflag:s29] =	ssyncset.done $0x0  }
0x99: {  	[sflag:s29] =	ssyncadd.s32 $0xFFFFD800  }
0x9a: {  	[hbm4b:s22+s3] =	stream.linear.scatter [tilespmem:s28], [sflag:$0x2], $0x2800, $0x38;
	[tilespmem:$0x18980] =	vst v63  }
0x9b: {  	_ =	swait.ge [sflag:s29], $0x2800  }
0x9c: {  	[sflag:s29] =	ssyncset.done $0x0  }
0x9d: {  	s16 =	simm.s32 @!p0 $0x2900;
	s17 =	simm.s32 @!p0 $0x2;
	[sflag:s29] =	ssyncadd.s32 $0xFFFFD800  }
0x9e: {  	[tilespmem:s16], [sflag:$0x2] =	stream.linear.gather @!p0 [spmem:s15], $0x2800, $0x38;
	[tilespmem:$0x18980] =	vst v63  }
0x9f: {  	_ =	swait.ge @!p0 [sflag:s17], $0x2800  }
0xa0: {  	[sflag:s17] =	ssyncset.done @!p0 $0x0  }
0xa1: {  	s18 =	simm.s32 @!p0 $0x0;
	[sflag:s17] =	ssyncadd.s32 @!p0 $0xFFFFD800  }
0xa2: {  	[hbm4b:s23+s18] =	stream.linear.scatter @!p0 [tilespmem:s16], [sflag:$0x2], $0x2800, $0x38;
	[tilespmem:$0x18980] =	vst v63  }
0xa3: {  	_ =	swait.ge @!p0 [sflag:s17], $0x2800  }
0xa4: {  	s19 =	sshll.u32 @!p0 s12, $0x7;
	[sflag:s17] =	ssyncset.done @!p0 $0x0  }
0xa5: {  	s19 =	sadd.s32 @!p0 s19, s2;
	[sflag:s17] =	ssyncadd.s32 @!p0 $0xFFFFD800  }
0xa6: {  	[tilespmem:s16], [sflag:$0x2] =	stream.linear.gather @!p0 [spmem:s19], $0x2800, $0x38;
	[tilespmem:$0x18980] =	vst v63  }
0xa7: {  	s19 =	sadd.s32 @!p0 s14, s12;
	_ =	swait.ge @!p0 [sflag:s17], $0x2800  }
0xa8: {  	s19 =	sshll.u32 @!p0 s19, $0x4;
	[sflag:s17] =	ssyncset.done @!p0 $0x0  }
0xa9: {  	s19 =	sadd.s32 @!p0 s6, s19;
	[sflag:s17] =	ssyncadd.s32 @!p0 $0xFFFFD800  }
0xaa: {  	[hbm4b:s19+s18] =	stream.linear.scatter @!p0 [tilespmem:s16], [sflag:$0x2], $0x2800, $0x38;
	[tilespmem:$0x18980] =	vst v63  }
0xab: {  	_ =	swait.ge @!p0 [sflag:s17], $0x2800  }
0xac: {  	s19 =	sshll.u32 @!p0 s13, $0x7;
	[sflag:s17] =	ssyncset.done @!p0 $0x0  }
0xad: {  	s19 =	sadd.s32 @!p0 s19, s2;
	[sflag:s17] =	ssyncadd.s32 @!p0 $0xFFFFD800  }
0xae: {  	[tilespmem:s16], [sflag:$0x2] =	stream.linear.gather @!p0 [spmem:s19], $0x2800, $0x38;
	[tilespmem:$0x18980] =	vst v63  }
0xaf: {  	s5 =	sadd.s32 $0x1, s5;
	s19 =	sadd.s32 @!p0 s14, s13;
	_ =	swait.ge @!p0 [sflag:s17], $0x2800  }
0xb0: {  	p1 =	sne.s32 s5, s24;
	s19 =	sshll.u32 @!p0 s19, $0x4;
	[sflag:s17] =	ssyncset.done @!p0 $0x0  }
.Ltmp1:
0xb1: {  	s19 =	sadd.s32 @!p0 s6, s19;
	[sflag:s17] =	ssyncadd.s32 @!p0 $0xFFFFD800;
	(pc) =	sbr.rel @p1 .LBB2_1-.Ltmp1, $4  }
0xb2: {  	[hbm4b:s19+s18] =	stream.linear.scatter @!p0 [tilespmem:s16], [sflag:$0x2], $0x2800, $0x38;
	[tilespmem:$0x18980] =	vst v63  }
0xb3: {  	_ =	swait.ge @!p0 [sflag:s17], $0x2800  }
0xb4: {  	[sflag:s17] =	ssyncset.done @!p0 $0x0  }
0xb5: {  	[sflag:s17] =	ssyncadd.s32 @!p0 $0xFFFFD800  }
0xb6: {  	_ =	sfence.sel $0x180000  }
0xb7: {  	[bflag:$0x0] =	sbarrier.arrive $0xFFFF  }
0xb8: {  	_ =	strace $0x90000047  }
0xb9: {  	s0 =	stileid.u32;
	[bflag:$0x2] =	sbarrier.arrive $0xFFFF  }
0xba: {  	p0 =	sne.s32 s0, $0x0;
	s0 =	rddreg [dreg:$0x2]  }
0xbb: {  	s0 =	sadd.s32 @!p0 $0x100000, s0  }
0xbc: {  	[sflag:s0] =	ssyncadd.tile.s32 @!p0 $0x1;
	_ =	shalt  }
.Lfunc_end2:
_tile_overlayer_lowered:
.L_overlay_start_2:
0xbd: {  	(tag) =	ssettag $0x2  }
0xbe: {  	s0 =	rddreg [dreg:$0x0];
	s2 =	stileid.u32  }
0xbf: {  	s1 =	rddreg [dreg:$0x1];
	p0 =	sne.s32 s2, $0x0  }
0xc0: {  	s3 =	rddreg [dreg:$0x2];
	[bflag:$0x3] =	sbarrier.arrive $0xFFFF;
	s2 =	simm.s32 @!p0 $0x1C02  }
0xc1: {  	[timem:s3], [sflag:s2] =	dma.local @!p0 [hbm:s0], s1  }
0xc2: {  	s0 =	simm.s32 @!p0 $0x2  }
0xc3: {  	_ =	swait.ge @!p0 [sflag:s0], s1  }
0xc4: {  	s1 =	ssub.s32 @!p0 $0x0, s1;
	[sflag:s0] =	ssyncset.done @!p0 $0x0  }
0xc5: {  	[sflag:s0] =	ssyncadd.s32 @!p0 s1  }
0xc6: {  	[bflag:$0x3] =	sbarrier.arrive $0xFFFF  }
0xc7: {  	_ =	shalt  }

// kernel: kernel.14.cloned.1.call-start
scs
__scs_entry_jumppad:
0x0: {  	(pc) =	sbr.rel $0x88, $3  }
0x1: {  	(tag) =	ssettag $0x0;
	lr =	simm.s32 $0x1  }
0x2: {  	[smem:$0x3F92] =	sst lr;
	_ =	strace $0xD0000000  }
0x3: {  	_ = 	snop  }
0x4: {  	_ = 	snop  }
0x5: {  	_ = 	snop  }
0x6: {  	_ = 	snop  }
0x7: {  	_ = 	snop  }
__scs_overlays_trampoline_lowered:
0x8: {  	[smem:$0x3FA1] =	sst s0  }
0x9: {  	[smem:$0x3FA2] =	sst s1  }
0xa: {  	[smem:$0x3FA3] =	sst s2  }
0xb: {  	[smem:$0x3FA4] =	sst s3  }
0xc: {  	[smem:$0x3FA5] =	sst s4  }
0xd: {  	[smem:$0x3FA6] =	sst s5  }
0xe: {  	[smem:$0x3FA7] =	sst s6  }
0xf: {  	[smem:$0x3FA8] =	sst s7  }
0x10: {  	[smem:$0x3FA9] =	sst s8  }
0x11: {  	[smem:$0x3FAA] =	sst s9;
	s0 =	simm.s32 @!p0 $0x0  }
0x12: {  	s1 =	sld [smem:$0x3F90];
	s0 =	simm.s32 @p0 $0x1  }
0x13: {  	[smem:$0x3FAB] =	sst s0;
	s0 =	simm.s32 @!p1 $0x0  }
0x14: {  	s2 =	sld [smem:$0x3F8F];
	s0 =	simm.s32 @p1 $0x1  }
0x15: {  	[smem:$0x3FAC] =	sst s0;
	s0 =	simm.s32 @!p2 $0x0  }
0x16: {  	s3 =	sld [smem:$0x3FDB];
	s0 =	simm.s32 @p2 $0x1  }
0x17: {  	s4 =	simm.s32 $0x1BF5;
	[smem:$0x3FAE] =	sst s0  }
0x18: {  	s0 =	sld [smem:$0x3F91];
	_ =	swait.ge [sflag:s4], $0x0  }
0x19: {  	s7 =	sld [smem:$0x3F92]  }
0x1a: {  	s8 =	sadd.s32 $0xFFFFE003, lr  }
0x1b: {  	s9 =	sadd.s32 $0xFFFFFEF7, lr;
	s5 =	simm.s32 $0xFFFFFFFF;
	p2 =	slt.u32 s8, $0xFFFFF086  }
0x1c: {  	p1 =	slt.u32 s9, $0xF7A;
	s5 =	simm.s32 @!p2 $0x0  }
0x1d: {  	s5 =	simm.s32 @p1 $0x1;
	p0 =	seq.s32 s7, s2  }
0x1e: {  	s7 =	smul.u32 @!p0 $0xF7A, s2;
	p2 =	seq.s32 @!p0 s5, $0x0  }
0x1f: {  	s9 =	smul.u32 $0xF7A, s1;
	s8 =	simm.s32 @!p0 $0x1BF5;
	p2 =	por !p2, p0  }
0x20: {  	[sflag:s8] =	ssyncset.s32 @!p0 $0xFFFFF086;
	s6 =	sadd.s32 @!p0 s3, s7;
	s7 =	simm.s32 @!p0 $0x108  }
0x21: {  	s3 =	sadd.s32 s3, s9;
	s6 =	sadd.s32 @!p0 $0x88, s6;
	s7 =	simm.s32 @p2 $0x1082  }
0x22: {  	[simem:s7], [sflag:s8] =	dma.local @!p0 [hbm:s6], $0xF7A  }
0x23: {  	s9 =	sor.u32 $0xD0000000, s2;
	s6 =	simm.s32 $0x108;
	_ =	swait.ge @!p0 [sflag:s8], $0x0  }
0x24: {  	s3 =	sadd.s32 $0x88, s3;
	s6 =	simm.s32 @!p1 $0x1082;
	[sflag:s4] =	ssyncset.s32 $0xFFFFF086  }
0x25: {  	[simem:s6], [sflag:s4] =	dma.local [hbm:s3], $0xF7A  }
0x26: {  	[smem:$0x3F92] =	sst s1;
	(tag) =	ssettag s2;
	_ =	strace s9  }
0x27: {  	s1 =	sld [smem:$0x3FA2]  }
0x28: {  	s2 =	sld [smem:$0x3FA3]  }
0x29: {  	s4 =	sld [smem:$0x3FA5]  }
0x2a: {  	p0 =	seq.s32 s5, $0x0;
	s5 =	sld [smem:$0x3FA6]  }
0x2b: {  	s6 =	sld [smem:$0x3FA7]  }
0x2c: {  	s7 =	sld [smem:$0x3FA8]  }
0x2d: {  	s3 =	simm.s32 $0x108;
	s8 =	sld [smem:$0x3FA9]  }
0x2e: {  	s3 =	simm.s32 @!p0 $0x1082;
	s9 =	sld [smem:$0x3FAA]  }
0x2f: {  	lr =	sadd.s32 s0, s3;
	s0 =	sld [smem:$0x3FA1]  }
0x30: {  	s3 =	sld [smem:$0x3FA4]  }
0x31: {  	[smem:$0x3FAD] =	sst s10  }
0x32: {  	s10 =	sld [smem:$0x3FAB];
	_ =	sdelay $0x3  }
0x33: {  	p0 =	seq.s32 s10, $0x1;
	s10 =	sld [smem:$0x3FAD];
	_ =	sdelay $0x3  }
0x34: {  	[smem:$0x3FAD] =	sst s10  }
0x35: {  	s10 =	sld [smem:$0x3FAC];
	_ =	sdelay $0x3  }
0x36: {  	p1 =	seq.s32 s10, $0x1;
	s10 =	sld [smem:$0x3FAD];
	_ =	sdelay $0x3  }
0x37: {  	[smem:$0x3FAD] =	sst s10  }
0x38: {  	s10 =	sld [smem:$0x3FAE]  }
0x39: {  	_ = 	snop;
	(pc) =	sbr.ind lr, $3  }
0x3a: {  	_ = 	snop  }
0x3b: {  	_ = 	snop  }
0x3c: {  	p2 =	seq.s32 s10, $0x1;
	s10 =	sld [smem:$0x3FAD]  }
0x3d: {  	_ =	shalt  }
0x3e: {  	_ =	shalt  }
0x3f: {  	_ =	shalt  }
0x40: {  	_ =	shalt  }
0x41: {  	_ =	shalt  }
0x42: {  	_ =	shalt  }
0x43: {  	_ =	shalt  }
0x44: {  	_ =	shalt  }
0x45: {  	_ =	shalt  }
0x46: {  	_ =	shalt  }
0x47: {  	_ =	shalt  }
0x48: {  	_ =	shalt  }
0x49: {  	_ =	shalt  }
0x4a: {  	_ =	shalt  }
0x4b: {  	_ =	shalt  }
0x4c: {  	_ =	shalt  }
0x4d: {  	_ =	shalt  }
0x4e: {  	_ =	shalt  }
0x4f: {  	_ =	shalt  }
0x50: {  	_ =	shalt  }
0x51: {  	_ =	shalt  }
0x52: {  	_ =	shalt  }
0x53: {  	_ =	shalt  }
0x54: {  	_ =	shalt  }
0x55: {  	_ =	shalt  }
0x56: {  	_ =	shalt  }
0x57: {  	_ =	shalt  }
0x58: {  	_ =	shalt  }
0x59: {  	_ =	shalt  }
0x5a: {  	_ =	shalt  }
0x5b: {  	_ =	shalt  }
0x5c: {  	_ =	shalt  }
0x5d: {  	_ =	shalt  }
0x5e: {  	_ =	shalt  }
0x5f: {  	_ =	shalt  }
0x60: {  	_ =	shalt  }
0x61: {  	_ =	shalt  }
0x62: {  	_ =	shalt  }
0x63: {  	_ =	shalt  }
0x64: {  	_ =	shalt  }
0x65: {  	_ =	shalt  }
0x66: {  	_ =	shalt  }
0x67: {  	_ =	shalt  }
0x68: {  	_ =	shalt  }
0x69: {  	_ =	shalt  }
0x6a: {  	_ =	shalt  }
0x6b: {  	_ =	shalt  }
0x6c: {  	_ =	shalt  }
0x6d: {  	_ =	shalt  }
0x6e: {  	_ =	shalt  }
0x6f: {  	_ =	shalt  }
0x70: {  	_ =	shalt  }
0x71: {  	_ =	shalt  }
0x72: {  	_ =	shalt  }
0x73: {  	_ =	shalt  }
0x74: {  	_ =	shalt  }
0x75: {  	_ =	shalt  }
0x76: {  	_ =	shalt  }
0x77: {  	_ =	shalt  }
0x78: {  	_ =	shalt  }
0x79: {  	_ =	shalt  }
0x7a: {  	_ =	shalt  }
0x7b: {  	_ =	shalt  }
0x7c: {  	_ =	shalt  }
0x7d: {  	_ =	shalt  }
0x7e: {  	_ =	shalt  }
0x7f: {  	_ =	shalt  }
0x80: {  	_ =	shalt  }
0x81: {  	_ =	shalt  }
0x82: {  	_ =	shalt  }
0x83: {  	_ =	shalt  }
0x84: {  	_ =	shalt  }
0x85: {  	_ =	shalt  }
0x86: {  	_ =	shalt  }
0x87: {  	_ =	shalt  }
.Lfunc_end0:
.L_simem_size_0:
called_computation.1_lowered:
.L_overlay_start_0:
0x88: {  	s2 =	sld [smem:$0x3FD9]  }
0x89: {  	s3 =	sld [smem:$0x3FFE];
	_ =	sdelay $0x1  }
0x8a: {  	s1 =	srdreg.scid  }
0x8b: {  	s0 =	sand.u32 $0x1, s1  }
0x8c: {  	s16 =	sshll.u32 s0, $0xA;
	s2 =	sadd.s32 s3, s2  }
0x8d: {  	s2 =	sadd.s32 s2, s16  }
0x8e: {  	[smem:$0x3FB9] =	sst s2  }
0x8f: {  	_ = 	snop  }
0x90: {  	(tm) =	ssettm $0x1  }
0x91: {  	s17 =	sld [smem:$0x3FFB];
	_ =	sdelay $0x3  }
0x92: {  	_ =	strace s17  }
0x93: {  	s2 =	sld [smem:$0x3FFC];
	_ =	sdelay $0x3  }
0x94: {  	_ =	strace s2  }
0x95: {  	s2 =	sld [smem:$0x3FFD];
	_ =	sdelay $0x3  }
0x96: {  	_ =	strace s2  }
0x97: {  	_ =	strace $0x8FFFFFFF  }
0x98: {  	s18 =	sld [smem:$0x3FDB];
	_ =	sdelay $0x1  }
0x99: {  	s19 =	simm.s32 $_scs_section_size  }
0x9a: {  	s4 =	simm.s32 $_size__tile_overlayer_lowered;
	s5 =	simm.s32 $_tile_overlayer_lowered  }
0x9b: {  	s22 =	simm.s32 $0x1BFF;
	s21 =	sshll.u32 s5, $0x1;
	s2 =	sadd.s32 s19, s18  }
0x9c: {  	s6 =	simm.s32 $0x0;
	s20 =	sshll.u32 s4, $0x1;
	s4 =	sadd.s32 s21, s2  }
0x9d: {  	[timem:s6], [sflag:s22] =	dma.local [hbm:s4], s20  }
0x9e: {  	_ =	swait.ge [sflag:s22], s20  }
0x9f: {  	s3 =	ssub.s32 $0x0, s20;
	[sflag:s22] =	ssyncset.done $0x0  }
0xa0: {  	[sflag:s22] =	ssyncadd.s32 s3;
	_ =	sdelay $0x1  }
0xa1: {  	s23 =	simm.s32 $0x1B8B  }
0xa2: {  	_ =	swait.ge [sflag:s23], $0x1  }
0xa3: {  	[sflag:s23] =	ssyncset.done $0x0  }
0xa4: {  	s25 =	simm.s32 $0x1B8E;
	s24 =	sld [smem:$0x3FFE];
	[sflag:s23] =	ssyncadd.s32 $0xFFFFFFFF  }
0xa5: {  	s26 =	simm.s32 $execute0_lowered;
	[smem:$0x3FD2] =	sst s25  }
0xa6: {  	s4 =	sshll.u32 s26, $0x1;
	_ =	strace $0x80000049;
	[dreg:$0x1] =	wrdreg $0xFFFFFFFF  }
0xa7: {  	s28 =	simm.s32 $_size_execute0_lowered;
	s2 =	sadd.s32 s2, s4;
	[dreg:$0x0] =	wrdreg $0x0  }
0xa8: {  	s4 =	sshll.u32 s28, $0x1;
	[dreg:$0x2] =	wrdreg s2  }
0xa9: {  	[dreg:$0x3] =	wrdreg s4  }
0xaa: {  	[dreg:$0x4] =	wrdreg $0xC0  }
0xab: {  	_ =	task [dreg:s6], $0x5FFFF  }
0xac: {  	[dreg:$0x1] =	wrdreg $0xFFFFFFFF  }
0xad: {  	[dreg:$0x0] =	wrdreg $0x60  }
0xae: {  	[dreg:$0x2] =	wrdreg s24  }
0xaf: {  	[dreg:$0x3] =	wrdreg $0x51000  }
0xb0: {  	[dreg:$0x4] =	wrdreg $0x9  }
0xb1: {  	_ =	task.clear_ibuf [dreg:s6], $0x5FFFF;
	_ =	strace $0x90000049  }
0xb2: {  	s29 =	simm.s32 $0x9;
	_ =	strace $0x8000004B  }
0xb3: {  	_ =	swait.ge [sflag:s29], $0x1  }
0xb4: {  	[sflag:s29] =	ssyncadd.s32 $0xFFFFFFFF  }
0xb5: {  	_ =	strace $0x9000004B  }
0xb6: {  	_ =	sfence  }
0xb7: {  	s30 =	sld [smem:$0x0];
	_ =	sdelay $0x2  }
0xb8: {  	s31 =	sshll.u32 s1, $0xD;
	s1 =	sshrl.u32 s1, $0x2  }
0xb9: {  	s3 =	sand.u32 $0x4000, s31;
	s1 =	sadd.s32 s1, s30  }
0xba: {  	s0 =	sor.u32 s3, s0;
	s1 =	sshll.u32 s1, $0x11  }
0xbb: {  	s0 =	sor.u32 s1, s0  }
0xbc: {  	s0 =	sadd.s32 $0x8F2B, s0  }
0xbd: {  	[sflag:s0] =	ssyncadd.remote.s32 $0x1  }
0xbe: {  	_ =	sfence.sel $0xFFFF  }
0xbf: {  	[dreg:$0x0] =	wrdreg $0xFFFFFFFF;
	(pc) =	sbr.abs _section_cstart, $3  }
0xc0: {  	[dreg:$0x1] =	wrdreg $0xFFFFFFFF  }
0xc1: {  	_ =	task.clear_ibuf [dreg:s6], $0x2FFFF;
	_ =	strace $0x9FFFFFFF  }
0xc2: {  	(tm) =	ssettm $0x7FFFFFFF  }
0xc3: {  	_ =	shalt  }
tec
execute0_lowered:
.L_overlay_start_1:
0x0: {  	(tag) =	ssettag $0x1  }
0x1: {  	s0 =	srdreg.scid  }
0x2: {  	s28 =	stileid.u32;
	s5 =	rddreg [dreg:$0x0]  }
0x3: {  	s2 =	rddreg [dreg:$0x1];
	s3 =	simm.s32 $0x0;
	s1 =	smul.u32 $0x2710, s28  }
0x4: {  	s29 =	simm.s32 $0x2;
	s30 =	simm.s32 $0x80;
	s6 =	smul.u32 $0x4E2, s28  }
0x5: {  	s31 =	simm.s32 $0x50;
	s0 =	sand.u32 $0x1, s0;
	s17 =	smul.u32 $0x280, s28  }
0x6: {  	[smem:$0x7FF] =	sst s3;
	s22 =	sadd.s32 $0x283000, s5;
	s9 =	smul.u32 $0x50000, s28  }
0x7: {  	p0 =	seq.s32 s28, $0xF;
	s28 =	simm.s32 $0x2900;
	s4 =	smul.u32 $0x27100, s0  }
0x8: {  	_ =	strace $0x8000004A;
	s7 =	ssub.s32 $0x2, s0;
	[dreg:$0x3] =	wrdreg s22  }
0x9: {  	s14 =	smul.u32 $0x2710, s0;
	s16 =	sadd.s32 s6, s5;
	s8 =	sshrl.u32 s7, $0x1  }
0xa: {  	s6 =	sadd.s32 $0x60200, s5;
	s18 =	sor.u32 $0x50, s17;
	s23 =	sshrl.u32 s9, $0x2  }
0xb: {  	s19 =	sadd.s32 $0xA0, s17;
	s21 =	sadd.s32 $0xF0, s17;
	s22 =	sadd.s32 $0x140, s17  }
0xc: {  	s12 =	sadd.s32 $0x1E0, s17;
	s13 =	sadd.s32 $0x230, s17;
	s1 =	sadd.s32 s1, s4  }
0xd: {  	s4 =	sadd.s32 $0x283600, s5;
	s24 =	sshll.u32 s18, $0x7;
	s25 =	sshll.u32 s19, $0x7  }
0xe: {  	s10 =	sshll.u32 s21, $0x7;
	s11 =	sshll.u32 s22, $0x7;
	s26 =	sshll.u32 s12, $0x7  }
0xf: {  	s20 =	sshll.u32 s13, $0x7;
	s19 =	sadd.s32 s14, s19;
	s21 =	sadd.s32 s14, s21  }
0x10: {  	s22 =	sadd.s32 s14, s22;
	s13 =	simm.s32 @p0 $0x27B0;
	s12 =	simm.s32 @p0 $0x2760  }
0x11: {  	s1 =	sshrl.u32 s1, $0x3;
	s9 =	sadd.s32 s25, s2;
	s10 =	sadd.s32 s10, s2  }
0x12: {  	s11 =	sadd.s32 s11, s2;
	s0 =	sadd.s32 s26, s2;
	s25 =	sadd.s32 s17, s14  }
0x13: {  	s26 =	sadd.s32 s14, s18;
	s19 =	sshll.u32 s19, $0x4;
	s1 =	sadd.s32 s1, s5  }
0x14: {  	s5 =	ssub.s32 s7, s8;
	s7 =	sadd.s32 s23, s2;
	s8 =	sadd.s32 s24, s2  }
0x15: {  	s23 =	sadd.s32 $0x190, s17;
	[dreg:$0x4] =	wrdreg s0;
	s24 =	sadd.s32 s20, s2  }
0x16: {  	s0 =	sshll.u32 s25, $0x4;
	s18 =	sshll.u32 s26, $0x4;
	s20 =	sadd.s32 s6, s19  }
0x17: {  	s25 =	sshll.u32 s22, $0x4;
	s15 =	sshll.u32 s23, $0x7;
	[dreg:$0x5] =	wrdreg s24  }
0x18: {  	s0 =	sadd.s32 s6, s0;
	[dreg:$0x8] =	wrdreg s20;
	s24 =	sadd.s32 s14, s23  }
0x19: {  	s22 =	sadd.s32 s6, s25;
	s25 =	sadd.s32 $0x3200, s16;
	s15 =	sadd.s32 s15, s2  }
0x1a: {  	[dreg:$0x6] =	wrdreg s0;
	s0 =	sadd.s32 s6, s18;
	s26 =	sshll.u32 s24, $0x4  }
0x1b: {  	s24 =	smax.u32 s5, $0x1;
	s5 =	simm.s32 $0x0;
	[dreg:$0x7] =	wrdreg s0  }
0x1c: {  	s0 =	sshll.u32 s21, $0x4;
	s23 =	sadd.s32 s6, s26;
	s26 =	sadd.s32 $0x8200, s1  }
0x1d: {  	s1 =	simm.s32 $0x100;
	s21 =	sadd.s32 s6, s0;
	s0 =	simm.s32 $0x1  }
.LBB2_1:
0x1e: {  	s16 =	rddreg [dreg:$0x3]  }
0x1f: {  	[tilespmem:s28], [sflag:$0x2] =	stream.linear.gather [hbm4b:s16+s3], $0x2800, $0x38;
	[tilespmem:$0x18980] =	vst v63  }
0x20: {  	_ =	swait.ge [sflag:s29], $0x2800  }
0x21: {  	[sflag:s29] =	ssyncset.done $0x0  }
0x22: {  	[sflag:s29] =	ssyncadd.s32 $0xFFFFD800  }
0x23: {  	[spmem:s7] =	stream.linear.scatter [tilespmem:s28], [sflag:$0x2], $0x2800, $0x38;
	[tilespmem:$0x18980] =	vst v63  }
0x24: {  	_ =	swait.ge [sflag:s29], $0x2800  }
0x25: {  	[sflag:s29] =	ssyncset.done $0x0  }
0x26: {  	[sflag:s29] =	ssyncadd.s32 $0xFFFFD800  }
0x27: {  	[spmem:s8] =	stream.linear.scatter [tilespmem:s28], [sflag:$0x2], $0x2800, $0x38;
	[tilespmem:$0x18980] =	vst v63  }
0x28: {  	_ =	swait.ge [sflag:s29], $0x2800  }
0x29: {  	[sflag:s29] =	ssyncset.done $0x0  }
0x2a: {  	[sflag:s29] =	ssyncadd.s32 $0xFFFFD800  }
0x2b: {  	[spmem:s9] =	stream.linear.scatter [tilespmem:s28], [sflag:$0x2], $0x2800, $0x38;
	[tilespmem:$0x18980] =	vst v63  }
0x2c: {  	_ =	swait.ge [sflag:s29], $0x2800  }
0x2d: {  	[sflag:s29] =	ssyncset.done $0x0  }
0x2e: {  	[sflag:s29] =	ssyncadd.s32 $0xFFFFD800  }
0x2f: {  	[spmem:s10] =	stream.linear.scatter [tilespmem:s28], [sflag:$0x2], $0x2800, $0x38;
	[tilespmem:$0x18980] =	vst v63  }
0x30: {  	_ =	swait.ge [sflag:s29], $0x2800  }
0x31: {  	[sflag:s29] =	ssyncset.done $0x0  }
0x32: {  	[sflag:s29] =	ssyncadd.s32 $0xFFFFD800  }
0x33: {  	[spmem:s11] =	stream.linear.scatter [tilespmem:s28], [sflag:$0x2], $0x2800, $0x38;
	[tilespmem:$0x18980] =	vst v63  }
0x34: {  	_ =	swait.ge [sflag:s29], $0x2800  }
0x35: {  	[sflag:s29] =	ssyncset.done $0x0  }
0x36: {  	s17 =	simm.s32 @!p0 $0x2;
	s16 =	simm.s32 @!p0 $0x2900;
	[sflag:s29] =	ssyncadd.s32 $0xFFFFD800  }
0x37: {  	[spmem:s15] =	stream.linear.scatter @!p0 [tilespmem:s16], [sflag:$0x2], $0x2800, $0x38;
	[tilespmem:$0x18980] =	vst v63  }
0x38: {  	_ =	swait.ge @!p0 [sflag:s17], $0x2800  }
0x39: {  	[sflag:s17] =	ssyncset.done @!p0 $0x0  }
0x3a: {  	s18 =	rddreg [dreg:$0x4];
	[sflag:s17] =	ssyncadd.s32 @!p0 $0xFFFFD800  }
0x3b: {  	[spmem:s18] =	stream.linear.scatter @!p0 [tilespmem:s16], [sflag:$0x2], $0x2800, $0x38;
	[tilespmem:$0x18980] =	vst v63  }
0x3c: {  	_ =	swait.ge @!p0 [sflag:s17], $0x2800  }
0x3d: {  	[sflag:s17] =	ssyncset.done @!p0 $0x0  }
0x3e: {  	s18 =	rddreg [dreg:$0x5];
	[sflag:s17] =	ssyncadd.s32 @!p0 $0xFFFFD800  }
0x3f: {  	[spmem:s18] =	stream.linear.scatter @!p0 [tilespmem:s16], [sflag:$0x2], $0x2800, $0x38;
	[tilespmem:$0x18980] =	vst v63  }
0x40: {  	_ =	swait.ge @!p0 [sflag:s17], $0x2800  }
0x41: {  	[sflag:s17] =	ssyncset.done @!p0 $0x0  }
0x42: {  	[sflag:s17] =	ssyncadd.s32 @!p0 $0xFFFFD800  }
0x43: {  	s19 =	sadd.s32 $0x0, s26;
	[bflag:$0x0] =	sbarrier.arrive $0xFFFF  }
0x44: {  	[tilespmem:s3], [sflag:$0x2] =	stream.linear.gather [hbm4b:s19+s3], $0x50, $0x38;
	[tilespmem:$0x18980] =	vst v63  }
0x45: {  	_ =	swait.ge [sflag:s29], $0x50  }
0x46: {  	[sflag:s29] =	ssyncset.done $0x0  }
0x47: {  	s20 =	sadd.s32 $0x0, s25;
	[sflag:s29] =	ssyncadd.s32 $0xFFFFFFB0  }
0x48: {  	[tilespmem:s30], [sflag:$0x2] =	stream.linear.gather [hbm4b:s20+s3], $0x50, $0x38;
	[tilespmem:$0x18980] =	vst v63  }
0x49: {  	_ =	swait.ge [sflag:s29], $0x50  }
0x4a: {  	[sflag:s29] =	ssyncset.done $0x0  }
0x4b: {  	[sflag:s29] =	ssyncadd.s32 $0xFFFFFFB0  }
0x4c: {  	[tilespmem:s1], [sflag:$0x1] =	stream.indirect.gather [hbm4b:s4+s31], $0x80, s3, s31, $0xb8;
	[tilespmem:$0x18980] =	vst v63  }
0x4d: {  	_ =	swait.ge [sflag:s0], $0x2800  }
0x4e: {  	[sflag:s0] =	ssyncset.done $0x0  }
0x4f: {  	[sflag:s0] =	ssyncadd.s32 $0xFFFFD800  }
0x50: {  	[spmem:s2] =	stream.indirect.scatter.add.f32 [tilespmem:s1], [sflag:$0x2], $0x80, s30, s31, $0xb8;
	[tilespmem:$0x18980] =	vst v63  }
0x51: {  	_ =	swait.ge [sflag:s29], $0x2800  }
0x52: {  	s16 =	simm.s32 $0xA;
	s17 =	simm.s32 $0x14;
	[sflag:s29] =	ssyncset.done $0x0  }
.LBB2_2:
0x53: {  	s18 =	sadd.s32 s16, s26  }
0x54: {  	[sflag:s29] =	ssyncadd.s32 $0xFFFFD800;
	s19 =	smov.u32 s17;
	s20 =	sadd.s32 $0xA, s17  }
0x55: {  	[tilespmem:s3], [sflag:$0x2] =	stream.linear.gather [hbm4b:s18+s3], $0x50, $0x38;
	[tilespmem:$0x18980] =	vst v63  }
0x56: {  	p1 =	sne.s32 s17, $0x4D8;
	_ =	swait.ge [sflag:s29], $0x50  }
0x57: {  	[sflag:s29] =	ssyncset.done $0x0  }
0x58: {  	s17 =	sadd.s32 s16, s25;
	s16 =	smov.u32 s19;
	[sflag:s29] =	ssyncadd.s32 $0xFFFFFFB0  }
0x59: {  	[tilespmem:s30], [sflag:$0x2] =	stream.linear.gather [hbm4b:s17+s3], $0x50, $0x38;
	[tilespmem:$0x18980] =	vst v63  }
0x5a: {  	_ =	swait.ge [sflag:s29], $0x50  }
0x5b: {  	[sflag:s29] =	ssyncset.done $0x0  }
0x5c: {  	[sflag:s29] =	ssyncadd.s32 $0xFFFFFFB0  }
0x5d: {  	[tilespmem:s1], [sflag:$0x1] =	stream.indirect.gather [hbm4b:s4+s31], $0x80, s3, s31, $0xb8;
	[tilespmem:$0x18980] =	vst v63  }
0x5e: {  	_ =	swait.ge [sflag:s0], $0x2800  }
.Ltmp0:
0x5f: {  	[sflag:s0] =	ssyncset.done $0x0;
	(pc) =	sbr.rel @p1 .LBB2_2-.Ltmp0, $4  }
0x60: {  	[sflag:s0] =	ssyncadd.s32 $0xFFFFD800  }
0x61: {  	[spmem:s2] =	stream.indirect.scatter.add.f32 [tilespmem:s1], [sflag:$0x2], $0x80, s30, s31, $0xb8;
	[tilespmem:$0x18980] =	vst v63  }
0x62: {  	_ =	swait.ge [sflag:s29], $0x2800  }
0x63: {  	s17 =	smov.u32 s20;
	[sflag:s29] =	ssyncset.done $0x0  }
0x64: {  	s17 =	sadd.s32 s16, s26;
	[sflag:s29] =	ssyncadd.s32 $0xFFFFD800  }
0x65: {  	[tilespmem:s3], [sflag:$0x2] =	stream.linear.gather [hbm4b:s17+s3], $0x50, $0x38;
	[tilespmem:$0x18980] =	vst v63  }
0x66: {  	_ =	swait.ge [sflag:s29], $0x50  }
0x67: {  	[sflag:s29] =	ssyncset.done $0x0  }
0x68: {  	s17 =	sadd.s32 s16, s25;
	[sflag:s29] =	ssyncadd.s32 $0xFFFFFFB0  }
0x69: {  	[tilespmem:s30], [sflag:$0x2] =	stream.linear.gather [hbm4b:s17+s3], $0x50, $0x38;
	[tilespmem:$0x18980] =	vst v63  }
0x6a: {  	_ =	swait.ge [sflag:s29], $0x50  }
0x6b: {  	[sflag:s29] =	ssyncset.done $0x0  }
0x6c: {  	[sflag:s29] =	ssyncadd.s32 $0xFFFFFFB0  }
0x6d: {  	[tilespmem:s1], [sflag:$0x1] =	stream.indirect.gather [hbm4b:s4+s31], $0x80, s3, s31, $0xb8;
	[tilespmem:$0x18980] =	vst v63  }
0x6e: {  	_ =	swait.ge [sflag:s0], $0x2800  }
0x6f: {  	[sflag:s0] =	ssyncset.done $0x0  }
0x70: {  	[sflag:s0] =	ssyncadd.s32 $0xFFFFD800  }
0x71: {  	[spmem:s2] =	stream.indirect.scatter.add.f32 [tilespmem:s1], [sflag:$0x2], $0x80, s30, s31, $0xb8;
	[tilespmem:$0x18980] =	vst v63  }
0x72: {  	_ =	swait.ge [sflag:s29], $0x2800  }
0x73: {  	[sflag:s29] =	ssyncset.done $0x0  }
0x74: {  	[sflag:s29] =	ssyncadd.s32 $0xFFFFD800  }
0x75: {  	[bflag:$0x0] =	sbarrier.arrive $0xFFFF  }
0x76: {  	[tilespmem:s28], [sflag:$0x2] =	stream.linear.gather [spmem:s7], $0x2800, $0x38;
	[tilespmem:$0x18980] =	vst v63  }
0x77: {  	_ =	swait.ge [sflag:s29], $0x2800  }
0x78: {  	[sflag:s29] =	ssyncset.done $0x0  }
0x79: {  	s18 =	rddreg [dreg:$0x6];
	[sflag:s29] =	ssyncadd.s32 $0xFFFFD800  }
0x7a: {  	[hbm4b:s18+s3] =	stream.linear.scatter [tilespmem:s28], [sflag:$0x2], $0x2800, $0x38;
	[tilespmem:$0x18980] =	vst v63  }
0x7b: {  	_ =	swait.ge [sflag:s29], $0x2800  }
0x7c: {  	[sflag:s29] =	ssyncset.done $0x0  }
0x7d: {  	[sflag:s29] =	ssyncadd.s32 $0xFFFFD800  }
0x7e: {  	[tilespmem:s28], [sflag:$0x2] =	stream.linear.gather [spmem:s8], $0x2800, $0x38;
	[tilespmem:$0x18980] =	vst v63  }
0x7f: {  	_ =	swait.ge [sflag:s29], $0x2800  }
0x80: {  	[sflag:s29] =	ssyncset.done $0x0  }
0x81: {  	s19 =	rddreg [dreg:$0x7];
	[sflag:s29] =	ssyncadd.s32 $0xFFFFD800  }
0x82: {  	[hbm4b:s19+s3] =	stream.linear.scatter [tilespmem:s28], [sflag:$0x2], $0x2800, $0x38;
	[tilespmem:$0x18980] =	vst v63  }
0x83: {  	_ =	swait.ge [sflag:s29], $0x2800  }
0x84: {  	[sflag:s29] =	ssyncset.done $0x0  }
0x85: {  	[sflag:s29] =	ssyncadd.s32 $0xFFFFD800  }
0x86: {  	[tilespmem:s28], [sflag:$0x2] =	stream.linear.gather [spmem:s9], $0x2800, $0x38;
	[tilespmem:$0x18980] =	vst v63  }
0x87: {  	_ =	swait.ge [sflag:s29], $0x2800  }
0x88: {  	[sflag:s29] =	ssyncset.done $0x0  }
0x89: {  	s20 =	rddreg [dreg:$0x8];
	[sflag:s29] =	ssyncadd.s32 $0xFFFFD800  }
0x8a: {  	[hbm4b:s20+s3] =	stream.linear.scatter [tilespmem:s28], [sflag:$0x2], $0x2800, $0x38;
	[tilespmem:$0x18980] =	vst v63  }
0x8b: {  	_ =	swait.ge [sflag:s29], $0x2800  }
0x8c: {  	[sflag:s29] =	ssyncset.done $0x0  }
0x8d: {  	[sflag:s29] =	ssyncadd.s32 $0xFFFFD800  }
0x8e: {  	[tilespmem:s28], [sflag:$0x2] =	stream.linear.gather [spmem:s10], $0x2800, $0x38;
	[tilespmem:$0x18980] =	vst v63  }
0x8f: {  	_ =	swait.ge [sflag:s29], $0x2800  }
0x90: {  	[sflag:s29] =	ssyncset.done $0x0  }
0x91: {  	[sflag:s29] =	ssyncadd.s32 $0xFFFFD800  }
0x92: {  	[hbm4b:s21+s3] =	stream.linear.scatter [tilespmem:s28], [sflag:$0x2], $0x2800, $0x38;
	[tilespmem:$0x18980] =	vst v63  }
0x93: {  	_ =	swait.ge [sflag:s29], $0x2800  }
0x94: {  	[sflag:s29] =	ssyncset.done $0x0  }
0x95: {  	[sflag:s29] =	ssyncadd.s32 $0xFFFFD800  }
0x96: {  	[tilespmem:s28], [sflag:$0x2] =	stream.linear.gather [spmem:s11], $0x2800, $0x38;
	[tilespmem:$0x18980] =	vst v63  }
0x97: {  	_ =	swait.ge [sflag:s29], $0x2800  }
0x98: {  	[sflag:s29] =	ssyncset.done $0x0  }
0x99: {  	[sflag:s29] =	ssyncadd.s32 $0xFFFFD800  }
0x9a: {  	[hbm4b:s22+s3] =	stream.linear.scatter [tilespmem:s28], [sflag:$0x2], $0x2800, $0x38;
	[tilespmem:$0x18980] =	vst v63  }
0x9b: {  	_ =	swait.ge [sflag:s29], $0x2800  }
0x9c: {  	[sflag:s29] =	ssyncset.done $0x0  }
0x9d: {  	s16 =	simm.s32 @!p0 $0x2900;
	s17 =	simm.s32 @!p0 $0x2;
	[sflag:s29] =	ssyncadd.s32 $0xFFFFD800  }
0x9e: {  	[tilespmem:s16], [sflag:$0x2] =	stream.linear.gather @!p0 [spmem:s15], $0x2800, $0x38;
	[tilespmem:$0x18980] =	vst v63  }
0x9f: {  	_ =	swait.ge @!p0 [sflag:s17], $0x2800  }
0xa0: {  	[sflag:s17] =	ssyncset.done @!p0 $0x0  }
0xa1: {  	s18 =	simm.s32 @!p0 $0x0;
	[sflag:s17] =	ssyncadd.s32 @!p0 $0xFFFFD800  }
0xa2: {  	[hbm4b:s23+s18] =	stream.linear.scatter @!p0 [tilespmem:s16], [sflag:$0x2], $0x2800, $0x38;
	[tilespmem:$0x18980] =	vst v63  }
0xa3: {  	_ =	swait.ge @!p0 [sflag:s17], $0x2800  }
0xa4: {  	s19 =	sshll.u32 @!p0 s12, $0x7;
	[sflag:s17] =	ssyncset.done @!p0 $0x0  }
0xa5: {  	s19 =	sadd.s32 @!p0 s19, s2;
	[sflag:s17] =	ssyncadd.s32 @!p0 $0xFFFFD800  }
0xa6: {  	[tilespmem:s16], [sflag:$0x2] =	stream.linear.gather @!p0 [spmem:s19], $0x2800, $0x38;
	[tilespmem:$0x18980] =	vst v63  }
0xa7: {  	s19 =	sadd.s32 @!p0 s14, s12;
	_ =	swait.ge @!p0 [sflag:s17], $0x2800  }
0xa8: {  	s19 =	sshll.u32 @!p0 s19, $0x4;
	[sflag:s17] =	ssyncset.done @!p0 $0x0  }
0xa9: {  	s19 =	sadd.s32 @!p0 s6, s19;
	[sflag:s17] =	ssyncadd.s32 @!p0 $0xFFFFD800  }
0xaa: {  	[hbm4b:s19+s18] =	stream.linear.scatter @!p0 [tilespmem:s16], [sflag:$0x2], $0x2800, $0x38;
	[tilespmem:$0x18980] =	vst v63  }
0xab: {  	_ =	swait.ge @!p0 [sflag:s17], $0x2800  }
0xac: {  	s19 =	sshll.u32 @!p0 s13, $0x7;
	[sflag:s17] =	ssyncset.done @!p0 $0x0  }
0xad: {  	s19 =	sadd.s32 @!p0 s19, s2;
	[sflag:s17] =	ssyncadd.s32 @!p0 $0xFFFFD800  }
0xae: {  	[tilespmem:s16], [sflag:$0x2] =	stream.linear.gather @!p0 [spmem:s19], $0x2800, $0x38;
	[tilespmem:$0x18980] =	vst v63  }
0xaf: {  	s5 =	sadd.s32 $0x1, s5;
	s19 =	sadd.s32 @!p0 s14, s13;
	_ =	swait.ge @!p0 [sflag:s17], $0x2800  }
0xb0: {  	p1 =	sne.s32 s5, s24;
	s19 =	sshll.u32 @!p0 s19, $0x4;
	[sflag:s17] =	ssyncset.done @!p0 $0x0  }
.Ltmp1:
0xb1: {  	s19 =	sadd.s32 @!p0 s6, s19;
	[sflag:s17] =	ssyncadd.s32 @!p0 $0xFFFFD800;
	(pc) =	sbr.rel @p1 .LBB2_1-.Ltmp1, $4  }
0xb2: {  	[hbm4b:s19+s18] =	stream.linear.scatter @!p0 [tilespmem:s16], [sflag:$0x2], $0x2800, $0x38;
	[tilespmem:$0x18980] =	vst v63  }
0xb3: {  	_ =	swait.ge @!p0 [sflag:s17], $0x2800  }
0xb4: {  	[sflag:s17] =	ssyncset.done @!p0 $0x0  }
0xb5: {  	[sflag:s17] =	ssyncadd.s32 @!p0 $0xFFFFD800  }
0xb6: {  	_ =	sfence.sel $0x180000  }
0xb7: {  	[bflag:$0x0] =	sbarrier.arrive $0xFFFF  }
0xb8: {  	_ =	strace $0x9000004A  }
0xb9: {  	s0 =	stileid.u32;
	[bflag:$0x2] =	sbarrier.arrive $0xFFFF  }
0xba: {  	p0 =	sne.s32 s0, $0x0;
	s0 =	rddreg [dreg:$0x2]  }
0xbb: {  	s0 =	sadd.s32 @!p0 $0x100000, s0  }
0xbc: {  	[sflag:s0] =	ssyncadd.tile.s32 @!p0 $0x1;
	_ =	shalt  }
.Lfunc_end2:
_tile_overlayer_lowered:
.L_overlay_start_2:
0xbd: {  	(tag) =	ssettag $0x2  }
0xbe: {  	s0 =	rddreg [dreg:$0x0];
	s2 =	stileid.u32  }
0xbf: {  	s1 =	rddreg [dreg:$0x1];
	p0 =	sne.s32 s2, $0x0  }
0xc0: {  	s3 =	rddreg [dreg:$0x2];
	[bflag:$0x3] =	sbarrier.arrive $0xFFFF;
	s2 =	simm.s32 @!p0 $0x1C02  }
0xc1: {  	[timem:s3], [sflag:s2] =	dma.local @!p0 [hbm:s0], s1  }
0xc2: {  	s0 =	simm.s32 @!p0 $0x2  }
0xc3: {  	_ =	swait.ge @!p0 [sflag:s0], s1  }
0xc4: {  	s1 =	ssub.s32 @!p0 $0x0, s1;
	[sflag:s0] =	ssyncset.done @!p0 $0x0  }
0xc5: {  	[sflag:s0] =	ssyncadd.s32 @!p0 s1  }
0xc6: {  	[bflag:$0x3] =	sbarrier.arrive $0xFFFF  }
0xc7: {  	_ =	shalt  }

// kernel: kernel.17.cloned.1.call-start
scs
__scs_entry_jumppad:
0x0: {  	(pc) =	sbr.rel $0x88, $3  }
0x1: {  	(tag) =	ssettag $0x0;
	lr =	simm.s32 $0x1  }
0x2: {  	[smem:$0x3F92] =	sst lr;
	_ =	strace $0xD0000000  }
0x3: {  	_ = 	snop  }
0x4: {  	_ = 	snop  }
0x5: {  	_ = 	snop  }
0x6: {  	_ = 	snop  }
0x7: {  	_ = 	snop  }
__scs_overlays_trampoline_lowered:
0x8: {  	[smem:$0x3FA1] =	sst s0  }
0x9: {  	[smem:$0x3FA2] =	sst s1  }
0xa: {  	[smem:$0x3FA3] =	sst s2  }
0xb: {  	[smem:$0x3FA4] =	sst s3  }
0xc: {  	[smem:$0x3FA5] =	sst s4  }
0xd: {  	[smem:$0x3FA6] =	sst s5  }
0xe: {  	[smem:$0x3FA7] =	sst s6  }
0xf: {  	[smem:$0x3FA8] =	sst s7  }
0x10: {  	[smem:$0x3FA9] =	sst s8  }
0x11: {  	[smem:$0x3FAA] =	sst s9;
	s0 =	simm.s32 @!p0 $0x0  }
0x12: {  	s1 =	sld [smem:$0x3F90];
	s0 =	simm.s32 @p0 $0x1  }
0x13: {  	[smem:$0x3FAB] =	sst s0;
	s0 =	simm.s32 @!p1 $0x0  }
0x14: {  	s2 =	sld [smem:$0x3F8F];
	s0 =	simm.s32 @p1 $0x1  }
0x15: {  	[smem:$0x3FAC] =	sst s0;
	s0 =	simm.s32 @!p2 $0x0  }
0x16: {  	s3 =	sld [smem:$0x3FDB];
	s0 =	simm.s32 @p2 $0x1  }
0x17: {  	s4 =	simm.s32 $0x1BF5;
	[smem:$0x3FAE] =	sst s0  }
0x18: {  	s0 =	sld [smem:$0x3F91];
	_ =	swait.ge [sflag:s4], $0x0  }
0x19: {  	s7 =	sld [smem:$0x3F92]  }
0x1a: {  	s8 =	sadd.s32 $0xFFFFE003, lr  }
0x1b: {  	s9 =	sadd.s32 $0xFFFFFEF7, lr;
	s5 =	simm.s32 $0xFFFFFFFF;
	p2 =	slt.u32 s8, $0xFFFFF086  }
0x1c: {  	p1 =	slt.u32 s9, $0xF7A;
	s5 =	simm.s32 @!p2 $0x0  }
0x1d: {  	s5 =	simm.s32 @p1 $0x1;
	p0 =	seq.s32 s7, s2  }
0x1e: {  	s7 =	smul.u32 @!p0 $0xF7A, s2;
	p2 =	seq.s32 @!p0 s5, $0x0  }
0x1f: {  	s9 =	smul.u32 $0xF7A, s1;
	s8 =	simm.s32 @!p0 $0x1BF5;
	p2 =	por !p2, p0  }
0x20: {  	[sflag:s8] =	ssyncset.s32 @!p0 $0xFFFFF086;
	s6 =	sadd.s32 @!p0 s3, s7;
	s7 =	simm.s32 @!p0 $0x108  }
0x21: {  	s3 =	sadd.s32 s3, s9;
	s6 =	sadd.s32 @!p0 $0x88, s6;
	s7 =	simm.s32 @p2 $0x1082  }
0x22: {  	[simem:s7], [sflag:s8] =	dma.local @!p0 [hbm:s6], $0xF7A  }
0x23: {  	s9 =	sor.u32 $0xD0000000, s2;
	s6 =	simm.s32 $0x108;
	_ =	swait.ge @!p0 [sflag:s8], $0x0  }
0x24: {  	s3 =	sadd.s32 $0x88, s3;
	s6 =	simm.s32 @!p1 $0x1082;
	[sflag:s4] =	ssyncset.s32 $0xFFFFF086  }
0x25: {  	[simem:s6], [sflag:s4] =	dma.local [hbm:s3], $0xF7A  }
0x26: {  	[smem:$0x3F92] =	sst s1;
	(tag) =	ssettag s2;
	_ =	strace s9  }
0x27: {  	s1 =	sld [smem:$0x3FA2]  }
0x28: {  	s2 =	sld [smem:$0x3FA3]  }
0x29: {  	s4 =	sld [smem:$0x3FA5]  }
0x2a: {  	p0 =	seq.s32 s5, $0x0;
	s5 =	sld [smem:$0x3FA6]  }
0x2b: {  	s6 =	sld [smem:$0x3FA7]  }
0x2c: {  	s7 =	sld [smem:$0x3FA8]  }
0x2d: {  	s3 =	simm.s32 $0x108;
	s8 =	sld [smem:$0x3FA9]  }
0x2e: {  	s3 =	simm.s32 @!p0 $0x1082;
	s9 =	sld [smem:$0x3FAA]  }
0x2f: {  	lr =	sadd.s32 s0, s3;
	s0 =	sld [smem:$0x3FA1]  }
0x30: {  	s3 =	sld [smem:$0x3FA4]  }
0x31: {  	[smem:$0x3FAD] =	sst s10  }
0x32: {  	s10 =	sld [smem:$0x3FAB];
	_ =	sdelay $0x3  }
0x33: {  	p0 =	seq.s32 s10, $0x1;
	s10 =	sld [smem:$0x3FAD];
	_ =	sdelay $0x3  }
0x34: {  	[smem:$0x3FAD] =	sst s10  }
0x35: {  	s10 =	sld [smem:$0x3FAC];
	_ =	sdelay $0x3  }
0x36: {  	p1 =	seq.s32 s10, $0x1;
	s10 =	sld [smem:$0x3FAD];
	_ =	sdelay $0x3  }
0x37: {  	[smem:$0x3FAD] =	sst s10  }
0x38: {  	s10 =	sld [smem:$0x3FAE]  }
0x39: {  	_ = 	snop;
	(pc) =	sbr.ind lr, $3  }
0x3a: {  	_ = 	snop  }
0x3b: {  	_ = 	snop  }
0x3c: {  	p2 =	seq.s32 s10, $0x1;
	s10 =	sld [smem:$0x3FAD]  }
0x3d: {  	_ =	shalt  }
0x3e: {  	_ =	shalt  }
0x3f: {  	_ =	shalt  }
0x40: {  	_ =	shalt  }
0x41: {  	_ =	shalt  }
0x42: {  	_ =	shalt  }
0x43: {  	_ =	shalt  }
0x44: {  	_ =	shalt  }
0x45: {  	_ =	shalt  }
0x46: {  	_ =	shalt  }
0x47: {  	_ =	shalt  }
0x48: {  	_ =	shalt  }
0x49: {  	_ =	shalt  }
0x4a: {  	_ =	shalt  }
0x4b: {  	_ =	shalt  }
0x4c: {  	_ =	shalt  }
0x4d: {  	_ =	shalt  }
0x4e: {  	_ =	shalt  }
0x4f: {  	_ =	shalt  }
0x50: {  	_ =	shalt  }
0x51: {  	_ =	shalt  }
0x52: {  	_ =	shalt  }
0x53: {  	_ =	shalt  }
0x54: {  	_ =	shalt  }
0x55: {  	_ =	shalt  }
0x56: {  	_ =	shalt  }
0x57: {  	_ =	shalt  }
0x58: {  	_ =	shalt  }
0x59: {  	_ =	shalt  }
0x5a: {  	_ =	shalt  }
0x5b: {  	_ =	shalt  }
0x5c: {  	_ =	shalt  }
0x5d: {  	_ =	shalt  }
0x5e: {  	_ =	shalt  }
0x5f: {  	_ =	shalt  }
0x60: {  	_ =	shalt  }
0x61: {  	_ =	shalt  }
0x62: {  	_ =	shalt  }
0x63: {  	_ =	shalt  }
0x64: {  	_ =	shalt  }
0x65: {  	_ =	shalt  }
0x66: {  	_ =	shalt  }
0x67: {  	_ =	shalt  }
0x68: {  	_ =	shalt  }
0x69: {  	_ =	shalt  }
0x6a: {  	_ =	shalt  }
0x6b: {  	_ =	shalt  }
0x6c: {  	_ =	shalt  }
0x6d: {  	_ =	shalt  }
0x6e: {  	_ =	shalt  }
0x6f: {  	_ =	shalt  }
0x70: {  	_ =	shalt  }
0x71: {  	_ =	shalt  }
0x72: {  	_ =	shalt  }
0x73: {  	_ =	shalt  }
0x74: {  	_ =	shalt  }
0x75: {  	_ =	shalt  }
0x76: {  	_ =	shalt  }
0x77: {  	_ =	shalt  }
0x78: {  	_ =	shalt  }
0x79: {  	_ =	shalt  }
0x7a: {  	_ =	shalt  }
0x7b: {  	_ =	shalt  }
0x7c: {  	_ =	shalt  }
0x7d: {  	_ =	shalt  }
0x7e: {  	_ =	shalt  }
0x7f: {  	_ =	shalt  }
0x80: {  	_ =	shalt  }
0x81: {  	_ =	shalt  }
0x82: {  	_ =	shalt  }
0x83: {  	_ =	shalt  }
0x84: {  	_ =	shalt  }
0x85: {  	_ =	shalt  }
0x86: {  	_ =	shalt  }
0x87: {  	_ =	shalt  }
.Lfunc_end0:
.L_simem_size_0:
called_computation.2_lowered:
.L_overlay_start_0:
0x88: {  	s2 =	sld [smem:$0x3FD9]  }
0x89: {  	s3 =	sld [smem:$0x3FFE];
	_ =	sdelay $0x1  }
0x8a: {  	s1 =	srdreg.scid  }
0x8b: {  	s0 =	sand.u32 $0x1, s1  }
0x8c: {  	s17 =	sshll.u32 s0, $0xA;
	s2 =	sadd.s32 s3, s2  }
0x8d: {  	s2 =	sadd.s32 s2, s17  }
0x8e: {  	[smem:$0x3FB9] =	sst s2  }
0x8f: {  	_ = 	snop  }
0x90: {  	s2 =	sld [smem:$0x3FD0];
	(tm) =	ssettm $0x1  }
0x91: {  	s18 =	sld [smem:$0x3FFB];
	_ =	sdelay $0x3  }
0x92: {  	_ =	strace s18  }
0x93: {  	s3 =	sld [smem:$0x3FFC];
	_ =	sdelay $0x3  }
0x94: {  	_ =	strace s3  }
0x95: {  	s3 =	sld [smem:$0x3FFD];
	_ =	sdelay $0x3  }
0x96: {  	_ =	strace s3  }
0x97: {  	_ =	strace $0x8FFFFFFF  }
0x98: {  	s19 =	sld [smem:$0x3FDB];
	_ =	sdelay $0x1  }
0x99: {  	s4 =	simm.s32 $_scs_section_size  }
0x9a: {  	s5 =	simm.s32 $_size__tile_overlayer_lowered;
	s6 =	simm.s32 $_tile_overlayer_lowered  }
0x9b: {  	s22 =	simm.s32 $0x1BFF;
	s21 =	sshll.u32 s6, $0x1;
	s3 =	sadd.s32 s4, s19  }
0x9c: {  	s7 =	simm.s32 $0x0;
	s20 =	sshll.u32 s5, $0x1;
	s5 =	sadd.s32 s21, s3  }
0x9d: {  	[timem:s7], [sflag:s22] =	dma.local [hbm:s5], s20  }
0x9e: {  	_ =	swait.ge [sflag:s22], s20  }
0x9f: {  	s4 =	ssub.s32 $0x0, s20;
	[sflag:s22] =	ssyncset.done $0x0  }
0xa0: {  	[sflag:s22] =	ssyncadd.s32 s4;
	_ =	sdelay $0x1  }
0xa1: {  	s23 =	simm.s32 $0x1B8B  }
0xa2: {  	_ =	swait.ge [sflag:s23], $0x1  }
0xa3: {  	[sflag:s23] =	ssyncset.done $0x0  }
0xa4: {  	s25 =	simm.s32 $0x1B8E;
	s24 =	sld [smem:$0x3FFE];
	[sflag:s23] =	ssyncadd.s32 $0xFFFFFFFF  }
0xa5: {  	s26 =	simm.s32 $execute0_lowered;
	[smem:$0x3FD2] =	sst s25  }
0xa6: {  	s5 =	sshll.u32 s26, $0x1;
	_ =	strace $0x8000004C;
	[dreg:$0x1] =	wrdreg $0xFFFFFFFF  }
0xa7: {  	s28 =	simm.s32 $_size_execute0_lowered;
	s3 =	sadd.s32 s3, s5;
	[dreg:$0x0] =	wrdreg $0x0  }
0xa8: {  	s5 =	sshll.u32 s28, $0x1;
	[dreg:$0x2] =	wrdreg s3  }
0xa9: {  	[dreg:$0x3] =	wrdreg s5  }
0xaa: {  	[dreg:$0x4] =	wrdreg $0xC0  }
0xab: {  	_ =	task [dreg:s7], $0x5FFFF  }
0xac: {  	[dreg:$0x1] =	wrdreg $0xFFFFFFFF  }
0xad: {  	[dreg:$0x0] =	wrdreg $0x60  }
0xae: {  	[dreg:$0x2] =	wrdreg s24  }
0xaf: {  	[dreg:$0x3] =	wrdreg s2  }
0xb0: {  	[dreg:$0x4] =	wrdreg $0x51000  }
0xb1: {  	[dreg:$0x5] =	wrdreg $0x9  }
0xb2: {  	_ =	task.clear_ibuf [dreg:s7], $0x6FFFF;
	_ =	strace $0x9000004C  }
0xb3: {  	s29 =	simm.s32 $0x9;
	_ =	strace $0x8000004E  }
0xb4: {  	_ =	swait.ge [sflag:s29], $0x1  }
0xb5: {  	[sflag:s29] =	ssyncadd.s32 $0xFFFFFFFF  }
0xb6: {  	_ =	strace $0x9000004E  }
0xb7: {  	_ =	sfence  }
0xb8: {  	s30 =	sld [smem:$0x0];
	_ =	sdelay $0x2  }
0xb9: {  	s31 =	sshll.u32 s1, $0xD;
	s1 =	sshrl.u32 s1, $0x2  }
0xba: {  	s3 =	sand.u32 $0x4000, s31;
	s1 =	sadd.s32 s1, s30  }
0xbb: {  	s0 =	sor.u32 s3, s0;
	s1 =	sshll.u32 s1, $0x11  }
0xbc: {  	s0 =	sor.u32 s1, s0  }
0xbd: {  	s0 =	sadd.s32 $0x8F2B, s0  }
0xbe: {  	[sflag:s0] =	ssyncadd.remote.s32 $0x1  }
0xbf: {  	_ =	sfence.sel $0xFFFF  }
0xc0: {  	[dreg:$0x0] =	wrdreg $0xFFFFFFFF;
	(pc) =	sbr.abs _section_cstart, $3  }
0xc1: {  	[dreg:$0x1] =	wrdreg $0xFFFFFFFF  }
0xc2: {  	_ =	task.clear_ibuf [dreg:s7], $0x2FFFF;
	_ =	strace $0x9FFFFFFF  }
0xc3: {  	(tm) =	ssettm $0x7FFFFFFF  }
tec
execute0_lowered:
.L_overlay_start_1:
0x0: {  	(tag) =	ssettag $0x1  }
0x1: {  	s0 =	rddreg [dreg:$0x0]  }
0x2: {  	s24 =	rddreg [dreg:$0x1];
	s1 =	srdreg.scid  }
0x3: {  	s28 =	stileid.u32;
	s3 =	rddreg [dreg:$0x2]  }
0x4: {  	s4 =	simm.s32 $0x0;
	s29 =	simm.s32 $0x2;
	s2 =	smul.u32 $0x2710, s28  }
0x5: {  	s30 =	simm.s32 $0x80;
	s31 =	simm.s32 $0x50;
	s6 =	smul.u32 $0x4E2, s28  }
0x6: {  	s1 =	sand.u32 $0x1, s1;
	[smem:$0x7FF] =	sst s4;
	s16 =	smul.u32 $0x280, s28  }
0x7: {  	s9 =	smul.u32 $0x50000, s28;
	p0 =	seq.s32 s28, $0xF;
	s28 =	simm.s32 $0x2900  }
0x8: {  	s5 =	smul.u32 $0x27100, s1;
	_ =	strace $0x8000004D;
	s7 =	ssub.s32 $0x2, s1  }
0x9: {  	s14 =	smul.u32 $0x2710, s1;
	s6 =	sadd.s32 s6, s0;
	s8 =	sshrl.u32 s7, $0x1  }
0xa: {  	s18 =	sor.u32 $0x50, s16;
	s21 =	sshrl.u32 s9, $0x2;
	s19 =	sadd.s32 $0xA0, s16  }
0xb: {  	s12 =	sadd.s32 $0x1E0, s16;
	s13 =	sadd.s32 $0x230, s16;
	s2 =	sadd.s32 s2, s5  }
0xc: {  	s5 =	sadd.s32 $0x283600, s0;
	s22 =	sshll.u32 s18, $0x7;
	s23 =	sshll.u32 s19, $0x7  }
0xd: {  	s25 =	sshll.u32 s12, $0x7;
	s17 =	sshll.u32 s13, $0x7;
	s19 =	sadd.s32 s14, s19  }
0xe: {  	s13 =	simm.s32 @p0 $0x27B0;
	s12 =	simm.s32 @p0 $0x2760;
	s2 =	sshrl.u32 s2, $0x3  }
0xf: {  	s9 =	sadd.s32 s23, s3;
	s23 =	sadd.s32 $0x190, s16;
	s1 =	sadd.s32 s25, s3  }
0x10: {  	s26 =	sadd.s32 s17, s3;
	s17 =	sadd.s32 s14, s18;
	s20 =	sshll.u32 s19, $0x4  }
0x11: {  	s2 =	sadd.s32 s2, s0;
	s0 =	sadd.s32 $0x283000, s0;
	[dreg:$0x5] =	wrdreg s1  }
0x12: {  	s15 =	sshll.u32 s23, $0x7;
	[dreg:$0x6] =	wrdreg s26;
	s18 =	sshll.u32 s17, $0x4  }
0x13: {  	s20 =	sadd.s32 s24, s20;
	s23 =	sadd.s32 s14, s23;
	[dreg:$0x4] =	wrdreg s0  }
0x14: {  	s0 =	ssub.s32 s7, s8;
	s7 =	sadd.s32 s21, s3;
	s8 =	sadd.s32 s22, s3  }
0x15: {  	s21 =	sadd.s32 $0xF0, s16;
	s22 =	sadd.s32 $0x140, s16;
	s15 =	sadd.s32 s15, s3  }
0x16: {  	s16 =	sadd.s32 s16, s14;
	s26 =	sshll.u32 s23, $0x4;
	s10 =	sshll.u32 s21, $0x7  }
0x17: {  	s11 =	sshll.u32 s22, $0x7;
	s1 =	sshll.u32 s16, $0x4;
	s21 =	sadd.s32 s14, s21  }
0x18: {  	s22 =	sadd.s32 s14, s22;
	s23 =	sadd.s32 s24, s26;
	s26 =	sadd.s32 $0x8200, s2  }
0x19: {  	s10 =	sadd.s32 s10, s3;
	s11 =	sadd.s32 s11, s3;
	s1 =	sadd.s32 s24, s1  }
0x1a: {  	s25 =	sshll.u32 s22, $0x4;
	[dreg:$0x7] =	wrdreg s1;
	s1 =	sadd.s32 s24, s18  }
0x1b: {  	s22 =	sadd.s32 s24, s25;
	[dreg:$0x8] =	wrdreg s1;
	s1 =	sshll.u32 s21, $0x4  }
0x1c: {  	s25 =	sadd.s32 $0x3200, s6;
	s6 =	simm.s32 $0x0;
	s21 =	sadd.s32 s24, s1  }
0x1d: {  	s24 =	smax.u32 s0, $0x1;
	s1 =	simm.s32 $0x100;
	s0 =	simm.s32 $0x1  }
.LBB2_1:
0x1e: {  	s2 =	rddreg [dreg:$0x4]  }
0x1f: {  	[tilespmem:s28], [sflag:$0x2] =	stream.linear.gather [hbm4b:s2+s4], $0x2800, $0x38;
	[tilespmem:$0x18980] =	vst v63  }
0x20: {  	_ =	swait.ge [sflag:s29], $0x2800  }
0x21: {  	[sflag:s29] =	ssyncset.done $0x0  }
0x22: {  	[sflag:s29] =	ssyncadd.s32 $0xFFFFD800  }
0x23: {  	[spmem:s7] =	stream.linear.scatter [tilespmem:s28], [sflag:$0x2], $0x2800, $0x38;
	[tilespmem:$0x18980] =	vst v63  }
0x24: {  	_ =	swait.ge [sflag:s29], $0x2800  }
0x25: {  	[sflag:s29] =	ssyncset.done $0x0  }
0x26: {  	[sflag:s29] =	ssyncadd.s32 $0xFFFFD800  }
0x27: {  	[spmem:s8] =	stream.linear.scatter [tilespmem:s28], [sflag:$0x2], $0x2800, $0x38;
	[tilespmem:$0x18980] =	vst v63  }
0x28: {  	_ =	swait.ge [sflag:s29], $0x2800  }
0x29: {  	[sflag:s29] =	ssyncset.done $0x0  }
0x2a: {  	[sflag:s29] =	ssyncadd.s32 $0xFFFFD800  }
0x2b: {  	[spmem:s9] =	stream.linear.scatter [tilespmem:s28], [sflag:$0x2], $0x2800, $0x38;
	[tilespmem:$0x18980] =	vst v63  }
0x2c: {  	_ =	swait.ge [sflag:s29], $0x2800  }
0x2d: {  	[sflag:s29] =	ssyncset.done $0x0  }
0x2e: {  	[sflag:s29] =	ssyncadd.s32 $0xFFFFD800  }
0x2f: {  	[spmem:s10] =	stream.linear.scatter [tilespmem:s28], [sflag:$0x2], $0x2800, $0x38;
	[tilespmem:$0x18980] =	vst v63  }
0x30: {  	_ =	swait.ge [sflag:s29], $0x2800  }
0x31: {  	[sflag:s29] =	ssyncset.done $0x0  }
0x32: {  	[sflag:s29] =	ssyncadd.s32 $0xFFFFD800  }
0x33: {  	[spmem:s11] =	stream.linear.scatter [tilespmem:s28], [sflag:$0x2], $0x2800, $0x38;
	[tilespmem:$0x18980] =	vst v63  }
0x34: {  	_ =	swait.ge [sflag:s29], $0x2800  }
0x35: {  	[sflag:s29] =	ssyncset.done $0x0  }
0x36: {  	s16 =	simm.s32 @!p0 $0x2;
	s2 =	simm.s32 @!p0 $0x2900;
	[sflag:s29] =	ssyncadd.s32 $0xFFFFD800  }
0x37: {  	[spmem:s15] =	stream.linear.scatter @!p0 [tilespmem:s2], [sflag:$0x2], $0x2800, $0x38;
	[tilespmem:$0x18980] =	vst v63  }
0x38: {  	_ =	swait.ge @!p0 [sflag:s16], $0x2800  }
0x39: {  	[sflag:s16] =	ssyncset.done @!p0 $0x0  }
0x3a: {  	s17 =	rddreg [dreg:$0x5];
	[sflag:s16] =	ssyncadd.s32 @!p0 $0xFFFFD800  }
0x3b: {  	[spmem:s17] =	stream.linear.scatter @!p0 [tilespmem:s2], [sflag:$0x2], $0x2800, $0x38;
	[tilespmem:$0x18980] =	vst v63  }
0x3c: {  	_ =	swait.ge @!p0 [sflag:s16], $0x2800  }
0x3d: {  	[sflag:s16] =	ssyncset.done @!p0 $0x0  }
0x3e: {  	s17 =	rddreg [dreg:$0x6];
	[sflag:s16] =	ssyncadd.s32 @!p0 $0xFFFFD800  }
0x3f: {  	[spmem:s17] =	stream.linear.scatter @!p0 [tilespmem:s2], [sflag:$0x2], $0x2800, $0x38;
	[tilespmem:$0x18980] =	vst v63  }
0x40: {  	_ =	swait.ge @!p0 [sflag:s16], $0x2800  }
0x41: {  	[sflag:s16] =	ssyncset.done @!p0 $0x0  }
0x42: {  	[sflag:s16] =	ssyncadd.s32 @!p0 $0xFFFFD800  }
0x43: {  	s18 =	sadd.s32 $0x0, s26;
	[bflag:$0x0] =	sbarrier.arrive $0xFFFF  }
0x44: {  	[tilespmem:s4], [sflag:$0x2] =	stream.linear.gather [hbm4b:s18+s4], $0x50, $0x38;
	[tilespmem:$0x18980] =	vst v63  }
0x45: {  	_ =	swait.ge [sflag:s29], $0x50  }
0x46: {  	[sflag:s29] =	ssyncset.done $0x0  }
0x47: {  	s19 =	sadd.s32 $0x0, s25;
	[sflag:s29] =	ssyncadd.s32 $0xFFFFFFB0  }
0x48: {  	[tilespmem:s30], [sflag:$0x2] =	stream.linear.gather [hbm4b:s19+s4], $0x50, $0x38;
	[tilespmem:$0x18980] =	vst v63  }
0x49: {  	_ =	swait.ge [sflag:s29], $0x50  }
0x4a: {  	[sflag:s29] =	ssyncset.done $0x0  }
0x4b: {  	[sflag:s29] =	ssyncadd.s32 $0xFFFFFFB0  }
0x4c: {  	[tilespmem:s1], [sflag:$0x1] =	stream.indirect.gather [hbm4b:s5+s31], $0x80, s4, s31, $0xb8;
	[tilespmem:$0x18980] =	vst v63  }
0x4d: {  	_ =	swait.ge [sflag:s0], $0x2800  }
0x4e: {  	[sflag:s0] =	ssyncset.done $0x0  }
0x4f: {  	[sflag:s0] =	ssyncadd.s32 $0xFFFFD800  }
0x50: {  	[spmem:s3] =	stream.indirect.scatter.add.f32 [tilespmem:s1], [sflag:$0x2], $0x80, s30, s31, $0xb8;
	[tilespmem:$0x18980] =	vst v63  }
0x51: {  	_ =	swait.ge [sflag:s29], $0x2800  }
0x52: {  	s2 =	simm.s32 $0xA;
	s16 =	simm.s32 $0x14;
	[sflag:s29] =	ssyncset.done $0x0  }
.LBB2_2:
0x53: {  	s17 =	sadd.s32 s2, s26  }
0x54: {  	[sflag:s29] =	ssyncadd.s32 $0xFFFFD800;
	s18 =	smov.u32 s16;
	s19 =	sadd.s32 $0xA, s16  }
0x55: {  	[tilespmem:s4], [sflag:$0x2] =	stream.linear.gather [hbm4b:s17+s4], $0x50, $0x38;
	[tilespmem:$0x18980] =	vst v63  }
0x56: {  	p1 =	sne.s32 s16, $0x4D8;
	_ =	swait.ge [sflag:s29], $0x50  }
0x57: {  	[sflag:s29] =	ssyncset.done $0x0  }
0x58: {  	s16 =	sadd.s32 s2, s25;
	s2 =	smov.u32 s18;
	[sflag:s29] =	ssyncadd.s32 $0xFFFFFFB0  }
0x59: {  	[tilespmem:s30], [sflag:$0x2] =	stream.linear.gather [hbm4b:s16+s4], $0x50, $0x38;
	[tilespmem:$0x18980] =	vst v63  }
0x5a: {  	_ =	swait.ge [sflag:s29], $0x50  }
0x5b: {  	[sflag:s29] =	ssyncset.done $0x0  }
0x5c: {  	[sflag:s29] =	ssyncadd.s32 $0xFFFFFFB0  }
0x5d: {  	[tilespmem:s1], [sflag:$0x1] =	stream.indirect.gather [hbm4b:s5+s31], $0x80, s4, s31, $0xb8;
	[tilespmem:$0x18980] =	vst v63  }
0x5e: {  	_ =	swait.ge [sflag:s0], $0x2800  }
.Ltmp0:
0x5f: {  	[sflag:s0] =	ssyncset.done $0x0;
	(pc) =	sbr.rel @p1 .LBB2_2-.Ltmp0, $4  }
0x60: {  	[sflag:s0] =	ssyncadd.s32 $0xFFFFD800  }
0x61: {  	[spmem:s3] =	stream.indirect.scatter.add.f32 [tilespmem:s1], [sflag:$0x2], $0x80, s30, s31, $0xb8;
	[tilespmem:$0x18980] =	vst v63  }
0x62: {  	_ =	swait.ge [sflag:s29], $0x2800  }
0x63: {  	s16 =	smov.u32 s19;
	[sflag:s29] =	ssyncset.done $0x0  }
0x64: {  	s16 =	sadd.s32 s2, s26;
	[sflag:s29] =	ssyncadd.s32 $0xFFFFD800  }
0x65: {  	[tilespmem:s4], [sflag:$0x2] =	stream.linear.gather [hbm4b:s16+s4], $0x50, $0x38;
	[tilespmem:$0x18980] =	vst v63  }
0x66: {  	_ =	swait.ge [sflag:s29], $0x50  }
0x67: {  	[sflag:s29] =	ssyncset.done $0x0  }
0x68: {  	s17 =	sadd.s32 s2, s25;
	[sflag:s29] =	ssyncadd.s32 $0xFFFFFFB0  }
0x69: {  	[tilespmem:s30], [sflag:$0x2] =	stream.linear.gather [hbm4b:s17+s4], $0x50, $0x38;
	[tilespmem:$0x18980] =	vst v63  }
0x6a: {  	_ =	swait.ge [sflag:s29], $0x50  }
0x6b: {  	[sflag:s29] =	ssyncset.done $0x0  }
0x6c: {  	[sflag:s29] =	ssyncadd.s32 $0xFFFFFFB0  }
0x6d: {  	[tilespmem:s1], [sflag:$0x1] =	stream.indirect.gather [hbm4b:s5+s31], $0x80, s4, s31, $0xb8;
	[tilespmem:$0x18980] =	vst v63  }
0x6e: {  	_ =	swait.ge [sflag:s0], $0x2800  }
0x6f: {  	[sflag:s0] =	ssyncset.done $0x0  }
0x70: {  	[sflag:s0] =	ssyncadd.s32 $0xFFFFD800  }
0x71: {  	[spmem:s3] =	stream.indirect.scatter.add.f32 [tilespmem:s1], [sflag:$0x2], $0x80, s30, s31, $0xb8;
	[tilespmem:$0x18980] =	vst v63  }
0x72: {  	_ =	swait.ge [sflag:s29], $0x2800  }
0x73: {  	[sflag:s29] =	ssyncset.done $0x0  }
0x74: {  	[sflag:s29] =	ssyncadd.s32 $0xFFFFD800  }
0x75: {  	[bflag:$0x0] =	sbarrier.arrive $0xFFFF  }
0x76: {  	[tilespmem:s28], [sflag:$0x2] =	stream.linear.gather [spmem:s7], $0x2800, $0x38;
	[tilespmem:$0x18980] =	vst v63  }
0x77: {  	_ =	swait.ge [sflag:s29], $0x2800  }
0x78: {  	[sflag:s29] =	ssyncset.done $0x0  }
0x79: {  	s18 =	rddreg [dreg:$0x7];
	[sflag:s29] =	ssyncadd.s32 $0xFFFFD800  }
0x7a: {  	[hbm4b:s18+s4] =	stream.linear.scatter [tilespmem:s28], [sflag:$0x2], $0x2800, $0x38;
	[tilespmem:$0x18980] =	vst v63  }
0x7b: {  	_ =	swait.ge [sflag:s29], $0x2800  }
0x7c: {  	[sflag:s29] =	ssyncset.done $0x0  }
0x7d: {  	[sflag:s29] =	ssyncadd.s32 $0xFFFFD800  }
0x7e: {  	[tilespmem:s28], [sflag:$0x2] =	stream.linear.gather [spmem:s8], $0x2800, $0x38;
	[tilespmem:$0x18980] =	vst v63  }
0x7f: {  	_ =	swait.ge [sflag:s29], $0x2800  }
0x80: {  	[sflag:s29] =	ssyncset.done $0x0  }
0x81: {  	s19 =	rddreg [dreg:$0x8];
	[sflag:s29] =	ssyncadd.s32 $0xFFFFD800  }
0x82: {  	[hbm4b:s19+s4] =	stream.linear.scatter [tilespmem:s28], [sflag:$0x2], $0x2800, $0x38;
	[tilespmem:$0x18980] =	vst v63  }
0x83: {  	_ =	swait.ge [sflag:s29], $0x2800  }
0x84: {  	[sflag:s29] =	ssyncset.done $0x0  }
0x85: {  	[sflag:s29] =	ssyncadd.s32 $0xFFFFD800  }
0x86: {  	[tilespmem:s28], [sflag:$0x2] =	stream.linear.gather [spmem:s9], $0x2800, $0x38;
	[tilespmem:$0x18980] =	vst v63  }
0x87: {  	_ =	swait.ge [sflag:s29], $0x2800  }
0x88: {  	[sflag:s29] =	ssyncset.done $0x0  }
0x89: {  	[sflag:s29] =	ssyncadd.s32 $0xFFFFD800  }
0x8a: {  	[hbm4b:s20+s4] =	stream.linear.scatter [tilespmem:s28], [sflag:$0x2], $0x2800, $0x38;
	[tilespmem:$0x18980] =	vst v63  }
0x8b: {  	_ =	swait.ge [sflag:s29], $0x2800  }
0x8c: {  	[sflag:s29] =	ssyncset.done $0x0  }
0x8d: {  	[sflag:s29] =	ssyncadd.s32 $0xFFFFD800  }
0x8e: {  	[tilespmem:s28], [sflag:$0x2] =	stream.linear.gather [spmem:s10], $0x2800, $0x38;
	[tilespmem:$0x18980] =	vst v63  }
0x8f: {  	_ =	swait.ge [sflag:s29], $0x2800  }
0x90: {  	[sflag:s29] =	ssyncset.done $0x0  }
0x91: {  	[sflag:s29] =	ssyncadd.s32 $0xFFFFD800  }
0x92: {  	[hbm4b:s21+s4] =	stream.linear.scatter [tilespmem:s28], [sflag:$0x2], $0x2800, $0x38;
	[tilespmem:$0x18980] =	vst v63  }
0x93: {  	_ =	swait.ge [sflag:s29], $0x2800  }
0x94: {  	[sflag:s29] =	ssyncset.done $0x0  }
0x95: {  	[sflag:s29] =	ssyncadd.s32 $0xFFFFD800  }
0x96: {  	[tilespmem:s28], [sflag:$0x2] =	stream.linear.gather [spmem:s11], $0x2800, $0x38;
	[tilespmem:$0x18980] =	vst v63  }
0x97: {  	_ =	swait.ge [sflag:s29], $0x2800  }
0x98: {  	[sflag:s29] =	ssyncset.done $0x0  }
0x99: {  	[sflag:s29] =	ssyncadd.s32 $0xFFFFD800  }
0x9a: {  	[hbm4b:s22+s4] =	stream.linear.scatter [tilespmem:s28], [sflag:$0x2], $0x2800, $0x38;
	[tilespmem:$0x18980] =	vst v63  }
0x9b: {  	_ =	swait.ge [sflag:s29], $0x2800  }
0x9c: {  	[sflag:s29] =	ssyncset.done $0x0  }
0x9d: {  	s2 =	simm.s32 @!p0 $0x2900;
	s16 =	simm.s32 @!p0 $0x2;
	[sflag:s29] =	ssyncadd.s32 $0xFFFFD800  }
0x9e: {  	[tilespmem:s2], [sflag:$0x2] =	stream.linear.gather @!p0 [spmem:s15], $0x2800, $0x38;
	[tilespmem:$0x18980] =	vst v63  }
0x9f: {  	_ =	swait.ge @!p0 [sflag:s16], $0x2800  }
0xa0: {  	[sflag:s16] =	ssyncset.done @!p0 $0x0  }
0xa1: {  	s17 =	simm.s32 @!p0 $0x0;
	[sflag:s16] =	ssyncadd.s32 @!p0 $0xFFFFD800  }
0xa2: {  	[hbm4b:s23+s17] =	stream.linear.scatter @!p0 [tilespmem:s2], [sflag:$0x2], $0x2800, $0x38;
	[tilespmem:$0x18980] =	vst v63  }
0xa3: {  	_ =	swait.ge @!p0 [sflag:s16], $0x2800  }
0xa4: {  	s18 =	sshll.u32 @!p0 s12, $0x7;
	[sflag:s16] =	ssyncset.done @!p0 $0x0  }
0xa5: {  	s18 =	sadd.s32 @!p0 s18, s3;
	[sflag:s16] =	ssyncadd.s32 @!p0 $0xFFFFD800  }
0xa6: {  	[tilespmem:s2], [sflag:$0x2] =	stream.linear.gather @!p0 [spmem:s18], $0x2800, $0x38;
	[tilespmem:$0x18980] =	vst v63  }
0xa7: {  	_ =	swait.ge @!p0 [sflag:s16], $0x2800  }
0xa8: {  	[sflag:s16] =	ssyncset.done @!p0 $0x0  }
0xa9: {  	s18 =	sadd.s32 @!p0 s14, s12;
	[sflag:s16] =	ssyncadd.s32 @!p0 $0xFFFFD800  }
0xaa: {  	s18 =	sshll.u32 @!p0 s18, $0x4;
	s19 =	rddreg [dreg:$0x1]  }
0xab: {  	s18 =	sadd.s32 @!p0 s19, s18  }
0xac: {  	[hbm4b:s18+s17] =	stream.linear.scatter @!p0 [tilespmem:s2], [sflag:$0x2], $0x2800, $0x38;
	[tilespmem:$0x18980] =	vst v63  }
0xad: {  	_ =	swait.ge @!p0 [sflag:s16], $0x2800  }
0xae: {  	s18 =	sshll.u32 @!p0 s13, $0x7;
	[sflag:s16] =	ssyncset.done @!p0 $0x0  }
0xaf: {  	s18 =	sadd.s32 @!p0 s18, s3;
	[sflag:s16] =	ssyncadd.s32 @!p0 $0xFFFFD800  }
0xb0: {  	[tilespmem:s2], [sflag:$0x2] =	stream.linear.gather @!p0 [spmem:s18], $0x2800, $0x38;
	[tilespmem:$0x18980] =	vst v63  }
0xb1: {  	s6 =	sadd.s32 $0x1, s6;
	s18 =	sadd.s32 @!p0 s14, s13;
	_ =	swait.ge @!p0 [sflag:s16], $0x2800  }
0xb2: {  	p1 =	sne.s32 s6, s24;
	s18 =	sshll.u32 @!p0 s18, $0x4;
	[sflag:s16] =	ssyncset.done @!p0 $0x0  }
.Ltmp1:
0xb3: {  	s18 =	sadd.s32 @!p0 s19, s18;
	[sflag:s16] =	ssyncadd.s32 @!p0 $0xFFFFD800;
	(pc) =	sbr.rel @p1 .LBB2_1-.Ltmp1, $4  }
0xb4: {  	[hbm4b:s18+s17] =	stream.linear.scatter @!p0 [tilespmem:s2], [sflag:$0x2], $0x2800, $0x38;
	[tilespmem:$0x18980] =	vst v63  }
0xb5: {  	_ =	swait.ge @!p0 [sflag:s16], $0x2800  }
0xb6: {  	[sflag:s16] =	ssyncset.done @!p0 $0x0  }
0xb7: {  	[sflag:s16] =	ssyncadd.s32 @!p0 $0xFFFFD800  }
0xb8: {  	_ =	sfence.sel $0x180000  }
0xb9: {  	[bflag:$0x0] =	sbarrier.arrive $0xFFFF  }
0xba: {  	_ =	strace $0x9000004D  }
0xbb: {  	s0 =	stileid.u32;
	[bflag:$0x2] =	sbarrier.arrive $0xFFFF  }
0xbc: {  	p0 =	sne.s32 s0, $0x0;
	s0 =	rddreg [dreg:$0x3]  }
0xbd: {  	s0 =	sadd.s32 @!p0 $0x100000, s0  }
0xbe: {  	[sflag:s0] =	ssyncadd.tile.s32 @!p0 $0x1;
	_ =	shalt  }
.Lfunc_end2:
_tile_overlayer_lowered:
.L_overlay_start_2:
0xbf: {  	(tag) =	ssettag $0x2  }
0xc0: {  	s0 =	rddreg [dreg:$0x0];
	s2 =	stileid.u32  }
0xc1: {  	s1 =	rddreg [dreg:$0x1];
	p0 =	sne.s32 s2, $0x0  }
0xc2: {  	s3 =	rddreg [dreg:$0x2];
	[bflag:$0x3] =	sbarrier.arrive $0xFFFF;
	s2 =	simm.s32 @!p0 $0x1C02  }
0xc3: {  	[timem:s3], [sflag:s2] =	dma.local @!p0 [hbm:s0], s1  }
0xc4: {  	s0 =	simm.s32 @!p0 $0x2  }
0xc5: {  	_ =	swait.ge @!p0 [sflag:s0], s1  }
0xc6: {  	s1 =	ssub.s32 @!p0 $0x0, s1;
	[sflag:s0] =	ssyncset.done @!p0 $0x0  }
0xc7: {  	[sflag:s0] =	ssyncadd.s32 @!p0 s1  }
0xc8: {  	[bflag:$0x3] =	sbarrier.arrive $0xFFFF  }
0xc9: {  	_ =	shalt  }

</sc_bundles>
